<compile_context>
chip_gen: v7x
topology: tpu7x:2x2x1
jax: 0.10.2.dev20260603
libtpu: 0.0.44.dev20260713+nightly
codegen_flags: <defaults>
</compile_context>

<pallas_src>
import jax
import jax.numpy as jnp
from jax import lax
from jax.experimental import pallas as pl
from jax.experimental.pallas import tpu as pltpu
from jax.experimental.pallas import tpu_sc as plsc

B = 16384
F = 26
FIELD = 40000
TOTAL_VOCAB = F * FIELD
NC = 2
NS = 16
L = 16
NW = NC * NS
BPW = B // NW
PER_W = F * BPW
NCHUNK = BPW // L
VSLICE = 65024
VLAST = TOTAL_VOCAB - (NS - 1) * VSLICE


def _sc_body(x_hbm, w_hbm, table_hbm, bias_hbm, out_hbm,
             idx_v, w_v, val_v, out_v, bias_v, spmem_t, sem, sem2, semw):
    c = lax.axis_index("c")
    s = lax.axis_index("s")
    wid = s * NC + c
    base = wid * BPW

    @pl.when(s < NS - 1)
    def _stage_main():
        pltpu.make_async_copy(
            table_hbm.at[0, pl.ds(s * VSLICE, VSLICE)],
            spmem_t.at[0, pl.ds(s * VSLICE, VSLICE)], sem2).start()

    @pl.when(s == NS - 1)
    def _stage_last():
        pltpu.make_async_copy(
            table_hbm.at[0, pl.ds((NS - 1) * VSLICE, VLAST)],
            spmem_t.at[0, pl.ds((NS - 1) * VSLICE, VLAST)], sem2).start()

    xcopies, wcopies = [], []
    for f in range(F):
        xcopies.append(pltpu.make_async_copy(
            x_hbm.at[f, pl.ds(base, BPW)], idx_v.at[pl.ds(f * BPW, BPW)], sem))
        wcopies.append(pltpu.make_async_copy(
            w_hbm.at[0, pl.ds(f * B + base, BPW)], w_v.at[pl.ds(f * BPW, BPW)],
            semw))
    for cp in xcopies:
        cp.start()
    for cp in wcopies:
        cp.start()
    pltpu.sync_copy(bias_hbm, bias_v)
    for cp in xcopies:
        cp.wait()

    @pl.when(s < NS - 1)
    def _wait_main():
        pltpu.make_async_copy(
            table_hbm.at[0, pl.ds(s * VSLICE, VSLICE)],
            spmem_t.at[0, pl.ds(s * VSLICE, VSLICE)], sem2).wait()

    @pl.when(s == NS - 1)
    def _wait_last():
        pltpu.make_async_copy(
            table_hbm.at[0, pl.ds((NS - 1) * VSLICE, VLAST)],
            spmem_t.at[0, pl.ds((NS - 1) * VSLICE, VLAST)], sem2).wait()

    FH = F // 2

    def _offsets(flo, fhi):
        def _addf(f, _):
            off = f * jnp.int32(FIELD)
            fb = f * BPW

            def _add(i, _, off=off, fb=fb):
                sl = pl.ds(fb + i * L, L)
                idx_v[sl] = idx_v[sl] + off
                return _

            return lax.fori_loop(0, NCHUNK, _add, _, unroll=4)

        lax.fori_loop(max(flo, 1), fhi, _addf, 0)

    _offsets(0, FH)

    plsc.subcore_barrier()
    g1 = pltpu.make_async_copy(
        spmem_t.at[0].at[idx_v.at[pl.ds(0, FH * BPW)]],
        val_v.at[pl.ds(0, FH * BPW)], sem)
    g1.start()
    _offsets(FH, F)
    g2 = pltpu.make_async_copy(
        spmem_t.at[0].at[idx_v.at[pl.ds(FH * BPW, (F - FH) * BPW)]],
        val_v.at[pl.ds(FH * BPW, (F - FH) * BPW)], sem)
    g2.start()
    for cp in wcopies:
        cp.wait()
    g1.wait()

    def _reduce_a(i, _):
        sl0 = pl.ds(i * L, L)
        acc0 = bias_v[...] + val_v[sl0] * w_v[sl0]
        sl1 = pl.ds(BPW + i * L, L)
        acc1 = val_v[sl1] * w_v[sl1]
        for f in range(2, FH):
            sl = pl.ds(f * BPW + i * L, L)
            if f % 2 == 0:
                acc0 = acc0 + val_v[sl] * w_v[sl]
            else:
                acc1 = acc1 + val_v[sl] * w_v[sl]
        out_v[sl0] = acc0 + acc1
        return _

    lax.fori_loop(0, NCHUNK, _reduce_a, 0)
    g2.wait()

    def _reduce_b(i, _):
        sl0 = pl.ds(i * L, L)
        acc0 = out_v[sl0]
        slh = pl.ds(FH * BPW + i * L, L)
        acc1 = val_v[slh] * w_v[slh]
        for f in range(FH + 1, F):
            sl = pl.ds(f * BPW + i * L, L)
            if f % 2 == 0:
                acc0 = acc0 + val_v[sl] * w_v[sl]
            else:
                acc1 = acc1 + val_v[sl] * w_v[sl]
        out_v[sl0] = acc0 + acc1
        return _

    lax.fori_loop(0, NCHUNK, _reduce_b, 0)

    pltpu.sync_copy(out_v, out_hbm.at[pl.ds(base, BPW)])


@jax.jit
def kernel(x, weight, fc_table, bias):
    x_t = x.astype(jnp.int32).T
    w_t = lax.reshape(weight, (1, B * F), dimensions=(2, 1, 0))
    table2 = fc_table.reshape(1, TOTAL_VOCAB)
    bias16 = jnp.broadcast_to(bias.reshape(1), (L,))

    mesh = plsc.VectorSubcoreMesh(core_axis_name="c", subcore_axis_name="s")
    out = pl.kernel(
        _sc_body,
        mesh=mesh,
        out_type=jax.ShapeDtypeStruct((B,), jnp.float32),
        scratch_types=[
            pltpu.VMEM((PER_W,), jnp.int32),
            pltpu.VMEM((PER_W,), jnp.float32),
            pltpu.VMEM((PER_W,), jnp.float32),
            pltpu.VMEM((BPW,), jnp.float32),
            pltpu.VMEM((L,), jnp.float32),
            pltpu.VMEM_SHARED((1, TOTAL_VOCAB), jnp.float32),
            pltpu.SemaphoreType.DMA,
            pltpu.SemaphoreType.DMA,
            pltpu.SemaphoreType.DMA,
        ],
    )(x_t, w_t, table2, bias16)
    return out.reshape(B, 1)

# --- scband reference (transcript-rebuilt; emitter-appended) ---
"""Pipeline reference for scband-features-linear-weight-80814104641768 (READ-ONLY COPY).

The authoritative reference and input builder live on the scoring server;
editing this copy changes nothing except your own understanding.
"""

import jax, jax.numpy as jnp
import numpy as np

FIELD_DIMS = [40000] * 26
TOTAL_VOCAB = sum(FIELD_DIMS)  # 1,040,000
OUTPUT_DIM = 1
BATCH = 16384
NUM_FIELDS = 26


def setup_inputs(seed: int = 0) -> dict:
    key = jax.random.key(seed)
    k_x, k_w, k_t = jax.random.split(key, 3)
    # per-field indices in [0, field_dim) -- offsets are added inside reference
    x = jax.random.randint(k_x, (BATCH, NUM_FIELDS), 0, 40000, dtype=jnp.int64 if jax.config.jax_enable_x64 else jnp.int32)
    weight = jax.random.normal(k_w, (BATCH, NUM_FIELDS, OUTPUT_DIM), dtype=jnp.float32)
    fc_table = jax.random.normal(k_t, (TOTAL_VOCAB, OUTPUT_DIM), dtype=jnp.float32) * 0.01
    bias = jnp.zeros((OUTPUT_DIM,), dtype=jnp.float32)
    return {"x": x, "weight": weight, "fc_table": fc_table, "bias": bias}


def reference(x, weight, fc_table, bias):
    # offsets = (0, *cumsum(field_dims)[:-1])
    offsets = jnp.asarray(np.concatenate([[0], np.cumsum(FIELD_DIMS)[:-1]]).astype(np.int32))
    idx = x + offsets[None, :]                       # [B, F]
    emb = jnp.take(fc_table, idx, axis=0)            # [B, F, output_dim] gather
    out = jnp.sum(emb * weight, axis=1) + bias       # [B, output_dim]
    return out

if __name__ == "__main__":
    import jax
    _d = setup_inputs()
    print(jax.jit(kernel)(*tuple(_d.values())))

</pallas_src>

<mosaic_0001>
#map = affine_map<(d0, d1) -> (0, 0)>
#map1 = affine_map<(d0, d1) -> (0)>
module attributes {stable_mosaic.version = 14 : i64} {
  func.func @_sc_body(%arg0: i32, %arg1: i32, %arg2: memref<26x16384xi32, #tpu.memory_space<hbm>>, %arg3: memref<1x425984xf32, #tpu.memory_space<hbm>>, %arg4: memref<1x1040000xf32, #tpu.memory_space<hbm>>, %arg5: memref<16xf32, #tpu.memory_space<hbm>>, %arg6: memref<16384xf32, #tpu.memory_space<hbm>>, %arg7: memref<13312xi32, #tpu.memory_space<vmem>>, %arg8: memref<13312xf32, #tpu.memory_space<vmem>>, %arg9: memref<13312xf32, #tpu.memory_space<vmem>>, %arg10: memref<512xf32, #tpu.memory_space<vmem>>, %arg11: memref<16xf32, #tpu.memory_space<vmem>>, %arg12: memref<1x1040000xf32, #tpu.memory_space<vmem_shared>>, %arg13: memref<!tpu.dma_semaphore, #tpu.memory_space<semaphore_mem>>, %arg14: memref<!tpu.dma_semaphore, #tpu.memory_space<semaphore_mem>>, %arg15: memref<!tpu.dma_semaphore, #tpu.memory_space<semaphore_mem>>) attributes {dimension_semantics = [#tpu.dimension_semantics<core_parallel>, #tpu.dimension_semantics<subcore_parallel>], iteration_bounds = array<i64: 2, 16>, scalar_prefetch = 0 : i64, scratch_operands = 9 : i64, tpu.core_type = #tpu.core_type<sc_vector_subcore>, window_params = [{transform_indices = #map}, {transform_indices = #map}, {transform_indices = #map}, {transform_indices = #map1}, {transform_indices = #map1}]} {
    %mul3A = arith.constant 2 : i32
    %mul3A_0 = arith.muli %arg1, %mul3A : i32
    %add3A = arith.addi %mul3A_0, %arg0 : i32
    %mul3A_1 = arith.constant 512 : i32
    %mul3A_2 = arith.muli %add3A, %mul3A_1 : i32
    %lt3A = arith.constant 15 : i32
    %lt3A_3 = arith.cmpi slt, %arg1, %lt3A : i32
    %convert_element_type3A = arith.extui %lt3A_3 : i1 to i32
    %cond3A = arith.constant 0 : i32
    %cond3A_4 = arith.cmpi ne, %convert_element_type3A, %cond3A : i32
    scf.if %cond3A_4 {
      %mul3A_1068 = arith.constant 65024 : i32
      %mul3A_1069 = arith.muli %arg1, %mul3A_1068 : i32
      %mul3A_1070 = arith.constant 65024 : i32
      %mul3A_1071 = arith.muli %arg1, %mul3A_1070 : i32
      %dma_start3A_1072 = arith.constant 0 : i32
      %dma_start3A_1073 = arith.constant 0 : i32
      %dma_start3A_1074 = tpu.memref_slice %arg12[%dma_start3A_1073, %mul3A_1071] : memref<1x1040000xf32, #tpu.memory_space<vmem_shared>> -> memref<1x65024xf32, #tpu.memory_space<vmem_shared>>
      %dma_start3A_1075 = tpu.memref_squeeze %dma_start3A_1074 : memref<1x65024xf32, #tpu.memory_space<vmem_shared>> -> memref<65024xf32, #tpu.memory_space<vmem_shared>>
      %dma_start3A_1076 = tpu.memref_slice %arg4[%dma_start3A_1072, %mul3A_1069] : memref<1x1040000xf32, #tpu.memory_space<hbm>> -> memref<1x65024xf32, #tpu.memory_space<hbm>>
      %dma_start3A_1077 = tpu.memref_squeeze %dma_start3A_1076 : memref<1x65024xf32, #tpu.memory_space<hbm>> -> memref<65024xf32, #tpu.memory_space<hbm>>
      tpu.enqueue_dma source(%dma_start3A_1077 : memref<65024xf32, #tpu.memory_space<hbm>>) target(%dma_start3A_1075 : memref<65024xf32, #tpu.memory_space<vmem_shared>>) target_semaphore(%arg14 : memref<!tpu.dma_semaphore, #tpu.memory_space<semaphore_mem>>)
    } else {
    }
    %eq3A = arith.constant 15 : i32
    %eq3A_5 = arith.cmpi eq, %arg1, %eq3A : i32
    %convert_element_type3A_6 = arith.extui %eq3A_5 : i1 to i32
    %cond3A_7 = arith.constant 0 : i32
    %cond3A_8 = arith.cmpi ne, %convert_element_type3A_6, %cond3A_7 : i32
    scf.if %cond3A_8 {
      %dma_start3A_1068 = arith.constant 0 : i32
      %dma_start3A_1069 = arith.constant 0 : i32
      %dma_start3A_1070 = arith.constant 975360 : i32
      %dma_start3A_1071 = tpu.memref_slice %arg12[%dma_start3A_1069, %dma_start3A_1070] : memref<1x1040000xf32, #tpu.memory_space<vmem_shared>> -> memref<1x64640xf32, #tpu.memory_space<vmem_shared>>
      %dma_start3A_1072 = tpu.memref_squeeze %dma_start3A_1071 : memref<1x64640xf32, #tpu.memory_space<vmem_shared>> -> memref<64640xf32, #tpu.memory_space<vmem_shared>>
      %dma_start3A_1073 = arith.constant 975360 : i32
      %dma_start3A_1074 = tpu.memref_slice %arg4[%dma_start3A_1068, %dma_start3A_1073] : memref<1x1040000xf32, #tpu.memory_space<hbm>> -> memref<1x64640xf32, #tpu.memory_space<hbm>>
      %dma_start3A_1075 = tpu.memref_squeeze %dma_start3A_1074 : memref<1x64640xf32, #tpu.memory_space<hbm>> -> memref<64640xf32, #tpu.memory_space<hbm>>
      tpu.enqueue_dma source(%dma_start3A_1075 : memref<64640xf32, #tpu.memory_space<hbm>>) target(%dma_start3A_1072 : memref<64640xf32, #tpu.memory_space<vmem_shared>>) target_semaphore(%arg14 : memref<!tpu.dma_semaphore, #tpu.memory_space<semaphore_mem>>)
    } else {
    }
    %add3A_9 = arith.constant 0 : i32
    %add3A_10 = arith.addi %add3A_9, %mul3A_2 : i32
    %add3A_11 = arith.constant 16384 : i32
    %add3A_12 = arith.addi %add3A_11, %mul3A_2 : i32
    %add3A_13 = arith.constant 32768 : i32
    %add3A_14 = arith.addi %add3A_13, %mul3A_2 : i32
    %add3A_15 = arith.constant 49152 : i32
    %add3A_16 = arith.addi %add3A_15, %mul3A_2 : i32
    %add3A_17 = arith.constant 65536 : i32
    %add3A_18 = arith.addi %add3A_17, %mul3A_2 : i32
    %add3A_19 = arith.constant 81920 : i32
    %add3A_20 = arith.addi %add3A_19, %mul3A_2 : i32
    %add3A_21 = arith.constant 98304 : i32
    %add3A_22 = arith.addi %add3A_21, %mul3A_2 : i32
    %add3A_23 = arith.constant 114688 : i32
    %add3A_24 = arith.addi %add3A_23, %mul3A_2 : i32
    %add3A_25 = arith.constant 131072 : i32
    %add3A_26 = arith.addi %add3A_25, %mul3A_2 : i32
    %add3A_27 = arith.constant 147456 : i32
    %add3A_28 = arith.addi %add3A_27, %mul3A_2 : i32
    %add3A_29 = arith.constant 163840 : i32
    %add3A_30 = arith.addi %add3A_29, %mul3A_2 : i32
    %add3A_31 = arith.constant 180224 : i32
    %add3A_32 = arith.addi %add3A_31, %mul3A_2 : i32
    %add3A_33 = arith.constant 196608 : i32
    %add3A_34 = arith.addi %add3A_33, %mul3A_2 : i32
    %add3A_35 = arith.constant 212992 : i32
    %add3A_36 = arith.addi %add3A_35, %mul3A_2 : i32
    %add3A_37 = arith.constant 229376 : i32
    %add3A_38 = arith.addi %add3A_37, %mul3A_2 : i32
    %add3A_39 = arith.constant 245760 : i32
    %add3A_40 = arith.addi %add3A_39, %mul3A_2 : i32
    %add3A_41 = arith.constant 262144 : i32
    %add3A_42 = arith.addi %add3A_41, %mul3A_2 : i32
    %add3A_43 = arith.constant 278528 : i32
    %add3A_44 = arith.addi %add3A_43, %mul3A_2 : i32
    %add3A_45 = arith.constant 294912 : i32
    %add3A_46 = arith.addi %add3A_45, %mul3A_2 : i32
    %add3A_47 = arith.constant 311296 : i32
    %add3A_48 = arith.addi %add3A_47, %mul3A_2 : i32
    %add3A_49 = arith.constant 327680 : i32
    %add3A_50 = arith.addi %add3A_49, %mul3A_2 : i32
    %add3A_51 = arith.constant 344064 : i32
    %add3A_52 = arith.addi %add3A_51, %mul3A_2 : i32
    %add3A_53 = arith.constant 360448 : i32
    %add3A_54 = arith.addi %add3A_53, %mul3A_2 : i32
    %add3A_55 = arith.constant 376832 : i32
    %add3A_56 = arith.addi %add3A_55, %mul3A_2 : i32
    %add3A_57 = arith.constant 393216 : i32
    %add3A_58 = arith.addi %add3A_57, %mul3A_2 : i32
    %add3A_59 = arith.constant 409600 : i32
    %add3A_60 = arith.addi %add3A_59, %mul3A_2 : i32
    %dma_start3A = arith.constant 0 : i32
    %dma_start3A_61 = arith.constant 0 : i32
    %dma_start3A_62 = tpu.memref_slice %arg7[%dma_start3A_61] : memref<13312xi32, #tpu.memory_space<vmem>> -> memref<512xi32, #tpu.memory_space<vmem>>
    %dma_start3A_63 = tpu.memref_slice %arg2[%dma_start3A, %mul3A_2] : memref<26x16384xi32, #tpu.memory_space<hbm>> -> memref<1x512xi32, #tpu.memory_space<hbm>>
    %dma_start3A_64 = tpu.memref_squeeze %dma_start3A_63 : memref<1x512xi32, #tpu.memory_space<hbm>> -> memref<512xi32, #tpu.memory_space<hbm>>
    %dma_start3A_65 = arith.constant 0 : i32
    %dma_start3A_66 = tpu.memref_slice %arg7[%dma_start3A_65] : memref<13312xi32, #tpu.memory_space<vmem>> -> memref<512xi32, #tpu.memory_space<vmem>>
    %dma_start3A_67 = tpu.memref_slice %arg2[%dma_start3A, %mul3A_2] : memref<26x16384xi32, #tpu.memory_space<hbm>> -> memref<1x512xi32, #tpu.memory_space<hbm>>
    %dma_start3A_68 = tpu.memref_squeeze %dma_start3A_67 : memref<1x512xi32, #tpu.memory_space<hbm>> -> memref<512xi32, #tpu.memory_space<hbm>>
    tpu.enqueue_dma source(%dma_start3A_68 : memref<512xi32, #tpu.memory_space<hbm>>) target(%dma_start3A_66 : memref<512xi32, #tpu.memory_space<vmem>>) target_semaphore(%arg13 : memref<!tpu.dma_semaphore, #tpu.memory_space<semaphore_mem>>)
    %dma_start3A_69 = arith.constant 1 : i32
    %dma_start3A_70 = arith.constant 512 : i32
    %dma_start3A_71 = tpu.memref_slice %arg7[%dma_start3A_70] : memref<13312xi32, #tpu.memory_space<vmem>> -> memref<512xi32, #tpu.memory_space<vmem>>
    %dma_start3A_72 = tpu.memref_slice %arg2[%dma_start3A_69, %mul3A_2] : memref<26x16384xi32, #tpu.memory_space<hbm>> -> memref<1x512xi32, #tpu.memory_space<hbm>>
    %dma_start3A_73 = tpu.memref_squeeze %dma_start3A_72 : memref<1x512xi32, #tpu.memory_space<hbm>> -> memref<512xi32, #tpu.memory_space<hbm>>
    %dma_start3A_74 = arith.constant 512 : i32
    %dma_start3A_75 = tpu.memref_slice %arg7[%dma_start3A_74] : memref<13312xi32, #tpu.memory_space<vmem>> -> memref<512xi32, #tpu.memory_space<vmem>>
    %dma_start3A_76 = tpu.memref_slice %arg2[%dma_start3A_69, %mul3A_2] : memref<26x16384xi32, #tpu.memory_space<hbm>> -> memref<1x512xi32, #tpu.memory_space<hbm>>
    %dma_start3A_77 = tpu.memref_squeeze %dma_start3A_76 : memref<1x512xi32, #tpu.memory_space<hbm>> -> memref<512xi32, #tpu.memory_space<hbm>>
    tpu.enqueue_dma source(%dma_start3A_77 : memref<512xi32, #tpu.memory_space<hbm>>) target(%dma_start3A_75 : memref<512xi32, #tpu.memory_space<vmem>>) target_semaphore(%arg13 : memref<!tpu.dma_semaphore, #tpu.memory_space<semaphore_mem>>)
    %dma_start3A_78 = arith.constant 2 : i32
    %dma_start3A_79 = arith.constant 1024 : i32
    %dma_start3A_80 = tpu.memref_slice %arg7[%dma_start3A_79] : memref<13312xi32, #tpu.memory_space<vmem>> -> memref<512xi32, #tpu.memory_space<vmem>>
    %dma_start3A_81 = tpu.memref_slice %arg2[%dma_start3A_78, %mul3A_2] : memref<26x16384xi32, #tpu.memory_space<hbm>> -> memref<1x512xi32, #tpu.memory_space<hbm>>
    %dma_start3A_82 = tpu.memref_squeeze %dma_start3A_81 : memref<1x512xi32, #tpu.memory_space<hbm>> -> memref<512xi32, #tpu.memory_space<hbm>>
    %dma_start3A_83 = arith.constant 1024 : i32
    %dma_start3A_84 = tpu.memref_slice %arg7[%dma_start3A_83] : memref<13312xi32, #tpu.memory_space<vmem>> -> memref<512xi32, #tpu.memory_space<vmem>>
    %dma_start3A_85 = tpu.memref_slice %arg2[%dma_start3A_78, %mul3A_2] : memref<26x16384xi32, #tpu.memory_space<hbm>> -> memref<1x512xi32, #tpu.memory_space<hbm>>
    %dma_start3A_86 = tpu.memref_squeeze %dma_start3A_85 : memref<1x512xi32, #tpu.memory_space<hbm>> -> memref<512xi32, #tpu.memory_space<hbm>>
    tpu.enqueue_dma source(%dma_start3A_86 : memref<512xi32, #tpu.memory_space<hbm>>) target(%dma_start3A_84 : memref<512xi32, #tpu.memory_space<vmem>>) target_semaphore(%arg13 : memref<!tpu.dma_semaphore, #tpu.memory_space<semaphore_mem>>)
    %dma_start3A_87 = arith.constant 3 : i32
    %dma_start3A_88 = arith.constant 1536 : i32
    %dma_start3A_89 = tpu.memref_slice %arg7[%dma_start3A_88] : memref<13312xi32, #tpu.memory_space<vmem>> -> memref<512xi32, #tpu.memory_space<vmem>>
    %dma_start3A_90 = tpu.memref_slice %arg2[%dma_start3A_87, %mul3A_2] : memref<26x16384xi32, #tpu.memory_space<hbm>> -> memref<1x512xi32, #tpu.memory_space<hbm>>
    %dma_start3A_91 = tpu.memref_squeeze %dma_start3A_90 : memref<1x512xi32, #tpu.memory_space<hbm>> -> memref<512xi32, #tpu.memory_space<hbm>>
    %dma_start3A_92 = arith.constant 1536 : i32
    %dma_start3A_93 = tpu.memref_slice %arg7[%dma_start3A_92] : memref<13312xi32, #tpu.memory_space<vmem>> -> memref<512xi32, #tpu.memory_space<vmem>>
    %dma_start3A_94 = tpu.memref_slice %arg2[%dma_start3A_87, %mul3A_2] : memref<26x16384xi32, #tpu.memory_space<hbm>> -> memref<1x512xi32, #tpu.memory_space<hbm>>
    %dma_start3A_95 = tpu.memref_squeeze %dma_start3A_94 : memref<1x512xi32, #tpu.memory_space<hbm>> -> memref<512xi32, #tpu.memory_space<hbm>>
    tpu.enqueue_dma source(%dma_start3A_95 : memref<512xi32, #tpu.memory_space<hbm>>) target(%dma_start3A_93 : memref<512xi32, #tpu.memory_space<vmem>>) target_semaphore(%arg13 : memref<!tpu.dma_semaphore, #tpu.memory_space<semaphore_mem>>)
    %dma_start3A_96 = arith.constant 4 : i32
    %dma_start3A_97 = arith.constant 2048 : i32
    %dma_start3A_98 = tpu.memref_slice %arg7[%dma_start3A_97] : memref<13312xi32, #tpu.memory_space<vmem>> -> memref<512xi32, #tpu.memory_space<vmem>>
    %dma_start3A_99 = tpu.memref_slice %arg2[%dma_start3A_96, %mul3A_2] : memref<26x16384xi32, #tpu.memory_space<hbm>> -> memref<1x512xi32, #tpu.memory_space<hbm>>
    %dma_start3A_100 = tpu.memref_squeeze %dma_start3A_99 : memref<1x512xi32, #tpu.memory_space<hbm>> -> memref<512xi32, #tpu.memory_space<hbm>>
    %dma_start3A_101 = arith.constant 2048 : i32
    %dma_start3A_102 = tpu.memref_slice %arg7[%dma_start3A_101] : memref<13312xi32, #tpu.memory_space<vmem>> -> memref<512xi32, #tpu.memory_space<vmem>>
    %dma_start3A_103 = tpu.memref_slice %arg2[%dma_start3A_96, %mul3A_2] : memref<26x16384xi32, #tpu.memory_space<hbm>> -> memref<1x512xi32, #tpu.memory_space<hbm>>
    %dma_start3A_104 = tpu.memref_squeeze %dma_start3A_103 : memref<1x512xi32, #tpu.memory_space<hbm>> -> memref<512xi32, #tpu.memory_space<hbm>>
    tpu.enqueue_dma source(%dma_start3A_104 : memref<512xi32, #tpu.memory_space<hbm>>) target(%dma_start3A_102 : memref<512xi32, #tpu.memory_space<vmem>>) target_semaphore(%arg13 : memref<!tpu.dma_semaphore, #tpu.memory_space<semaphore_mem>>)
    %dma_start3A_105 = arith.constant 5 : i32
    %dma_start3A_106 = arith.constant 2560 : i32
    %dma_start3A_107 = tpu.memref_slice %arg7[%dma_start3A_106] : memref<13312xi32, #tpu.memory_space<vmem>> -> memref<512xi32, #tpu.memory_space<vmem>>
    %dma_start3A_108 = tpu.memref_slice %arg2[%dma_start3A_105, %mul3A_2] : memref<26x16384xi32, #tpu.memory_space<hbm>> -> memref<1x512xi32, #tpu.memory_space<hbm>>
    %dma_start3A_109 = tpu.memref_squeeze %dma_start3A_108 : memref<1x512xi32, #tpu.memory_space<hbm>> -> memref<512xi32, #tpu.memory_space<hbm>>
    %dma_start3A_110 = arith.constant 2560 : i32
    %dma_start3A_111 = tpu.memref_slice %arg7[%dma_start3A_110] : memref<13312xi32, #tpu.memory_space<vmem>> -> memref<512xi32, #tpu.memory_space<vmem>>
    %dma_start3A_112 = tpu.memref_slice %arg2[%dma_start3A_105, %mul3A_2] : memref<26x16384xi32, #tpu.memory_space<hbm>> -> memref<1x512xi32, #tpu.memory_space<hbm>>
    %dma_start3A_113 = tpu.memref_squeeze %dma_start3A_112 : memref<1x512xi32, #tpu.memory_space<hbm>> -> memref<512xi32, #tpu.memory_space<hbm>>
    tpu.enqueue_dma source(%dma_start3A_113 : memref<512xi32, #tpu.memory_space<hbm>>) target(%dma_start3A_111 : memref<512xi32, #tpu.memory_space<vmem>>) target_semaphore(%arg13 : memref<!tpu.dma_semaphore, #tpu.memory_space<semaphore_mem>>)
    %dma_start3A_114 = arith.constant 6 : i32
    %dma_start3A_115 = arith.constant 3072 : i32
    %dma_start3A_116 = tpu.memref_slice %arg7[%dma_start3A_115] : memref<13312xi32, #tpu.memory_space<vmem>> -> memref<512xi32, #tpu.memory_space<vmem>>
    %dma_start3A_117 = tpu.memref_slice %arg2[%dma_start3A_114, %mul3A_2] : memref<26x16384xi32, #tpu.memory_space<hbm>> -> memref<1x512xi32, #tpu.memory_space<hbm>>
    %dma_start3A_118 = tpu.memref_squeeze %dma_start3A_117 : memref<1x512xi32, #tpu.memory_space<hbm>> -> memref<512xi32, #tpu.memory_space<hbm>>
    %dma_start3A_119 = arith.constant 3072 : i32
    %dma_start3A_120 = tpu.memref_slice %arg7[%dma_start3A_119] : memref<13312xi32, #tpu.memory_space<vmem>> -> memref<512xi32, #tpu.memory_space<vmem>>
    %dma_start3A_121 = tpu.memref_slice %arg2[%dma_start3A_114, %mul3A_2] : memref<26x16384xi32, #tpu.memory_space<hbm>> -> memref<1x512xi32, #tpu.memory_space<hbm>>
    %dma_start3A_122 = tpu.memref_squeeze %dma_start3A_121 : memref<1x512xi32, #tpu.memory_space<hbm>> -> memref<512xi32, #tpu.memory_space<hbm>>
    tpu.enqueue_dma source(%dma_start3A_122 : memref<512xi32, #tpu.memory_space<hbm>>) target(%dma_start3A_120 : memref<512xi32, #tpu.memory_space<vmem>>) target_semaphore(%arg13 : memref<!tpu.dma_semaphore, #tpu.memory_space<semaphore_mem>>)
    %dma_start3A_123 = arith.constant 7 : i32
    %dma_start3A_124 = arith.constant 3584 : i32
    %dma_start3A_125 = tpu.memref_slice %arg7[%dma_start3A_124] : memref<13312xi32, #tpu.memory_space<vmem>> -> memref<512xi32, #tpu.memory_space<vmem>>
    %dma_start3A_126 = tpu.memref_slice %arg2[%dma_start3A_123, %mul3A_2] : memref<26x16384xi32, #tpu.memory_space<hbm>> -> memref<1x512xi32, #tpu.memory_space<hbm>>
    %dma_start3A_127 = tpu.memref_squeeze %dma_start3A_126 : memref<1x512xi32, #tpu.memory_space<hbm>> -> memref<512xi32, #tpu.memory_space<hbm>>
    %dma_start3A_128 = arith.constant 3584 : i32
    %dma_start3A_129 = tpu.memref_slice %arg7[%dma_start3A_128] : memref<13312xi32, #tpu.memory_space<vmem>> -> memref<512xi32, #tpu.memory_space<vmem>>
    %dma_start3A_130 = tpu.memref_slice %arg2[%dma_start3A_123, %mul3A_2] : memref<26x16384xi32, #tpu.memory_space<hbm>> -> memref<1x512xi32, #tpu.memory_space<hbm>>
    %dma_start3A_131 = tpu.memref_squeeze %dma_start3A_130 : memref<1x512xi32, #tpu.memory_space<hbm>> -> memref<512xi32, #tpu.memory_space<hbm>>
    tpu.enqueue_dma source(%dma_start3A_131 : memref<512xi32, #tpu.memory_space<hbm>>) target(%dma_start3A_129 : memref<512xi32, #tpu.memory_space<vmem>>) target_semaphore(%arg13 : memref<!tpu.dma_semaphore, #tpu.memory_space<semaphore_mem>>)
    %dma_start3A_132 = arith.constant 8 : i32
    %dma_start3A_133 = arith.constant 4096 : i32
    %dma_start3A_134 = tpu.memref_slice %arg7[%dma_start3A_133] : memref<13312xi32, #tpu.memory_space<vmem>> -> memref<512xi32, #tpu.memory_space<vmem>>
    %dma_start3A_135 = tpu.memref_slice %arg2[%dma_start3A_132, %mul3A_2] : memref<26x16384xi32, #tpu.memory_space<hbm>> -> memref<1x512xi32, #tpu.memory_space<hbm>>
    %dma_start3A_136 = tpu.memref_squeeze %dma_start3A_135 : memref<1x512xi32, #tpu.memory_space<hbm>> -> memref<512xi32, #tpu.memory_space<hbm>>
    %dma_start3A_137 = arith.constant 4096 : i32
    %dma_start3A_138 = tpu.memref_slice %arg7[%dma_start3A_137] : memref<13312xi32, #tpu.memory_space<vmem>> -> memref<512xi32, #tpu.memory_space<vmem>>
    %dma_start3A_139 = tpu.memref_slice %arg2[%dma_start3A_132, %mul3A_2] : memref<26x16384xi32, #tpu.memory_space<hbm>> -> memref<1x512xi32, #tpu.memory_space<hbm>>
    %dma_start3A_140 = tpu.memref_squeeze %dma_start3A_139 : memref<1x512xi32, #tpu.memory_space<hbm>> -> memref<512xi32, #tpu.memory_space<hbm>>
    tpu.enqueue_dma source(%dma_start3A_140 : memref<512xi32, #tpu.memory_space<hbm>>) target(%dma_start3A_138 : memref<512xi32, #tpu.memory_space<vmem>>) target_semaphore(%arg13 : memref<!tpu.dma_semaphore, #tpu.memory_space<semaphore_mem>>)
    %dma_start3A_141 = arith.constant 9 : i32
    %dma_start3A_142 = arith.constant 4608 : i32
    %dma_start3A_143 = tpu.memref_slice %arg7[%dma_start3A_142] : memref<13312xi32, #tpu.memory_space<vmem>> -> memref<512xi32, #tpu.memory_space<vmem>>
    %dma_start3A_144 = tpu.memref_slice %arg2[%dma_start3A_141, %mul3A_2] : memref<26x16384xi32, #tpu.memory_space<hbm>> -> memref<1x512xi32, #tpu.memory_space<hbm>>
    %dma_start3A_145 = tpu.memref_squeeze %dma_start3A_144 : memref<1x512xi32, #tpu.memory_space<hbm>> -> memref<512xi32, #tpu.memory_space<hbm>>
    %dma_start3A_146 = arith.constant 4608 : i32
    %dma_start3A_147 = tpu.memref_slice %arg7[%dma_start3A_146] : memref<13312xi32, #tpu.memory_space<vmem>> -> memref<512xi32, #tpu.memory_space<vmem>>
    %dma_start3A_148 = tpu.memref_slice %arg2[%dma_start3A_141, %mul3A_2] : memref<26x16384xi32, #tpu.memory_space<hbm>> -> memref<1x512xi32, #tpu.memory_space<hbm>>
    %dma_start3A_149 = tpu.memref_squeeze %dma_start3A_148 : memref<1x512xi32, #tpu.memory_space<hbm>> -> memref<512xi32, #tpu.memory_space<hbm>>
    tpu.enqueue_dma source(%dma_start3A_149 : memref<512xi32, #tpu.memory_space<hbm>>) target(%dma_start3A_147 : memref<512xi32, #tpu.memory_space<vmem>>) target_semaphore(%arg13 : memref<!tpu.dma_semaphore, #tpu.memory_space<semaphore_mem>>)
    %dma_start3A_150 = arith.constant 10 : i32
    %dma_start3A_151 = arith.constant 5120 : i32
    %dma_start3A_152 = tpu.memref_slice %arg7[%dma_start3A_151] : memref<13312xi32, #tpu.memory_space<vmem>> -> memref<512xi32, #tpu.memory_space<vmem>>
    %dma_start3A_153 = tpu.memref_slice %arg2[%dma_start3A_150, %mul3A_2] : memref<26x16384xi32, #tpu.memory_space<hbm>> -> memref<1x512xi32, #tpu.memory_space<hbm>>
    %dma_start3A_154 = tpu.memref_squeeze %dma_start3A_153 : memref<1x512xi32, #tpu.memory_space<hbm>> -> memref<512xi32, #tpu.memory_space<hbm>>
    %dma_start3A_155 = arith.constant 5120 : i32
    %dma_start3A_156 = tpu.memref_slice %arg7[%dma_start3A_155] : memref<13312xi32, #tpu.memory_space<vmem>> -> memref<512xi32, #tpu.memory_space<vmem>>
    %dma_start3A_157 = tpu.memref_slice %arg2[%dma_start3A_150, %mul3A_2] : memref<26x16384xi32, #tpu.memory_space<hbm>> -> memref<1x512xi32, #tpu.memory_space<hbm>>
    %dma_start3A_158 = tpu.memref_squeeze %dma_start3A_157 : memref<1x512xi32, #tpu.memory_space<hbm>> -> memref<512xi32, #tpu.memory_space<hbm>>
    tpu.enqueue_dma source(%dma_start3A_158 : memref<512xi32, #tpu.memory_space<hbm>>) target(%dma_start3A_156 : memref<512xi32, #tpu.memory_space<vmem>>) target_semaphore(%arg13 : memref<!tpu.dma_semaphore, #tpu.memory_space<semaphore_mem>>)
    %dma_start3A_159 = arith.constant 11 : i32
    %dma_start3A_160 = arith.constant 5632 : i32
    %dma_start3A_161 = tpu.memref_slice %arg7[%dma_start3A_160] : memref<13312xi32, #tpu.memory_space<vmem>> -> memref<512xi32, #tpu.memory_space<vmem>>
    %dma_start3A_162 = tpu.memref_slice %arg2[%dma_start3A_159, %mul3A_2] : memref<26x16384xi32, #tpu.memory_space<hbm>> -> memref<1x512xi32, #tpu.memory_space<hbm>>
    %dma_start3A_163 = tpu.memref_squeeze %dma_start3A_162 : memref<1x512xi32, #tpu.memory_space<hbm>> -> memref<512xi32, #tpu.memory_space<hbm>>
    %dma_start3A_164 = arith.constant 5632 : i32
    %dma_start3A_165 = tpu.memref_slice %arg7[%dma_start3A_164] : memref<13312xi32, #tpu.memory_space<vmem>> -> memref<512xi32, #tpu.memory_space<vmem>>
    %dma_start3A_166 = tpu.memref_slice %arg2[%dma_start3A_159, %mul3A_2] : memref<26x16384xi32, #tpu.memory_space<hbm>> -> memref<1x512xi32, #tpu.memory_space<hbm>>
    %dma_start3A_167 = tpu.memref_squeeze %dma_start3A_166 : memref<1x512xi32, #tpu.memory_space<hbm>> -> memref<512xi32, #tpu.memory_space<hbm>>
    tpu.enqueue_dma source(%dma_start3A_167 : memref<512xi32, #tpu.memory_space<hbm>>) target(%dma_start3A_165 : memref<512xi32, #tpu.memory_space<vmem>>) target_semaphore(%arg13 : memref<!tpu.dma_semaphore, #tpu.memory_space<semaphore_mem>>)
    %dma_start3A_168 = arith.constant 12 : i32
    %dma_start3A_169 = arith.constant 6144 : i32
    %dma_start3A_170 = tpu.memref_slice %arg7[%dma_start3A_169] : memref<13312xi32, #tpu.memory_space<vmem>> -> memref<512xi32, #tpu.memory_space<vmem>>
    %dma_start3A_171 = tpu.memref_slice %arg2[%dma_start3A_168, %mul3A_2] : memref<26x16384xi32, #tpu.memory_space<hbm>> -> memref<1x512xi32, #tpu.memory_space<hbm>>
    %dma_start3A_172 = tpu.memref_squeeze %dma_start3A_171 : memref<1x512xi32, #tpu.memory_space<hbm>> -> memref<512xi32, #tpu.memory_space<hbm>>
    %dma_start3A_173 = arith.constant 6144 : i32
    %dma_start3A_174 = tpu.memref_slice %arg7[%dma_start3A_173] : memref<13312xi32, #tpu.memory_space<vmem>> -> memref<512xi32, #tpu.memory_space<vmem>>
    %dma_start3A_175 = tpu.memref_slice %arg2[%dma_start3A_168, %mul3A_2] : memref<26x16384xi32, #tpu.memory_space<hbm>> -> memref<1x512xi32, #tpu.memory_space<hbm>>
    %dma_start3A_176 = tpu.memref_squeeze %dma_start3A_175 : memref<1x512xi32, #tpu.memory_space<hbm>> -> memref<512xi32, #tpu.memory_space<hbm>>
    tpu.enqueue_dma source(%dma_start3A_176 : memref<512xi32, #tpu.memory_space<hbm>>) target(%dma_start3A_174 : memref<512xi32, #tpu.memory_space<vmem>>) target_semaphore(%arg13 : memref<!tpu.dma_semaphore, #tpu.memory_space<semaphore_mem>>)
    %dma_start3A_177 = arith.constant 13 : i32
    %dma_start3A_178 = arith.constant 6656 : i32
    %dma_start3A_179 = tpu.memref_slice %arg7[%dma_start3A_178] : memref<13312xi32, #tpu.memory_space<vmem>> -> memref<512xi32, #tpu.memory_space<vmem>>
    %dma_start3A_180 = tpu.memref_slice %arg2[%dma_start3A_177, %mul3A_2] : memref<26x16384xi32, #tpu.memory_space<hbm>> -> memref<1x512xi32, #tpu.memory_space<hbm>>
    %dma_start3A_181 = tpu.memref_squeeze %dma_start3A_180 : memref<1x512xi32, #tpu.memory_space<hbm>> -> memref<512xi32, #tpu.memory_space<hbm>>
    %dma_start3A_182 = arith.constant 6656 : i32
    %dma_start3A_183 = tpu.memref_slice %arg7[%dma_start3A_182] : memref<13312xi32, #tpu.memory_space<vmem>> -> memref<512xi32, #tpu.memory_space<vmem>>
    %dma_start3A_184 = tpu.memref_slice %arg2[%dma_start3A_177, %mul3A_2] : memref<26x16384xi32, #tpu.memory_space<hbm>> -> memref<1x512xi32, #tpu.memory_space<hbm>>
    %dma_start3A_185 = tpu.memref_squeeze %dma_start3A_184 : memref<1x512xi32, #tpu.memory_space<hbm>> -> memref<512xi32, #tpu.memory_space<hbm>>
    tpu.enqueue_dma source(%dma_start3A_185 : memref<512xi32, #tpu.memory_space<hbm>>) target(%dma_start3A_183 : memref<512xi32, #tpu.memory_space<vmem>>) target_semaphore(%arg13 : memref<!tpu.dma_semaphore, #tpu.memory_space<semaphore_mem>>)
    %dma_start3A_186 = arith.constant 14 : i32
    %dma_start3A_187 = arith.constant 7168 : i32
    %dma_start3A_188 = tpu.memref_slice %arg7[%dma_start3A_187] : memref<13312xi32, #tpu.memory_space<vmem>> -> memref<512xi32, #tpu.memory_space<vmem>>
    %dma_start3A_189 = tpu.memref_slice %arg2[%dma_start3A_186, %mul3A_2] : memref<26x16384xi32, #tpu.memory_space<hbm>> -> memref<1x512xi32, #tpu.memory_space<hbm>>
    %dma_start3A_190 = tpu.memref_squeeze %dma_start3A_189 : memref<1x512xi32, #tpu.memory_space<hbm>> -> memref<512xi32, #tpu.memory_space<hbm>>
    %dma_start3A_191 = arith.constant 7168 : i32
    %dma_start3A_192 = tpu.memref_slice %arg7[%dma_start3A_191] : memref<13312xi32, #tpu.memory_space<vmem>> -> memref<512xi32, #tpu.memory_space<vmem>>
    %dma_start3A_193 = tpu.memref_slice %arg2[%dma_start3A_186, %mul3A_2] : memref<26x16384xi32, #tpu.memory_space<hbm>> -> memref<1x512xi32, #tpu.memory_space<hbm>>
    %dma_start3A_194 = tpu.memref_squeeze %dma_start3A_193 : memref<1x512xi32, #tpu.memory_space<hbm>> -> memref<512xi32, #tpu.memory_space<hbm>>
    tpu.enqueue_dma source(%dma_start3A_194 : memref<512xi32, #tpu.memory_space<hbm>>) target(%dma_start3A_192 : memref<512xi32, #tpu.memory_space<vmem>>) target_semaphore(%arg13 : memref<!tpu.dma_semaphore, #tpu.memory_space<semaphore_mem>>)
    %dma_start3A_195 = arith.constant 15 : i32
    %dma_start3A_196 = arith.constant 7680 : i32
    %dma_start3A_197 = tpu.memref_slice %arg7[%dma_start3A_196] : memref<13312xi32, #tpu.memory_space<vmem>> -> memref<512xi32, #tpu.memory_space<vmem>>
    %dma_start3A_198 = tpu.memref_slice %arg2[%dma_start3A_195, %mul3A_2] : memref<26x16384xi32, #tpu.memory_space<hbm>> -> memref<1x512xi32, #tpu.memory_space<hbm>>
    %dma_start3A_199 = tpu.memref_squeeze %dma_start3A_198 : memref<1x512xi32, #tpu.memory_space<hbm>> -> memref<512xi32, #tpu.memory_space<hbm>>
    %dma_start3A_200 = arith.constant 7680 : i32
    %dma_start3A_201 = tpu.memref_slice %arg7[%dma_start3A_200] : memref<13312xi32, #tpu.memory_space<vmem>> -> memref<512xi32, #tpu.memory_space<vmem>>
    %dma_start3A_202 = tpu.memref_slice %arg2[%dma_start3A_195, %mul3A_2] : memref<26x16384xi32, #tpu.memory_space<hbm>> -> memref<1x512xi32, #tpu.memory_space<hbm>>
    %dma_start3A_203 = tpu.memref_squeeze %dma_start3A_202 : memref<1x512xi32, #tpu.memory_space<hbm>> -> memref<512xi32, #tpu.memory_space<hbm>>
    tpu.enqueue_dma source(%dma_start3A_203 : memref<512xi32, #tpu.memory_space<hbm>>) target(%dma_start3A_201 : memref<512xi32, #tpu.memory_space<vmem>>) target_semaphore(%arg13 : memref<!tpu.dma_semaphore, #tpu.memory_space<semaphore_mem>>)
    %dma_start3A_204 = arith.constant 16 : i32
    %dma_start3A_205 = arith.constant 8192 : i32
    %dma_start3A_206 = tpu.memref_slice %arg7[%dma_start3A_205] : memref<13312xi32, #tpu.memory_space<vmem>> -> memref<512xi32, #tpu.memory_space<vmem>>
    %dma_start3A_207 = tpu.memref_slice %arg2[%dma_start3A_204, %mul3A_2] : memref<26x16384xi32, #tpu.memory_space<hbm>> -> memref<1x512xi32, #tpu.memory_space<hbm>>
    %dma_start3A_208 = tpu.memref_squeeze %dma_start3A_207 : memref<1x512xi32, #tpu.memory_space<hbm>> -> memref<512xi32, #tpu.memory_space<hbm>>
    %dma_start3A_209 = arith.constant 8192 : i32
    %dma_start3A_210 = tpu.memref_slice %arg7[%dma_start3A_209] : memref<13312xi32, #tpu.memory_space<vmem>> -> memref<512xi32, #tpu.memory_space<vmem>>
    %dma_start3A_211 = tpu.memref_slice %arg2[%dma_start3A_204, %mul3A_2] : memref<26x16384xi32, #tpu.memory_space<hbm>> -> memref<1x512xi32, #tpu.memory_space<hbm>>
    %dma_start3A_212 = tpu.memref_squeeze %dma_start3A_211 : memref<1x512xi32, #tpu.memory_space<hbm>> -> memref<512xi32, #tpu.memory_space<hbm>>
    tpu.enqueue_dma source(%dma_start3A_212 : memref<512xi32, #tpu.memory_space<hbm>>) target(%dma_start3A_210 : memref<512xi32, #tpu.memory_space<vmem>>) target_semaphore(%arg13 : memref<!tpu.dma_semaphore, #tpu.memory_space<semaphore_mem>>)
    %dma_start3A_213 = arith.constant 17 : i32
    %dma_start3A_214 = arith.constant 8704 : i32
    %dma_start3A_215 = tpu.memref_slice %arg7[%dma_start3A_214] : memref<13312xi32, #tpu.memory_space<vmem>> -> memref<512xi32, #tpu.memory_space<vmem>>
    %dma_start3A_216 = tpu.memref_slice %arg2[%dma_start3A_213, %mul3A_2] : memref<26x16384xi32, #tpu.memory_space<hbm>> -> memref<1x512xi32, #tpu.memory_space<hbm>>
    %dma_start3A_217 = tpu.memref_squeeze %dma_start3A_216 : memref<1x512xi32, #tpu.memory_space<hbm>> -> memref<512xi32, #tpu.memory_space<hbm>>
    %dma_start3A_218 = arith.constant 8704 : i32
    %dma_start3A_219 = tpu.memref_slice %arg7[%dma_start3A_218] : memref<13312xi32, #tpu.memory_space<vmem>> -> memref<512xi32, #tpu.memory_space<vmem>>
    %dma_start3A_220 = tpu.memref_slice %arg2[%dma_start3A_213, %mul3A_2] : memref<26x16384xi32, #tpu.memory_space<hbm>> -> memref<1x512xi32, #tpu.memory_space<hbm>>
    %dma_start3A_221 = tpu.memref_squeeze %dma_start3A_220 : memref<1x512xi32, #tpu.memory_space<hbm>> -> memref<512xi32, #tpu.memory_space<hbm>>
    tpu.enqueue_dma source(%dma_start3A_221 : memref<512xi32, #tpu.memory_space<hbm>>) target(%dma_start3A_219 : memref<512xi32, #tpu.memory_space<vmem>>) target_semaphore(%arg13 : memref<!tpu.dma_semaphore, #tpu.memory_space<semaphore_mem>>)
    %dma_start3A_222 = arith.constant 18 : i32
    %dma_start3A_223 = arith.constant 9216 : i32
    %dma_start3A_224 = tpu.memref_slice %arg7[%dma_start3A_223] : memref<13312xi32, #tpu.memory_space<vmem>> -> memref<512xi32, #tpu.memory_space<vmem>>
    %dma_start3A_225 = tpu.memref_slice %arg2[%dma_start3A_222, %mul3A_2] : memref<26x16384xi32, #tpu.memory_space<hbm>> -> memref<1x512xi32, #tpu.memory_space<hbm>>
    %dma_start3A_226 = tpu.memref_squeeze %dma_start3A_225 : memref<1x512xi32, #tpu.memory_space<hbm>> -> memref<512xi32, #tpu.memory_space<hbm>>
    %dma_start3A_227 = arith.constant 9216 : i32
    %dma_start3A_228 = tpu.memref_slice %arg7[%dma_start3A_227] : memref<13312xi32, #tpu.memory_space<vmem>> -> memref<512xi32, #tpu.memory_space<vmem>>
    %dma_start3A_229 = tpu.memref_slice %arg2[%dma_start3A_222, %mul3A_2] : memref<26x16384xi32, #tpu.memory_space<hbm>> -> memref<1x512xi32, #tpu.memory_space<hbm>>
    %dma_start3A_230 = tpu.memref_squeeze %dma_start3A_229 : memref<1x512xi32, #tpu.memory_space<hbm>> -> memref<512xi32, #tpu.memory_space<hbm>>
    tpu.enqueue_dma source(%dma_start3A_230 : memref<512xi32, #tpu.memory_space<hbm>>) target(%dma_start3A_228 : memref<512xi32, #tpu.memory_space<vmem>>) target_semaphore(%arg13 : memref<!tpu.dma_semaphore, #tpu.memory_space<semaphore_mem>>)
    %dma_start3A_231 = arith.constant 19 : i32
    %dma_start3A_232 = arith.constant 9728 : i32
    %dma_start3A_233 = tpu.memref_slice %arg7[%dma_start3A_232] : memref<13312xi32, #tpu.memory_space<vmem>> -> memref<512xi32, #tpu.memory_space<vmem>>
    %dma_start3A_234 = tpu.memref_slice %arg2[%dma_start3A_231, %mul3A_2] : memref<26x16384xi32, #tpu.memory_space<hbm>> -> memref<1x512xi32, #tpu.memory_space<hbm>>
    %dma_start3A_235 = tpu.memref_squeeze %dma_start3A_234 : memref<1x512xi32, #tpu.memory_space<hbm>> -> memref<512xi32, #tpu.memory_space<hbm>>
    %dma_start3A_236 = arith.constant 9728 : i32
    %dma_start3A_237 = tpu.memref_slice %arg7[%dma_start3A_236] : memref<13312xi32, #tpu.memory_space<vmem>> -> memref<512xi32, #tpu.memory_space<vmem>>
    %dma_start3A_238 = tpu.memref_slice %arg2[%dma_start3A_231, %mul3A_2] : memref<26x16384xi32, #tpu.memory_space<hbm>> -> memref<1x512xi32, #tpu.memory_space<hbm>>
    %dma_start3A_239 = tpu.memref_squeeze %dma_start3A_238 : memref<1x512xi32, #tpu.memory_space<hbm>> -> memref<512xi32, #tpu.memory_space<hbm>>
    tpu.enqueue_dma source(%dma_start3A_239 : memref<512xi32, #tpu.memory_space<hbm>>) target(%dma_start3A_237 : memref<512xi32, #tpu.memory_space<vmem>>) target_semaphore(%arg13 : memref<!tpu.dma_semaphore, #tpu.memory_space<semaphore_mem>>)
    %dma_start3A_240 = arith.constant 20 : i32
    %dma_start3A_241 = arith.constant 10240 : i32
    %dma_start3A_242 = tpu.memref_slice %arg7[%dma_start3A_241] : memref<13312xi32, #tpu.memory_space<vmem>> -> memref<512xi32, #tpu.memory_space<vmem>>
    %dma_start3A_243 = tpu.memref_slice %arg2[%dma_start3A_240, %mul3A_2] : memref<26x16384xi32, #tpu.memory_space<hbm>> -> memref<1x512xi32, #tpu.memory_space<hbm>>
    %dma_start3A_244 = tpu.memref_squeeze %dma_start3A_243 : memref<1x512xi32, #tpu.memory_space<hbm>> -> memref<512xi32, #tpu.memory_space<hbm>>
    %dma_start3A_245 = arith.constant 10240 : i32
    %dma_start3A_246 = tpu.memref_slice %arg7[%dma_start3A_245] : memref<13312xi32, #tpu.memory_space<vmem>> -> memref<512xi32, #tpu.memory_space<vmem>>
    %dma_start3A_247 = tpu.memref_slice %arg2[%dma_start3A_240, %mul3A_2] : memref<26x16384xi32, #tpu.memory_space<hbm>> -> memref<1x512xi32, #tpu.memory_space<hbm>>
    %dma_start3A_248 = tpu.memref_squeeze %dma_start3A_247 : memref<1x512xi32, #tpu.memory_space<hbm>> -> memref<512xi32, #tpu.memory_space<hbm>>
    tpu.enqueue_dma source(%dma_start3A_248 : memref<512xi32, #tpu.memory_space<hbm>>) target(%dma_start3A_246 : memref<512xi32, #tpu.memory_space<vmem>>) target_semaphore(%arg13 : memref<!tpu.dma_semaphore, #tpu.memory_space<semaphore_mem>>)
    %dma_start3A_249 = arith.constant 21 : i32
    %dma_start3A_250 = arith.constant 10752 : i32
    %dma_start3A_251 = tpu.memref_slice %arg7[%dma_start3A_250] : memref<13312xi32, #tpu.memory_space<vmem>> -> memref<512xi32, #tpu.memory_space<vmem>>
    %dma_start3A_252 = tpu.memref_slice %arg2[%dma_start3A_249, %mul3A_2] : memref<26x16384xi32, #tpu.memory_space<hbm>> -> memref<1x512xi32, #tpu.memory_space<hbm>>
    %dma_start3A_253 = tpu.memref_squeeze %dma_start3A_252 : memref<1x512xi32, #tpu.memory_space<hbm>> -> memref<512xi32, #tpu.memory_space<hbm>>
    %dma_start3A_254 = arith.constant 10752 : i32
    %dma_start3A_255 = tpu.memref_slice %arg7[%dma_start3A_254] : memref<13312xi32, #tpu.memory_space<vmem>> -> memref<512xi32, #tpu.memory_space<vmem>>
    %dma_start3A_256 = tpu.memref_slice %arg2[%dma_start3A_249, %mul3A_2] : memref<26x16384xi32, #tpu.memory_space<hbm>> -> memref<1x512xi32, #tpu.memory_space<hbm>>
    %dma_start3A_257 = tpu.memref_squeeze %dma_start3A_256 : memref<1x512xi32, #tpu.memory_space<hbm>> -> memref<512xi32, #tpu.memory_space<hbm>>
    tpu.enqueue_dma source(%dma_start3A_257 : memref<512xi32, #tpu.memory_space<hbm>>) target(%dma_start3A_255 : memref<512xi32, #tpu.memory_space<vmem>>) target_semaphore(%arg13 : memref<!tpu.dma_semaphore, #tpu.memory_space<semaphore_mem>>)
    %dma_start3A_258 = arith.constant 22 : i32
    %dma_start3A_259 = arith.constant 11264 : i32
    %dma_start3A_260 = tpu.memref_slice %arg7[%dma_start3A_259] : memref<13312xi32, #tpu.memory_space<vmem>> -> memref<512xi32, #tpu.memory_space<vmem>>
    %dma_start3A_261 = tpu.memref_slice %arg2[%dma_start3A_258, %mul3A_2] : memref<26x16384xi32, #tpu.memory_space<hbm>> -> memref<1x512xi32, #tpu.memory_space<hbm>>
    %dma_start3A_262 = tpu.memref_squeeze %dma_start3A_261 : memref<1x512xi32, #tpu.memory_space<hbm>> -> memref<512xi32, #tpu.memory_space<hbm>>
    %dma_start3A_263 = arith.constant 11264 : i32
    %dma_start3A_264 = tpu.memref_slice %arg7[%dma_start3A_263] : memref<13312xi32, #tpu.memory_space<vmem>> -> memref<512xi32, #tpu.memory_space<vmem>>
    %dma_start3A_265 = tpu.memref_slice %arg2[%dma_start3A_258, %mul3A_2] : memref<26x16384xi32, #tpu.memory_space<hbm>> -> memref<1x512xi32, #tpu.memory_space<hbm>>
    %dma_start3A_266 = tpu.memref_squeeze %dma_start3A_265 : memref<1x512xi32, #tpu.memory_space<hbm>> -> memref<512xi32, #tpu.memory_space<hbm>>
    tpu.enqueue_dma source(%dma_start3A_266 : memref<512xi32, #tpu.memory_space<hbm>>) target(%dma_start3A_264 : memref<512xi32, #tpu.memory_space<vmem>>) target_semaphore(%arg13 : memref<!tpu.dma_semaphore, #tpu.memory_space<semaphore_mem>>)
    %dma_start3A_267 = arith.constant 23 : i32
    %dma_start3A_268 = arith.constant 11776 : i32
    %dma_start3A_269 = tpu.memref_slice %arg7[%dma_start3A_268] : memref<13312xi32, #tpu.memory_space<vmem>> -> memref<512xi32, #tpu.memory_space<vmem>>
    %dma_start3A_270 = tpu.memref_slice %arg2[%dma_start3A_267, %mul3A_2] : memref<26x16384xi32, #tpu.memory_space<hbm>> -> memref<1x512xi32, #tpu.memory_space<hbm>>
    %dma_start3A_271 = tpu.memref_squeeze %dma_start3A_270 : memref<1x512xi32, #tpu.memory_space<hbm>> -> memref<512xi32, #tpu.memory_space<hbm>>
    %dma_start3A_272 = arith.constant 11776 : i32
    %dma_start3A_273 = tpu.memref_slice %arg7[%dma_start3A_272] : memref<13312xi32, #tpu.memory_space<vmem>> -> memref<512xi32, #tpu.memory_space<vmem>>
    %dma_start3A_274 = tpu.memref_slice %arg2[%dma_start3A_267, %mul3A_2] : memref<26x16384xi32, #tpu.memory_space<hbm>> -> memref<1x512xi32, #tpu.memory_space<hbm>>
    %dma_start3A_275 = tpu.memref_squeeze %dma_start3A_274 : memref<1x512xi32, #tpu.memory_space<hbm>> -> memref<512xi32, #tpu.memory_space<hbm>>
    tpu.enqueue_dma source(%dma_start3A_275 : memref<512xi32, #tpu.memory_space<hbm>>) target(%dma_start3A_273 : memref<512xi32, #tpu.memory_space<vmem>>) target_semaphore(%arg13 : memref<!tpu.dma_semaphore, #tpu.memory_space<semaphore_mem>>)
    %dma_start3A_276 = arith.constant 24 : i32
    %dma_start3A_277 = arith.constant 12288 : i32
    %dma_start3A_278 = tpu.memref_slice %arg7[%dma_start3A_277] : memref<13312xi32, #tpu.memory_space<vmem>> -> memref<512xi32, #tpu.memory_space<vmem>>
    %dma_start3A_279 = tpu.memref_slice %arg2[%dma_start3A_276, %mul3A_2] : memref<26x16384xi32, #tpu.memory_space<hbm>> -> memref<1x512xi32, #tpu.memory_space<hbm>>
    %dma_start3A_280 = tpu.memref_squeeze %dma_start3A_279 : memref<1x512xi32, #tpu.memory_space<hbm>> -> memref<512xi32, #tpu.memory_space<hbm>>
    %dma_start3A_281 = arith.constant 12288 : i32
    %dma_start3A_282 = tpu.memref_slice %arg7[%dma_start3A_281] : memref<13312xi32, #tpu.memory_space<vmem>> -> memref<512xi32, #tpu.memory_space<vmem>>
    %dma_start3A_283 = tpu.memref_slice %arg2[%dma_start3A_276, %mul3A_2] : memref<26x16384xi32, #tpu.memory_space<hbm>> -> memref<1x512xi32, #tpu.memory_space<hbm>>
    %dma_start3A_284 = tpu.memref_squeeze %dma_start3A_283 : memref<1x512xi32, #tpu.memory_space<hbm>> -> memref<512xi32, #tpu.memory_space<hbm>>
    tpu.enqueue_dma source(%dma_start3A_284 : memref<512xi32, #tpu.memory_space<hbm>>) target(%dma_start3A_282 : memref<512xi32, #tpu.memory_space<vmem>>) target_semaphore(%arg13 : memref<!tpu.dma_semaphore, #tpu.memory_space<semaphore_mem>>)
    %dma_start3A_285 = arith.constant 25 : i32
    %dma_start3A_286 = arith.constant 12800 : i32
    %dma_start3A_287 = tpu.memref_slice %arg7[%dma_start3A_286] : memref<13312xi32, #tpu.memory_space<vmem>> -> memref<512xi32, #tpu.memory_space<vmem>>
    %dma_start3A_288 = tpu.memref_slice %arg2[%dma_start3A_285, %mul3A_2] : memref<26x16384xi32, #tpu.memory_space<hbm>> -> memref<1x512xi32, #tpu.memory_space<hbm>>
    %dma_start3A_289 = tpu.memref_squeeze %dma_start3A_288 : memref<1x512xi32, #tpu.memory_space<hbm>> -> memref<512xi32, #tpu.memory_space<hbm>>
    %dma_start3A_290 = arith.constant 12800 : i32
    %dma_start3A_291 = tpu.memref_slice %arg7[%dma_start3A_290] : memref<13312xi32, #tpu.memory_space<vmem>> -> memref<512xi32, #tpu.memory_space<vmem>>
    %dma_start3A_292 = tpu.memref_slice %arg2[%dma_start3A_285, %mul3A_2] : memref<26x16384xi32, #tpu.memory_space<hbm>> -> memref<1x512xi32, #tpu.memory_space<hbm>>
    %dma_start3A_293 = tpu.memref_squeeze %dma_start3A_292 : memref<1x512xi32, #tpu.memory_space<hbm>> -> memref<512xi32, #tpu.memory_space<hbm>>
    tpu.enqueue_dma source(%dma_start3A_293 : memref<512xi32, #tpu.memory_space<hbm>>) target(%dma_start3A_291 : memref<512xi32, #tpu.memory_space<vmem>>) target_semaphore(%arg13 : memref<!tpu.dma_semaphore, #tpu.memory_space<semaphore_mem>>)
    %dma_start3A_294 = arith.constant 0 : i32
    %dma_start3A_295 = arith.constant 0 : i32
    %dma_start3A_296 = tpu.memref_slice %arg8[%dma_start3A_295] : memref<13312xf32, #tpu.memory_space<vmem>> -> memref<512xf32, #tpu.memory_space<vmem>>
    %dma_start3A_297 = tpu.memref_slice %arg3[%dma_start3A_294, %add3A_10] : memref<1x425984xf32, #tpu.memory_space<hbm>> -> memref<1x512xf32, #tpu.memory_space<hbm>>
    %dma_start3A_298 = tpu.memref_squeeze %dma_start3A_297 : memref<1x512xf32, #tpu.memory_space<hbm>> -> memref<512xf32, #tpu.memory_space<hbm>>
    %dma_start3A_299 = arith.constant 0 : i32
    %dma_start3A_300 = tpu.memref_slice %arg8[%dma_start3A_299] : memref<13312xf32, #tpu.memory_space<vmem>> -> memref<512xf32, #tpu.memory_space<vmem>>
    %dma_start3A_301 = tpu.memref_slice %arg3[%dma_start3A_294, %add3A_10] : memref<1x425984xf32, #tpu.memory_space<hbm>> -> memref<1x512xf32, #tpu.memory_space<hbm>>
    %dma_start3A_302 = tpu.memref_squeeze %dma_start3A_301 : memref<1x512xf32, #tpu.memory_space<hbm>> -> memref<512xf32, #tpu.memory_space<hbm>>
    tpu.enqueue_dma source(%dma_start3A_302 : memref<512xf32, #tpu.memory_space<hbm>>) target(%dma_start3A_300 : memref<512xf32, #tpu.memory_space<vmem>>) target_semaphore(%arg15 : memref<!tpu.dma_semaphore, #tpu.memory_space<semaphore_mem>>)
    %dma_start3A_303 = arith.constant 0 : i32
    %dma_start3A_304 = arith.constant 512 : i32
    %dma_start3A_305 = tpu.memref_slice %arg8[%dma_start3A_304] : memref<13312xf32, #tpu.memory_space<vmem>> -> memref<512xf32, #tpu.memory_space<vmem>>
    %dma_start3A_306 = tpu.memref_slice %arg3[%dma_start3A_303, %add3A_12] : memref<1x425984xf32, #tpu.memory_space<hbm>> -> memref<1x512xf32, #tpu.memory_space<hbm>>
    %dma_start3A_307 = tpu.memref_squeeze %dma_start3A_306 : memref<1x512xf32, #tpu.memory_space<hbm>> -> memref<512xf32, #tpu.memory_space<hbm>>
    %dma_start3A_308 = arith.constant 512 : i32
    %dma_start3A_309 = tpu.memref_slice %arg8[%dma_start3A_308] : memref<13312xf32, #tpu.memory_space<vmem>> -> memref<512xf32, #tpu.memory_space<vmem>>
    %dma_start3A_310 = tpu.memref_slice %arg3[%dma_start3A_303, %add3A_12] : memref<1x425984xf32, #tpu.memory_space<hbm>> -> memref<1x512xf32, #tpu.memory_space<hbm>>
    %dma_start3A_311 = tpu.memref_squeeze %dma_start3A_310 : memref<1x512xf32, #tpu.memory_space<hbm>> -> memref<512xf32, #tpu.memory_space<hbm>>
    tpu.enqueue_dma source(%dma_start3A_311 : memref<512xf32, #tpu.memory_space<hbm>>) target(%dma_start3A_309 : memref<512xf32, #tpu.memory_space<vmem>>) target_semaphore(%arg15 : memref<!tpu.dma_semaphore, #tpu.memory_space<semaphore_mem>>)
    %dma_start3A_312 = arith.constant 0 : i32
    %dma_start3A_313 = arith.constant 1024 : i32
    %dma_start3A_314 = tpu.memref_slice %arg8[%dma_start3A_313] : memref<13312xf32, #tpu.memory_space<vmem>> -> memref<512xf32, #tpu.memory_space<vmem>>
    %dma_start3A_315 = tpu.memref_slice %arg3[%dma_start3A_312, %add3A_14] : memref<1x425984xf32, #tpu.memory_space<hbm>> -> memref<1x512xf32, #tpu.memory_space<hbm>>
    %dma_start3A_316 = tpu.memref_squeeze %dma_start3A_315 : memref<1x512xf32, #tpu.memory_space<hbm>> -> memref<512xf32, #tpu.memory_space<hbm>>
    %dma_start3A_317 = arith.constant 1024 : i32
    %dma_start3A_318 = tpu.memref_slice %arg8[%dma_start3A_317] : memref<13312xf32, #tpu.memory_space<vmem>> -> memref<512xf32, #tpu.memory_space<vmem>>
    %dma_start3A_319 = tpu.memref_slice %arg3[%dma_start3A_312, %add3A_14] : memref<1x425984xf32, #tpu.memory_space<hbm>> -> memref<1x512xf32, #tpu.memory_space<hbm>>
    %dma_start3A_320 = tpu.memref_squeeze %dma_start3A_319 : memref<1x512xf32, #tpu.memory_space<hbm>> -> memref<512xf32, #tpu.memory_space<hbm>>
    tpu.enqueue_dma source(%dma_start3A_320 : memref<512xf32, #tpu.memory_space<hbm>>) target(%dma_start3A_318 : memref<512xf32, #tpu.memory_space<vmem>>) target_semaphore(%arg15 : memref<!tpu.dma_semaphore, #tpu.memory_space<semaphore_mem>>)
    %dma_start3A_321 = arith.constant 0 : i32
    %dma_start3A_322 = arith.constant 1536 : i32
    %dma_start3A_323 = tpu.memref_slice %arg8[%dma_start3A_322] : memref<13312xf32, #tpu.memory_space<vmem>> -> memref<512xf32, #tpu.memory_space<vmem>>
    %dma_start3A_324 = tpu.memref_slice %arg3[%dma_start3A_321, %add3A_16] : memref<1x425984xf32, #tpu.memory_space<hbm>> -> memref<1x512xf32, #tpu.memory_space<hbm>>
    %dma_start3A_325 = tpu.memref_squeeze %dma_start3A_324 : memref<1x512xf32, #tpu.memory_space<hbm>> -> memref<512xf32, #tpu.memory_space<hbm>>
    %dma_start3A_326 = arith.constant 1536 : i32
    %dma_start3A_327 = tpu.memref_slice %arg8[%dma_start3A_326] : memref<13312xf32, #tpu.memory_space<vmem>> -> memref<512xf32, #tpu.memory_space<vmem>>
    %dma_start3A_328 = tpu.memref_slice %arg3[%dma_start3A_321, %add3A_16] : memref<1x425984xf32, #tpu.memory_space<hbm>> -> memref<1x512xf32, #tpu.memory_space<hbm>>
    %dma_start3A_329 = tpu.memref_squeeze %dma_start3A_328 : memref<1x512xf32, #tpu.memory_space<hbm>> -> memref<512xf32, #tpu.memory_space<hbm>>
    tpu.enqueue_dma source(%dma_start3A_329 : memref<512xf32, #tpu.memory_space<hbm>>) target(%dma_start3A_327 : memref<512xf32, #tpu.memory_space<vmem>>) target_semaphore(%arg15 : memref<!tpu.dma_semaphore, #tpu.memory_space<semaphore_mem>>)
    %dma_start3A_330 = arith.constant 0 : i32
    %dma_start3A_331 = arith.constant 2048 : i32
    %dma_start3A_332 = tpu.memref_slice %arg8[%dma_start3A_331] : memref<13312xf32, #tpu.memory_space<vmem>> -> memref<512xf32, #tpu.memory_space<vmem>>
    %dma_start3A_333 = tpu.memref_slice %arg3[%dma_start3A_330, %add3A_18] : memref<1x425984xf32, #tpu.memory_space<hbm>> -> memref<1x512xf32, #tpu.memory_space<hbm>>
    %dma_start3A_334 = tpu.memref_squeeze %dma_start3A_333 : memref<1x512xf32, #tpu.memory_space<hbm>> -> memref<512xf32, #tpu.memory_space<hbm>>
    %dma_start3A_335 = arith.constant 2048 : i32
    %dma_start3A_336 = tpu.memref_slice %arg8[%dma_start3A_335] : memref<13312xf32, #tpu.memory_space<vmem>> -> memref<512xf32, #tpu.memory_space<vmem>>
    %dma_start3A_337 = tpu.memref_slice %arg3[%dma_start3A_330, %add3A_18] : memref<1x425984xf32, #tpu.memory_space<hbm>> -> memref<1x512xf32, #tpu.memory_space<hbm>>
    %dma_start3A_338 = tpu.memref_squeeze %dma_start3A_337 : memref<1x512xf32, #tpu.memory_space<hbm>> -> memref<512xf32, #tpu.memory_space<hbm>>
    tpu.enqueue_dma source(%dma_start3A_338 : memref<512xf32, #tpu.memory_space<hbm>>) target(%dma_start3A_336 : memref<512xf32, #tpu.memory_space<vmem>>) target_semaphore(%arg15 : memref<!tpu.dma_semaphore, #tpu.memory_space<semaphore_mem>>)
    %dma_start3A_339 = arith.constant 0 : i32
    %dma_start3A_340 = arith.constant 2560 : i32
    %dma_start3A_341 = tpu.memref_slice %arg8[%dma_start3A_340] : memref<13312xf32, #tpu.memory_space<vmem>> -> memref<512xf32, #tpu.memory_space<vmem>>
    %dma_start3A_342 = tpu.memref_slice %arg3[%dma_start3A_339, %add3A_20] : memref<1x425984xf32, #tpu.memory_space<hbm>> -> memref<1x512xf32, #tpu.memory_space<hbm>>
    %dma_start3A_343 = tpu.memref_squeeze %dma_start3A_342 : memref<1x512xf32, #tpu.memory_space<hbm>> -> memref<512xf32, #tpu.memory_space<hbm>>
    %dma_start3A_344 = arith.constant 2560 : i32
    %dma_start3A_345 = tpu.memref_slice %arg8[%dma_start3A_344] : memref<13312xf32, #tpu.memory_space<vmem>> -> memref<512xf32, #tpu.memory_space<vmem>>
    %dma_start3A_346 = tpu.memref_slice %arg3[%dma_start3A_339, %add3A_20] : memref<1x425984xf32, #tpu.memory_space<hbm>> -> memref<1x512xf32, #tpu.memory_space<hbm>>
    %dma_start3A_347 = tpu.memref_squeeze %dma_start3A_346 : memref<1x512xf32, #tpu.memory_space<hbm>> -> memref<512xf32, #tpu.memory_space<hbm>>
    tpu.enqueue_dma source(%dma_start3A_347 : memref<512xf32, #tpu.memory_space<hbm>>) target(%dma_start3A_345 : memref<512xf32, #tpu.memory_space<vmem>>) target_semaphore(%arg15 : memref<!tpu.dma_semaphore, #tpu.memory_space<semaphore_mem>>)
    %dma_start3A_348 = arith.constant 0 : i32
    %dma_start3A_349 = arith.constant 3072 : i32
    %dma_start3A_350 = tpu.memref_slice %arg8[%dma_start3A_349] : memref<13312xf32, #tpu.memory_space<vmem>> -> memref<512xf32, #tpu.memory_space<vmem>>
    %dma_start3A_351 = tpu.memref_slice %arg3[%dma_start3A_348, %add3A_22] : memref<1x425984xf32, #tpu.memory_space<hbm>> -> memref<1x512xf32, #tpu.memory_space<hbm>>
    %dma_start3A_352 = tpu.memref_squeeze %dma_start3A_351 : memref<1x512xf32, #tpu.memory_space<hbm>> -> memref<512xf32, #tpu.memory_space<hbm>>
    %dma_start3A_353 = arith.constant 3072 : i32
    %dma_start3A_354 = tpu.memref_slice %arg8[%dma_start3A_353] : memref<13312xf32, #tpu.memory_space<vmem>> -> memref<512xf32, #tpu.memory_space<vmem>>
    %dma_start3A_355 = tpu.memref_slice %arg3[%dma_start3A_348, %add3A_22] : memref<1x425984xf32, #tpu.memory_space<hbm>> -> memref<1x512xf32, #tpu.memory_space<hbm>>
    %dma_start3A_356 = tpu.memref_squeeze %dma_start3A_355 : memref<1x512xf32, #tpu.memory_space<hbm>> -> memref<512xf32, #tpu.memory_space<hbm>>
    tpu.enqueue_dma source(%dma_start3A_356 : memref<512xf32, #tpu.memory_space<hbm>>) target(%dma_start3A_354 : memref<512xf32, #tpu.memory_space<vmem>>) target_semaphore(%arg15 : memref<!tpu.dma_semaphore, #tpu.memory_space<semaphore_mem>>)
    %dma_start3A_357 = arith.constant 0 : i32
    %dma_start3A_358 = arith.constant 3584 : i32
    %dma_start3A_359 = tpu.memref_slice %arg8[%dma_start3A_358] : memref<13312xf32, #tpu.memory_space<vmem>> -> memref<512xf32, #tpu.memory_space<vmem>>
    %dma_start3A_360 = tpu.memref_slice %arg3[%dma_start3A_357, %add3A_24] : memref<1x425984xf32, #tpu.memory_space<hbm>> -> memref<1x512xf32, #tpu.memory_space<hbm>>
    %dma_start3A_361 = tpu.memref_squeeze %dma_start3A_360 : memref<1x512xf32, #tpu.memory_space<hbm>> -> memref<512xf32, #tpu.memory_space<hbm>>
    %dma_start3A_362 = arith.constant 3584 : i32
    %dma_start3A_363 = tpu.memref_slice %arg8[%dma_start3A_362] : memref<13312xf32, #tpu.memory_space<vmem>> -> memref<512xf32, #tpu.memory_space<vmem>>
    %dma_start3A_364 = tpu.memref_slice %arg3[%dma_start3A_357, %add3A_24] : memref<1x425984xf32, #tpu.memory_space<hbm>> -> memref<1x512xf32, #tpu.memory_space<hbm>>
    %dma_start3A_365 = tpu.memref_squeeze %dma_start3A_364 : memref<1x512xf32, #tpu.memory_space<hbm>> -> memref<512xf32, #tpu.memory_space<hbm>>
    tpu.enqueue_dma source(%dma_start3A_365 : memref<512xf32, #tpu.memory_space<hbm>>) target(%dma_start3A_363 : memref<512xf32, #tpu.memory_space<vmem>>) target_semaphore(%arg15 : memref<!tpu.dma_semaphore, #tpu.memory_space<semaphore_mem>>)
    %dma_start3A_366 = arith.constant 0 : i32
    %dma_start3A_367 = arith.constant 4096 : i32
    %dma_start3A_368 = tpu.memref_slice %arg8[%dma_start3A_367] : memref<13312xf32, #tpu.memory_space<vmem>> -> memref<512xf32, #tpu.memory_space<vmem>>
    %dma_start3A_369 = tpu.memref_slice %arg3[%dma_start3A_366, %add3A_26] : memref<1x425984xf32, #tpu.memory_space<hbm>> -> memref<1x512xf32, #tpu.memory_space<hbm>>
    %dma_start3A_370 = tpu.memref_squeeze %dma_start3A_369 : memref<1x512xf32, #tpu.memory_space<hbm>> -> memref<512xf32, #tpu.memory_space<hbm>>
    %dma_start3A_371 = arith.constant 4096 : i32
    %dma_start3A_372 = tpu.memref_slice %arg8[%dma_start3A_371] : memref<13312xf32, #tpu.memory_space<vmem>> -> memref<512xf32, #tpu.memory_space<vmem>>
    %dma_start3A_373 = tpu.memref_slice %arg3[%dma_start3A_366, %add3A_26] : memref<1x425984xf32, #tpu.memory_space<hbm>> -> memref<1x512xf32, #tpu.memory_space<hbm>>
    %dma_start3A_374 = tpu.memref_squeeze %dma_start3A_373 : memref<1x512xf32, #tpu.memory_space<hbm>> -> memref<512xf32, #tpu.memory_space<hbm>>
    tpu.enqueue_dma source(%dma_start3A_374 : memref<512xf32, #tpu.memory_space<hbm>>) target(%dma_start3A_372 : memref<512xf32, #tpu.memory_space<vmem>>) target_semaphore(%arg15 : memref<!tpu.dma_semaphore, #tpu.memory_space<semaphore_mem>>)
    %dma_start3A_375 = arith.constant 0 : i32
    %dma_start3A_376 = arith.constant 4608 : i32
    %dma_start3A_377 = tpu.memref_slice %arg8[%dma_start3A_376] : memref<13312xf32, #tpu.memory_space<vmem>> -> memref<512xf32, #tpu.memory_space<vmem>>
    %dma_start3A_378 = tpu.memref_slice %arg3[%dma_start3A_375, %add3A_28] : memref<1x425984xf32, #tpu.memory_space<hbm>> -> memref<1x512xf32, #tpu.memory_space<hbm>>
    %dma_start3A_379 = tpu.memref_squeeze %dma_start3A_378 : memref<1x512xf32, #tpu.memory_space<hbm>> -> memref<512xf32, #tpu.memory_space<hbm>>
    %dma_start3A_380 = arith.constant 4608 : i32
    %dma_start3A_381 = tpu.memref_slice %arg8[%dma_start3A_380] : memref<13312xf32, #tpu.memory_space<vmem>> -> memref<512xf32, #tpu.memory_space<vmem>>
    %dma_start3A_382 = tpu.memref_slice %arg3[%dma_start3A_375, %add3A_28] : memref<1x425984xf32, #tpu.memory_space<hbm>> -> memref<1x512xf32, #tpu.memory_space<hbm>>
    %dma_start3A_383 = tpu.memref_squeeze %dma_start3A_382 : memref<1x512xf32, #tpu.memory_space<hbm>> -> memref<512xf32, #tpu.memory_space<hbm>>
    tpu.enqueue_dma source(%dma_start3A_383 : memref<512xf32, #tpu.memory_space<hbm>>) target(%dma_start3A_381 : memref<512xf32, #tpu.memory_space<vmem>>) target_semaphore(%arg15 : memref<!tpu.dma_semaphore, #tpu.memory_space<semaphore_mem>>)
    %dma_start3A_384 = arith.constant 0 : i32
    %dma_start3A_385 = arith.constant 5120 : i32
    %dma_start3A_386 = tpu.memref_slice %arg8[%dma_start3A_385] : memref<13312xf32, #tpu.memory_space<vmem>> -> memref<512xf32, #tpu.memory_space<vmem>>
    %dma_start3A_387 = tpu.memref_slice %arg3[%dma_start3A_384, %add3A_30] : memref<1x425984xf32, #tpu.memory_space<hbm>> -> memref<1x512xf32, #tpu.memory_space<hbm>>
    %dma_start3A_388 = tpu.memref_squeeze %dma_start3A_387 : memref<1x512xf32, #tpu.memory_space<hbm>> -> memref<512xf32, #tpu.memory_space<hbm>>
    %dma_start3A_389 = arith.constant 5120 : i32
    %dma_start3A_390 = tpu.memref_slice %arg8[%dma_start3A_389] : memref<13312xf32, #tpu.memory_space<vmem>> -> memref<512xf32, #tpu.memory_space<vmem>>
    %dma_start3A_391 = tpu.memref_slice %arg3[%dma_start3A_384, %add3A_30] : memref<1x425984xf32, #tpu.memory_space<hbm>> -> memref<1x512xf32, #tpu.memory_space<hbm>>
    %dma_start3A_392 = tpu.memref_squeeze %dma_start3A_391 : memref<1x512xf32, #tpu.memory_space<hbm>> -> memref<512xf32, #tpu.memory_space<hbm>>
    tpu.enqueue_dma source(%dma_start3A_392 : memref<512xf32, #tpu.memory_space<hbm>>) target(%dma_start3A_390 : memref<512xf32, #tpu.memory_space<vmem>>) target_semaphore(%arg15 : memref<!tpu.dma_semaphore, #tpu.memory_space<semaphore_mem>>)
    %dma_start3A_393 = arith.constant 0 : i32
    %dma_start3A_394 = arith.constant 5632 : i32
    %dma_start3A_395 = tpu.memref_slice %arg8[%dma_start3A_394] : memref<13312xf32, #tpu.memory_space<vmem>> -> memref<512xf32, #tpu.memory_space<vmem>>
    %dma_start3A_396 = tpu.memref_slice %arg3[%dma_start3A_393, %add3A_32] : memref<1x425984xf32, #tpu.memory_space<hbm>> -> memref<1x512xf32, #tpu.memory_space<hbm>>
    %dma_start3A_397 = tpu.memref_squeeze %dma_start3A_396 : memref<1x512xf32, #tpu.memory_space<hbm>> -> memref<512xf32, #tpu.memory_space<hbm>>
    %dma_start3A_398 = arith.constant 5632 : i32
    %dma_start3A_399 = tpu.memref_slice %arg8[%dma_start3A_398] : memref<13312xf32, #tpu.memory_space<vmem>> -> memref<512xf32, #tpu.memory_space<vmem>>
    %dma_start3A_400 = tpu.memref_slice %arg3[%dma_start3A_393, %add3A_32] : memref<1x425984xf32, #tpu.memory_space<hbm>> -> memref<1x512xf32, #tpu.memory_space<hbm>>
    %dma_start3A_401 = tpu.memref_squeeze %dma_start3A_400 : memref<1x512xf32, #tpu.memory_space<hbm>> -> memref<512xf32, #tpu.memory_space<hbm>>
    tpu.enqueue_dma source(%dma_start3A_401 : memref<512xf32, #tpu.memory_space<hbm>>) target(%dma_start3A_399 : memref<512xf32, #tpu.memory_space<vmem>>) target_semaphore(%arg15 : memref<!tpu.dma_semaphore, #tpu.memory_space<semaphore_mem>>)
    %dma_start3A_402 = arith.constant 0 : i32
    %dma_start3A_403 = arith.constant 6144 : i32
    %dma_start3A_404 = tpu.memref_slice %arg8[%dma_start3A_403] : memref<13312xf32, #tpu.memory_space<vmem>> -> memref<512xf32, #tpu.memory_space<vmem>>
    %dma_start3A_405 = tpu.memref_slice %arg3[%dma_start3A_402, %add3A_34] : memref<1x425984xf32, #tpu.memory_space<hbm>> -> memref<1x512xf32, #tpu.memory_space<hbm>>
    %dma_start3A_406 = tpu.memref_squeeze %dma_start3A_405 : memref<1x512xf32, #tpu.memory_space<hbm>> -> memref<512xf32, #tpu.memory_space<hbm>>
    %dma_start3A_407 = arith.constant 6144 : i32
    %dma_start3A_408 = tpu.memref_slice %arg8[%dma_start3A_407] : memref<13312xf32, #tpu.memory_space<vmem>> -> memref<512xf32, #tpu.memory_space<vmem>>
    %dma_start3A_409 = tpu.memref_slice %arg3[%dma_start3A_402, %add3A_34] : memref<1x425984xf32, #tpu.memory_space<hbm>> -> memref<1x512xf32, #tpu.memory_space<hbm>>
    %dma_start3A_410 = tpu.memref_squeeze %dma_start3A_409 : memref<1x512xf32, #tpu.memory_space<hbm>> -> memref<512xf32, #tpu.memory_space<hbm>>
    tpu.enqueue_dma source(%dma_start3A_410 : memref<512xf32, #tpu.memory_space<hbm>>) target(%dma_start3A_408 : memref<512xf32, #tpu.memory_space<vmem>>) target_semaphore(%arg15 : memref<!tpu.dma_semaphore, #tpu.memory_space<semaphore_mem>>)
    %dma_start3A_411 = arith.constant 0 : i32
    %dma_start3A_412 = arith.constant 6656 : i32
    %dma_start3A_413 = tpu.memref_slice %arg8[%dma_start3A_412] : memref<13312xf32, #tpu.memory_space<vmem>> -> memref<512xf32, #tpu.memory_space<vmem>>
    %dma_start3A_414 = tpu.memref_slice %arg3[%dma_start3A_411, %add3A_36] : memref<1x425984xf32, #tpu.memory_space<hbm>> -> memref<1x512xf32, #tpu.memory_space<hbm>>
    %dma_start3A_415 = tpu.memref_squeeze %dma_start3A_414 : memref<1x512xf32, #tpu.memory_space<hbm>> -> memref<512xf32, #tpu.memory_space<hbm>>
    %dma_start3A_416 = arith.constant 6656 : i32
    %dma_start3A_417 = tpu.memref_slice %arg8[%dma_start3A_416] : memref<13312xf32, #tpu.memory_space<vmem>> -> memref<512xf32, #tpu.memory_space<vmem>>
    %dma_start3A_418 = tpu.memref_slice %arg3[%dma_start3A_411, %add3A_36] : memref<1x425984xf32, #tpu.memory_space<hbm>> -> memref<1x512xf32, #tpu.memory_space<hbm>>
    %dma_start3A_419 = tpu.memref_squeeze %dma_start3A_418 : memref<1x512xf32, #tpu.memory_space<hbm>> -> memref<512xf32, #tpu.memory_space<hbm>>
    tpu.enqueue_dma source(%dma_start3A_419 : memref<512xf32, #tpu.memory_space<hbm>>) target(%dma_start3A_417 : memref<512xf32, #tpu.memory_space<vmem>>) target_semaphore(%arg15 : memref<!tpu.dma_semaphore, #tpu.memory_space<semaphore_mem>>)
    %dma_start3A_420 = arith.constant 0 : i32
    %dma_start3A_421 = arith.constant 7168 : i32
    %dma_start3A_422 = tpu.memref_slice %arg8[%dma_start3A_421] : memref<13312xf32, #tpu.memory_space<vmem>> -> memref<512xf32, #tpu.memory_space<vmem>>
    %dma_start3A_423 = tpu.memref_slice %arg3[%dma_start3A_420, %add3A_38] : memref<1x425984xf32, #tpu.memory_space<hbm>> -> memref<1x512xf32, #tpu.memory_space<hbm>>
    %dma_start3A_424 = tpu.memref_squeeze %dma_start3A_423 : memref<1x512xf32, #tpu.memory_space<hbm>> -> memref<512xf32, #tpu.memory_space<hbm>>
    %dma_start3A_425 = arith.constant 7168 : i32
    %dma_start3A_426 = tpu.memref_slice %arg8[%dma_start3A_425] : memref<13312xf32, #tpu.memory_space<vmem>> -> memref<512xf32, #tpu.memory_space<vmem>>
    %dma_start3A_427 = tpu.memref_slice %arg3[%dma_start3A_420, %add3A_38] : memref<1x425984xf32, #tpu.memory_space<hbm>> -> memref<1x512xf32, #tpu.memory_space<hbm>>
    %dma_start3A_428 = tpu.memref_squeeze %dma_start3A_427 : memref<1x512xf32, #tpu.memory_space<hbm>> -> memref<512xf32, #tpu.memory_space<hbm>>
    tpu.enqueue_dma source(%dma_start3A_428 : memref<512xf32, #tpu.memory_space<hbm>>) target(%dma_start3A_426 : memref<512xf32, #tpu.memory_space<vmem>>) target_semaphore(%arg15 : memref<!tpu.dma_semaphore, #tpu.memory_space<semaphore_mem>>)
    %dma_start3A_429 = arith.constant 0 : i32
    %dma_start3A_430 = arith.constant 7680 : i32
    %dma_start3A_431 = tpu.memref_slice %arg8[%dma_start3A_430] : memref<13312xf32, #tpu.memory_space<vmem>> -> memref<512xf32, #tpu.memory_space<vmem>>
    %dma_start3A_432 = tpu.memref_slice %arg3[%dma_start3A_429, %add3A_40] : memref<1x425984xf32, #tpu.memory_space<hbm>> -> memref<1x512xf32, #tpu.memory_space<hbm>>
    %dma_start3A_433 = tpu.memref_squeeze %dma_start3A_432 : memref<1x512xf32, #tpu.memory_space<hbm>> -> memref<512xf32, #tpu.memory_space<hbm>>
    %dma_start3A_434 = arith.constant 7680 : i32
    %dma_start3A_435 = tpu.memref_slice %arg8[%dma_start3A_434] : memref<13312xf32, #tpu.memory_space<vmem>> -> memref<512xf32, #tpu.memory_space<vmem>>
    %dma_start3A_436 = tpu.memref_slice %arg3[%dma_start3A_429, %add3A_40] : memref<1x425984xf32, #tpu.memory_space<hbm>> -> memref<1x512xf32, #tpu.memory_space<hbm>>
    %dma_start3A_437 = tpu.memref_squeeze %dma_start3A_436 : memref<1x512xf32, #tpu.memory_space<hbm>> -> memref<512xf32, #tpu.memory_space<hbm>>
    tpu.enqueue_dma source(%dma_start3A_437 : memref<512xf32, #tpu.memory_space<hbm>>) target(%dma_start3A_435 : memref<512xf32, #tpu.memory_space<vmem>>) target_semaphore(%arg15 : memref<!tpu.dma_semaphore, #tpu.memory_space<semaphore_mem>>)
    %dma_start3A_438 = arith.constant 0 : i32
    %dma_start3A_439 = arith.constant 8192 : i32
    %dma_start3A_440 = tpu.memref_slice %arg8[%dma_start3A_439] : memref<13312xf32, #tpu.memory_space<vmem>> -> memref<512xf32, #tpu.memory_space<vmem>>
    %dma_start3A_441 = tpu.memref_slice %arg3[%dma_start3A_438, %add3A_42] : memref<1x425984xf32, #tpu.memory_space<hbm>> -> memref<1x512xf32, #tpu.memory_space<hbm>>
    %dma_start3A_442 = tpu.memref_squeeze %dma_start3A_441 : memref<1x512xf32, #tpu.memory_space<hbm>> -> memref<512xf32, #tpu.memory_space<hbm>>
    %dma_start3A_443 = arith.constant 8192 : i32
    %dma_start3A_444 = tpu.memref_slice %arg8[%dma_start3A_443] : memref<13312xf32, #tpu.memory_space<vmem>> -> memref<512xf32, #tpu.memory_space<vmem>>
    %dma_start3A_445 = tpu.memref_slice %arg3[%dma_start3A_438, %add3A_42] : memref<1x425984xf32, #tpu.memory_space<hbm>> -> memref<1x512xf32, #tpu.memory_space<hbm>>
    %dma_start3A_446 = tpu.memref_squeeze %dma_start3A_445 : memref<1x512xf32, #tpu.memory_space<hbm>> -> memref<512xf32, #tpu.memory_space<hbm>>
    tpu.enqueue_dma source(%dma_start3A_446 : memref<512xf32, #tpu.memory_space<hbm>>) target(%dma_start3A_444 : memref<512xf32, #tpu.memory_space<vmem>>) target_semaphore(%arg15 : memref<!tpu.dma_semaphore, #tpu.memory_space<semaphore_mem>>)
    %dma_start3A_447 = arith.constant 0 : i32
    %dma_start3A_448 = arith.constant 8704 : i32
    %dma_start3A_449 = tpu.memref_slice %arg8[%dma_start3A_448] : memref<13312xf32, #tpu.memory_space<vmem>> -> memref<512xf32, #tpu.memory_space<vmem>>
    %dma_start3A_450 = tpu.memref_slice %arg3[%dma_start3A_447, %add3A_44] : memref<1x425984xf32, #tpu.memory_space<hbm>> -> memref<1x512xf32, #tpu.memory_space<hbm>>
    %dma_start3A_451 = tpu.memref_squeeze %dma_start3A_450 : memref<1x512xf32, #tpu.memory_space<hbm>> -> memref<512xf32, #tpu.memory_space<hbm>>
    %dma_start3A_452 = arith.constant 8704 : i32
    %dma_start3A_453 = tpu.memref_slice %arg8[%dma_start3A_452] : memref<13312xf32, #tpu.memory_space<vmem>> -> memref<512xf32, #tpu.memory_space<vmem>>
    %dma_start3A_454 = tpu.memref_slice %arg3[%dma_start3A_447, %add3A_44] : memref<1x425984xf32, #tpu.memory_space<hbm>> -> memref<1x512xf32, #tpu.memory_space<hbm>>
    %dma_start3A_455 = tpu.memref_squeeze %dma_start3A_454 : memref<1x512xf32, #tpu.memory_space<hbm>> -> memref<512xf32, #tpu.memory_space<hbm>>
    tpu.enqueue_dma source(%dma_start3A_455 : memref<512xf32, #tpu.memory_space<hbm>>) target(%dma_start3A_453 : memref<512xf32, #tpu.memory_space<vmem>>) target_semaphore(%arg15 : memref<!tpu.dma_semaphore, #tpu.memory_space<semaphore_mem>>)
    %dma_start3A_456 = arith.constant 0 : i32
    %dma_start3A_457 = arith.constant 9216 : i32
    %dma_start3A_458 = tpu.memref_slice %arg8[%dma_start3A_457] : memref<13312xf32, #tpu.memory_space<vmem>> -> memref<512xf32, #tpu.memory_space<vmem>>
    %dma_start3A_459 = tpu.memref_slice %arg3[%dma_start3A_456, %add3A_46] : memref<1x425984xf32, #tpu.memory_space<hbm>> -> memref<1x512xf32, #tpu.memory_space<hbm>>
    %dma_start3A_460 = tpu.memref_squeeze %dma_start3A_459 : memref<1x512xf32, #tpu.memory_space<hbm>> -> memref<512xf32, #tpu.memory_space<hbm>>
    %dma_start3A_461 = arith.constant 9216 : i32
    %dma_start3A_462 = tpu.memref_slice %arg8[%dma_start3A_461] : memref<13312xf32, #tpu.memory_space<vmem>> -> memref<512xf32, #tpu.memory_space<vmem>>
    %dma_start3A_463 = tpu.memref_slice %arg3[%dma_start3A_456, %add3A_46] : memref<1x425984xf32, #tpu.memory_space<hbm>> -> memref<1x512xf32, #tpu.memory_space<hbm>>
    %dma_start3A_464 = tpu.memref_squeeze %dma_start3A_463 : memref<1x512xf32, #tpu.memory_space<hbm>> -> memref<512xf32, #tpu.memory_space<hbm>>
    tpu.enqueue_dma source(%dma_start3A_464 : memref<512xf32, #tpu.memory_space<hbm>>) target(%dma_start3A_462 : memref<512xf32, #tpu.memory_space<vmem>>) target_semaphore(%arg15 : memref<!tpu.dma_semaphore, #tpu.memory_space<semaphore_mem>>)
    %dma_start3A_465 = arith.constant 0 : i32
    %dma_start3A_466 = arith.constant 9728 : i32
    %dma_start3A_467 = tpu.memref_slice %arg8[%dma_start3A_466] : memref<13312xf32, #tpu.memory_space<vmem>> -> memref<512xf32, #tpu.memory_space<vmem>>
    %dma_start3A_468 = tpu.memref_slice %arg3[%dma_start3A_465, %add3A_48] : memref<1x425984xf32, #tpu.memory_space<hbm>> -> memref<1x512xf32, #tpu.memory_space<hbm>>
    %dma_start3A_469 = tpu.memref_squeeze %dma_start3A_468 : memref<1x512xf32, #tpu.memory_space<hbm>> -> memref<512xf32, #tpu.memory_space<hbm>>
    %dma_start3A_470 = arith.constant 9728 : i32
    %dma_start3A_471 = tpu.memref_slice %arg8[%dma_start3A_470] : memref<13312xf32, #tpu.memory_space<vmem>> -> memref<512xf32, #tpu.memory_space<vmem>>
    %dma_start3A_472 = tpu.memref_slice %arg3[%dma_start3A_465, %add3A_48] : memref<1x425984xf32, #tpu.memory_space<hbm>> -> memref<1x512xf32, #tpu.memory_space<hbm>>
    %dma_start3A_473 = tpu.memref_squeeze %dma_start3A_472 : memref<1x512xf32, #tpu.memory_space<hbm>> -> memref<512xf32, #tpu.memory_space<hbm>>
    tpu.enqueue_dma source(%dma_start3A_473 : memref<512xf32, #tpu.memory_space<hbm>>) target(%dma_start3A_471 : memref<512xf32, #tpu.memory_space<vmem>>) target_semaphore(%arg15 : memref<!tpu.dma_semaphore, #tpu.memory_space<semaphore_mem>>)
    %dma_start3A_474 = arith.constant 0 : i32
    %dma_start3A_475 = arith.constant 10240 : i32
    %dma_start3A_476 = tpu.memref_slice %arg8[%dma_start3A_475] : memref<13312xf32, #tpu.memory_space<vmem>> -> memref<512xf32, #tpu.memory_space<vmem>>
    %dma_start3A_477 = tpu.memref_slice %arg3[%dma_start3A_474, %add3A_50] : memref<1x425984xf32, #tpu.memory_space<hbm>> -> memref<1x512xf32, #tpu.memory_space<hbm>>
    %dma_start3A_478 = tpu.memref_squeeze %dma_start3A_477 : memref<1x512xf32, #tpu.memory_space<hbm>> -> memref<512xf32, #tpu.memory_space<hbm>>
    %dma_start3A_479 = arith.constant 10240 : i32
    %dma_start3A_480 = tpu.memref_slice %arg8[%dma_start3A_479] : memref<13312xf32, #tpu.memory_space<vmem>> -> memref<512xf32, #tpu.memory_space<vmem>>
    %dma_start3A_481 = tpu.memref_slice %arg3[%dma_start3A_474, %add3A_50] : memref<1x425984xf32, #tpu.memory_space<hbm>> -> memref<1x512xf32, #tpu.memory_space<hbm>>
    %dma_start3A_482 = tpu.memref_squeeze %dma_start3A_481 : memref<1x512xf32, #tpu.memory_space<hbm>> -> memref<512xf32, #tpu.memory_space<hbm>>
    tpu.enqueue_dma source(%dma_start3A_482 : memref<512xf32, #tpu.memory_space<hbm>>) target(%dma_start3A_480 : memref<512xf32, #tpu.memory_space<vmem>>) target_semaphore(%arg15 : memref<!tpu.dma_semaphore, #tpu.memory_space<semaphore_mem>>)
    %dma_start3A_483 = arith.constant 0 : i32
    %dma_start3A_484 = arith.constant 10752 : i32
    %dma_start3A_485 = tpu.memref_slice %arg8[%dma_start3A_484] : memref<13312xf32, #tpu.memory_space<vmem>> -> memref<512xf32, #tpu.memory_space<vmem>>
    %dma_start3A_486 = tpu.memref_slice %arg3[%dma_start3A_483, %add3A_52] : memref<1x425984xf32, #tpu.memory_space<hbm>> -> memref<1x512xf32, #tpu.memory_space<hbm>>
    %dma_start3A_487 = tpu.memref_squeeze %dma_start3A_486 : memref<1x512xf32, #tpu.memory_space<hbm>> -> memref<512xf32, #tpu.memory_space<hbm>>
    %dma_start3A_488 = arith.constant 10752 : i32
    %dma_start3A_489 = tpu.memref_slice %arg8[%dma_start3A_488] : memref<13312xf32, #tpu.memory_space<vmem>> -> memref<512xf32, #tpu.memory_space<vmem>>
    %dma_start3A_490 = tpu.memref_slice %arg3[%dma_start3A_483, %add3A_52] : memref<1x425984xf32, #tpu.memory_space<hbm>> -> memref<1x512xf32, #tpu.memory_space<hbm>>
    %dma_start3A_491 = tpu.memref_squeeze %dma_start3A_490 : memref<1x512xf32, #tpu.memory_space<hbm>> -> memref<512xf32, #tpu.memory_space<hbm>>
    tpu.enqueue_dma source(%dma_start3A_491 : memref<512xf32, #tpu.memory_space<hbm>>) target(%dma_start3A_489 : memref<512xf32, #tpu.memory_space<vmem>>) target_semaphore(%arg15 : memref<!tpu.dma_semaphore, #tpu.memory_space<semaphore_mem>>)
    %dma_start3A_492 = arith.constant 0 : i32
    %dma_start3A_493 = arith.constant 11264 : i32
    %dma_start3A_494 = tpu.memref_slice %arg8[%dma_start3A_493] : memref<13312xf32, #tpu.memory_space<vmem>> -> memref<512xf32, #tpu.memory_space<vmem>>
    %dma_start3A_495 = tpu.memref_slice %arg3[%dma_start3A_492, %add3A_54] : memref<1x425984xf32, #tpu.memory_space<hbm>> -> memref<1x512xf32, #tpu.memory_space<hbm>>
    %dma_start3A_496 = tpu.memref_squeeze %dma_start3A_495 : memref<1x512xf32, #tpu.memory_space<hbm>> -> memref<512xf32, #tpu.memory_space<hbm>>
    %dma_start3A_497 = arith.constant 11264 : i32
    %dma_start3A_498 = tpu.memref_slice %arg8[%dma_start3A_497] : memref<13312xf32, #tpu.memory_space<vmem>> -> memref<512xf32, #tpu.memory_space<vmem>>
    %dma_start3A_499 = tpu.memref_slice %arg3[%dma_start3A_492, %add3A_54] : memref<1x425984xf32, #tpu.memory_space<hbm>> -> memref<1x512xf32, #tpu.memory_space<hbm>>
    %dma_start3A_500 = tpu.memref_squeeze %dma_start3A_499 : memref<1x512xf32, #tpu.memory_space<hbm>> -> memref<512xf32, #tpu.memory_space<hbm>>
    tpu.enqueue_dma source(%dma_start3A_500 : memref<512xf32, #tpu.memory_space<hbm>>) target(%dma_start3A_498 : memref<512xf32, #tpu.memory_space<vmem>>) target_semaphore(%arg15 : memref<!tpu.dma_semaphore, #tpu.memory_space<semaphore_mem>>)
    %dma_start3A_501 = arith.constant 0 : i32
    %dma_start3A_502 = arith.constant 11776 : i32
    %dma_start3A_503 = tpu.memref_slice %arg8[%dma_start3A_502] : memref<13312xf32, #tpu.memory_space<vmem>> -> memref<512xf32, #tpu.memory_space<vmem>>
    %dma_start3A_504 = tpu.memref_slice %arg3[%dma_start3A_501, %add3A_56] : memref<1x425984xf32, #tpu.memory_space<hbm>> -> memref<1x512xf32, #tpu.memory_space<hbm>>
    %dma_start3A_505 = tpu.memref_squeeze %dma_start3A_504 : memref<1x512xf32, #tpu.memory_space<hbm>> -> memref<512xf32, #tpu.memory_space<hbm>>
    %dma_start3A_506 = arith.constant 11776 : i32
    %dma_start3A_507 = tpu.memref_slice %arg8[%dma_start3A_506] : memref<13312xf32, #tpu.memory_space<vmem>> -> memref<512xf32, #tpu.memory_space<vmem>>
    %dma_start3A_508 = tpu.memref_slice %arg3[%dma_start3A_501, %add3A_56] : memref<1x425984xf32, #tpu.memory_space<hbm>> -> memref<1x512xf32, #tpu.memory_space<hbm>>
    %dma_start3A_509 = tpu.memref_squeeze %dma_start3A_508 : memref<1x512xf32, #tpu.memory_space<hbm>> -> memref<512xf32, #tpu.memory_space<hbm>>
    tpu.enqueue_dma source(%dma_start3A_509 : memref<512xf32, #tpu.memory_space<hbm>>) target(%dma_start3A_507 : memref<512xf32, #tpu.memory_space<vmem>>) target_semaphore(%arg15 : memref<!tpu.dma_semaphore, #tpu.memory_space<semaphore_mem>>)
    %dma_start3A_510 = arith.constant 0 : i32
    %dma_start3A_511 = arith.constant 12288 : i32
    %dma_start3A_512 = tpu.memref_slice %arg8[%dma_start3A_511] : memref<13312xf32, #tpu.memory_space<vmem>> -> memref<512xf32, #tpu.memory_space<vmem>>
    %dma_start3A_513 = tpu.memref_slice %arg3[%dma_start3A_510, %add3A_58] : memref<1x425984xf32, #tpu.memory_space<hbm>> -> memref<1x512xf32, #tpu.memory_space<hbm>>
    %dma_start3A_514 = tpu.memref_squeeze %dma_start3A_513 : memref<1x512xf32, #tpu.memory_space<hbm>> -> memref<512xf32, #tpu.memory_space<hbm>>
    %dma_start3A_515 = arith.constant 12288 : i32
    %dma_start3A_516 = tpu.memref_slice %arg8[%dma_start3A_515] : memref<13312xf32, #tpu.memory_space<vmem>> -> memref<512xf32, #tpu.memory_space<vmem>>
    %dma_start3A_517 = tpu.memref_slice %arg3[%dma_start3A_510, %add3A_58] : memref<1x425984xf32, #tpu.memory_space<hbm>> -> memref<1x512xf32, #tpu.memory_space<hbm>>
    %dma_start3A_518 = tpu.memref_squeeze %dma_start3A_517 : memref<1x512xf32, #tpu.memory_space<hbm>> -> memref<512xf32, #tpu.memory_space<hbm>>
    tpu.enqueue_dma source(%dma_start3A_518 : memref<512xf32, #tpu.memory_space<hbm>>) target(%dma_start3A_516 : memref<512xf32, #tpu.memory_space<vmem>>) target_semaphore(%arg15 : memref<!tpu.dma_semaphore, #tpu.memory_space<semaphore_mem>>)
    %dma_start3A_519 = arith.constant 0 : i32
    %dma_start3A_520 = arith.constant 12800 : i32
    %dma_start3A_521 = tpu.memref_slice %arg8[%dma_start3A_520] : memref<13312xf32, #tpu.memory_space<vmem>> -> memref<512xf32, #tpu.memory_space<vmem>>
    %dma_start3A_522 = tpu.memref_slice %arg3[%dma_start3A_519, %add3A_60] : memref<1x425984xf32, #tpu.memory_space<hbm>> -> memref<1x512xf32, #tpu.memory_space<hbm>>
    %dma_start3A_523 = tpu.memref_squeeze %dma_start3A_522 : memref<1x512xf32, #tpu.memory_space<hbm>> -> memref<512xf32, #tpu.memory_space<hbm>>
    %dma_start3A_524 = arith.constant 12800 : i32
    %dma_start3A_525 = tpu.memref_slice %arg8[%dma_start3A_524] : memref<13312xf32, #tpu.memory_space<vmem>> -> memref<512xf32, #tpu.memory_space<vmem>>
    %dma_start3A_526 = tpu.memref_slice %arg3[%dma_start3A_519, %add3A_60] : memref<1x425984xf32, #tpu.memory_space<hbm>> -> memref<1x512xf32, #tpu.memory_space<hbm>>
    %dma_start3A_527 = tpu.memref_squeeze %dma_start3A_526 : memref<1x512xf32, #tpu.memory_space<hbm>> -> memref<512xf32, #tpu.memory_space<hbm>>
    tpu.enqueue_dma source(%dma_start3A_527 : memref<512xf32, #tpu.memory_space<hbm>>) target(%dma_start3A_525 : memref<512xf32, #tpu.memory_space<vmem>>) target_semaphore(%arg15 : memref<!tpu.dma_semaphore, #tpu.memory_space<semaphore_mem>>)
    "tpu.region"() ({
      %run_scoped3A = tpu.sem_alloc : memref<!tpu.dma_semaphore, #tpu.memory_space<semaphore_mem>>
      tpu.enqueue_dma source(%arg5 : memref<16xf32, #tpu.memory_space<hbm>>) target(%arg11 : memref<16xf32, #tpu.memory_space<vmem>>) target_semaphore(%run_scoped3A : memref<!tpu.dma_semaphore, #tpu.memory_space<semaphore_mem>>)
      tpu.wait_dma2 semaphore(%run_scoped3A : memref<!tpu.dma_semaphore, #tpu.memory_space<semaphore_mem>>) src(%arg5 : memref<16xf32, #tpu.memory_space<hbm>>) dst(%arg11 : memref<16xf32, #tpu.memory_space<vmem>>)
      tpu.yield
    }) : () -> ()
    %dma_wait3A = arith.constant 0 : i32
    %dma_wait3A_528 = arith.constant 0 : i32
    %dma_wait3A_529 = tpu.memref_slice %arg7[%dma_wait3A_528] : memref<13312xi32, #tpu.memory_space<vmem>> -> memref<512xi32, #tpu.memory_space<vmem>>
    %dma_wait3A_530 = tpu.memref_slice %arg2[%dma_wait3A, %mul3A_2] : memref<26x16384xi32, #tpu.memory_space<hbm>> -> memref<1x512xi32, #tpu.memory_space<hbm>>
    %dma_wait3A_531 = tpu.memref_squeeze %dma_wait3A_530 : memref<1x512xi32, #tpu.memory_space<hbm>> -> memref<512xi32, #tpu.memory_space<hbm>>
    %dma_wait3A_532 = arith.constant 0 : i32
    %dma_wait3A_533 = tpu.memref_slice %arg7[%dma_wait3A_532] : memref<13312xi32, #tpu.memory_space<vmem>> -> memref<512xi32, #tpu.memory_space<vmem>>
    %dma_wait3A_534 = tpu.memref_slice %arg2[%dma_wait3A, %mul3A_2] : memref<26x16384xi32, #tpu.memory_space<hbm>> -> memref<1x512xi32, #tpu.memory_space<hbm>>
    %dma_wait3A_535 = tpu.memref_squeeze %dma_wait3A_534 : memref<1x512xi32, #tpu.memory_space<hbm>> -> memref<512xi32, #tpu.memory_space<hbm>>
    tpu.wait_dma2 semaphore(%arg13 : memref<!tpu.dma_semaphore, #tpu.memory_space<semaphore_mem>>) src(%dma_wait3A_535 : memref<512xi32, #tpu.memory_space<hbm>>) dst(%dma_wait3A_533 : memref<512xi32, #tpu.memory_space<vmem>>)
    %dma_wait3A_536 = arith.constant 1 : i32
    %dma_wait3A_537 = arith.constant 512 : i32
    %dma_wait3A_538 = tpu.memref_slice %arg7[%dma_wait3A_537] : memref<13312xi32, #tpu.memory_space<vmem>> -> memref<512xi32, #tpu.memory_space<vmem>>
    %dma_wait3A_539 = tpu.memref_slice %arg2[%dma_wait3A_536, %mul3A_2] : memref<26x16384xi32, #tpu.memory_space<hbm>> -> memref<1x512xi32, #tpu.memory_space<hbm>>
    %dma_wait3A_540 = tpu.memref_squeeze %dma_wait3A_539 : memref<1x512xi32, #tpu.memory_space<hbm>> -> memref<512xi32, #tpu.memory_space<hbm>>
    %dma_wait3A_541 = arith.constant 512 : i32
    %dma_wait3A_542 = tpu.memref_slice %arg7[%dma_wait3A_541] : memref<13312xi32, #tpu.memory_space<vmem>> -> memref<512xi32, #tpu.memory_space<vmem>>
    %dma_wait3A_543 = tpu.memref_slice %arg2[%dma_wait3A_536, %mul3A_2] : memref<26x16384xi32, #tpu.memory_space<hbm>> -> memref<1x512xi32, #tpu.memory_space<hbm>>
    %dma_wait3A_544 = tpu.memref_squeeze %dma_wait3A_543 : memref<1x512xi32, #tpu.memory_space<hbm>> -> memref<512xi32, #tpu.memory_space<hbm>>
    tpu.wait_dma2 semaphore(%arg13 : memref<!tpu.dma_semaphore, #tpu.memory_space<semaphore_mem>>) src(%dma_wait3A_544 : memref<512xi32, #tpu.memory_space<hbm>>) dst(%dma_wait3A_542 : memref<512xi32, #tpu.memory_space<vmem>>)
    %dma_wait3A_545 = arith.constant 2 : i32
    %dma_wait3A_546 = arith.constant 1024 : i32
    %dma_wait3A_547 = tpu.memref_slice %arg7[%dma_wait3A_546] : memref<13312xi32, #tpu.memory_space<vmem>> -> memref<512xi32, #tpu.memory_space<vmem>>
    %dma_wait3A_548 = tpu.memref_slice %arg2[%dma_wait3A_545, %mul3A_2] : memref<26x16384xi32, #tpu.memory_space<hbm>> -> memref<1x512xi32, #tpu.memory_space<hbm>>
    %dma_wait3A_549 = tpu.memref_squeeze %dma_wait3A_548 : memref<1x512xi32, #tpu.memory_space<hbm>> -> memref<512xi32, #tpu.memory_space<hbm>>
    %dma_wait3A_550 = arith.constant 1024 : i32
    %dma_wait3A_551 = tpu.memref_slice %arg7[%dma_wait3A_550] : memref<13312xi32, #tpu.memory_space<vmem>> -> memref<512xi32, #tpu.memory_space<vmem>>
    %dma_wait3A_552 = tpu.memref_slice %arg2[%dma_wait3A_545, %mul3A_2] : memref<26x16384xi32, #tpu.memory_space<hbm>> -> memref<1x512xi32, #tpu.memory_space<hbm>>
    %dma_wait3A_553 = tpu.memref_squeeze %dma_wait3A_552 : memref<1x512xi32, #tpu.memory_space<hbm>> -> memref<512xi32, #tpu.memory_space<hbm>>
    tpu.wait_dma2 semaphore(%arg13 : memref<!tpu.dma_semaphore, #tpu.memory_space<semaphore_mem>>) src(%dma_wait3A_553 : memref<512xi32, #tpu.memory_space<hbm>>) dst(%dma_wait3A_551 : memref<512xi32, #tpu.memory_space<vmem>>)
    %dma_wait3A_554 = arith.constant 3 : i32
    %dma_wait3A_555 = arith.constant 1536 : i32
    %dma_wait3A_556 = tpu.memref_slice %arg7[%dma_wait3A_555] : memref<13312xi32, #tpu.memory_space<vmem>> -> memref<512xi32, #tpu.memory_space<vmem>>
    %dma_wait3A_557 = tpu.memref_slice %arg2[%dma_wait3A_554, %mul3A_2] : memref<26x16384xi32, #tpu.memory_space<hbm>> -> memref<1x512xi32, #tpu.memory_space<hbm>>
    %dma_wait3A_558 = tpu.memref_squeeze %dma_wait3A_557 : memref<1x512xi32, #tpu.memory_space<hbm>> -> memref<512xi32, #tpu.memory_space<hbm>>
    %dma_wait3A_559 = arith.constant 1536 : i32
    %dma_wait3A_560 = tpu.memref_slice %arg7[%dma_wait3A_559] : memref<13312xi32, #tpu.memory_space<vmem>> -> memref<512xi32, #tpu.memory_space<vmem>>
    %dma_wait3A_561 = tpu.memref_slice %arg2[%dma_wait3A_554, %mul3A_2] : memref<26x16384xi32, #tpu.memory_space<hbm>> -> memref<1x512xi32, #tpu.memory_space<hbm>>
    %dma_wait3A_562 = tpu.memref_squeeze %dma_wait3A_561 : memref<1x512xi32, #tpu.memory_space<hbm>> -> memref<512xi32, #tpu.memory_space<hbm>>
    tpu.wait_dma2 semaphore(%arg13 : memref<!tpu.dma_semaphore, #tpu.memory_space<semaphore_mem>>) src(%dma_wait3A_562 : memref<512xi32, #tpu.memory_space<hbm>>) dst(%dma_wait3A_560 : memref<512xi32, #tpu.memory_space<vmem>>)
    %dma_wait3A_563 = arith.constant 4 : i32
    %dma_wait3A_564 = arith.constant 2048 : i32
    %dma_wait3A_565 = tpu.memref_slice %arg7[%dma_wait3A_564] : memref<13312xi32, #tpu.memory_space<vmem>> -> memref<512xi32, #tpu.memory_space<vmem>>
    %dma_wait3A_566 = tpu.memref_slice %arg2[%dma_wait3A_563, %mul3A_2] : memref<26x16384xi32, #tpu.memory_space<hbm>> -> memref<1x512xi32, #tpu.memory_space<hbm>>
    %dma_wait3A_567 = tpu.memref_squeeze %dma_wait3A_566 : memref<1x512xi32, #tpu.memory_space<hbm>> -> memref<512xi32, #tpu.memory_space<hbm>>
    %dma_wait3A_568 = arith.constant 2048 : i32
    %dma_wait3A_569 = tpu.memref_slice %arg7[%dma_wait3A_568] : memref<13312xi32, #tpu.memory_space<vmem>> -> memref<512xi32, #tpu.memory_space<vmem>>
    %dma_wait3A_570 = tpu.memref_slice %arg2[%dma_wait3A_563, %mul3A_2] : memref<26x16384xi32, #tpu.memory_space<hbm>> -> memref<1x512xi32, #tpu.memory_space<hbm>>
    %dma_wait3A_571 = tpu.memref_squeeze %dma_wait3A_570 : memref<1x512xi32, #tpu.memory_space<hbm>> -> memref<512xi32, #tpu.memory_space<hbm>>
    tpu.wait_dma2 semaphore(%arg13 : memref<!tpu.dma_semaphore, #tpu.memory_space<semaphore_mem>>) src(%dma_wait3A_571 : memref<512xi32, #tpu.memory_space<hbm>>) dst(%dma_wait3A_569 : memref<512xi32, #tpu.memory_space<vmem>>)
    %dma_wait3A_572 = arith.constant 5 : i32
    %dma_wait3A_573 = arith.constant 2560 : i32
    %dma_wait3A_574 = tpu.memref_slice %arg7[%dma_wait3A_573] : memref<13312xi32, #tpu.memory_space<vmem>> -> memref<512xi32, #tpu.memory_space<vmem>>
    %dma_wait3A_575 = tpu.memref_slice %arg2[%dma_wait3A_572, %mul3A_2] : memref<26x16384xi32, #tpu.memory_space<hbm>> -> memref<1x512xi32, #tpu.memory_space<hbm>>
    %dma_wait3A_576 = tpu.memref_squeeze %dma_wait3A_575 : memref<1x512xi32, #tpu.memory_space<hbm>> -> memref<512xi32, #tpu.memory_space<hbm>>
    %dma_wait3A_577 = arith.constant 2560 : i32
    %dma_wait3A_578 = tpu.memref_slice %arg7[%dma_wait3A_577] : memref<13312xi32, #tpu.memory_space<vmem>> -> memref<512xi32, #tpu.memory_space<vmem>>
    %dma_wait3A_579 = tpu.memref_slice %arg2[%dma_wait3A_572, %mul3A_2] : memref<26x16384xi32, #tpu.memory_space<hbm>> -> memref<1x512xi32, #tpu.memory_space<hbm>>
    %dma_wait3A_580 = tpu.memref_squeeze %dma_wait3A_579 : memref<1x512xi32, #tpu.memory_space<hbm>> -> memref<512xi32, #tpu.memory_space<hbm>>
    tpu.wait_dma2 semaphore(%arg13 : memref<!tpu.dma_semaphore, #tpu.memory_space<semaphore_mem>>) src(%dma_wait3A_580 : memref<512xi32, #tpu.memory_space<hbm>>) dst(%dma_wait3A_578 : memref<512xi32, #tpu.memory_space<vmem>>)
    %dma_wait3A_581 = arith.constant 6 : i32
    %dma_wait3A_582 = arith.constant 3072 : i32
    %dma_wait3A_583 = tpu.memref_slice %arg7[%dma_wait3A_582] : memref<13312xi32, #tpu.memory_space<vmem>> -> memref<512xi32, #tpu.memory_space<vmem>>
    %dma_wait3A_584 = tpu.memref_slice %arg2[%dma_wait3A_581, %mul3A_2] : memref<26x16384xi32, #tpu.memory_space<hbm>> -> memref<1x512xi32, #tpu.memory_space<hbm>>
    %dma_wait3A_585 = tpu.memref_squeeze %dma_wait3A_584 : memref<1x512xi32, #tpu.memory_space<hbm>> -> memref<512xi32, #tpu.memory_space<hbm>>
    %dma_wait3A_586 = arith.constant 3072 : i32
    %dma_wait3A_587 = tpu.memref_slice %arg7[%dma_wait3A_586] : memref<13312xi32, #tpu.memory_space<vmem>> -> memref<512xi32, #tpu.memory_space<vmem>>
    %dma_wait3A_588 = tpu.memref_slice %arg2[%dma_wait3A_581, %mul3A_2] : memref<26x16384xi32, #tpu.memory_space<hbm>> -> memref<1x512xi32, #tpu.memory_space<hbm>>
    %dma_wait3A_589 = tpu.memref_squeeze %dma_wait3A_588 : memref<1x512xi32, #tpu.memory_space<hbm>> -> memref<512xi32, #tpu.memory_space<hbm>>
    tpu.wait_dma2 semaphore(%arg13 : memref<!tpu.dma_semaphore, #tpu.memory_space<semaphore_mem>>) src(%dma_wait3A_589 : memref<512xi32, #tpu.memory_space<hbm>>) dst(%dma_wait3A_587 : memref<512xi32, #tpu.memory_space<vmem>>)
    %dma_wait3A_590 = arith.constant 7 : i32
    %dma_wait3A_591 = arith.constant 3584 : i32
    %dma_wait3A_592 = tpu.memref_slice %arg7[%dma_wait3A_591] : memref<13312xi32, #tpu.memory_space<vmem>> -> memref<512xi32, #tpu.memory_space<vmem>>
    %dma_wait3A_593 = tpu.memref_slice %arg2[%dma_wait3A_590, %mul3A_2] : memref<26x16384xi32, #tpu.memory_space<hbm>> -> memref<1x512xi32, #tpu.memory_space<hbm>>
    %dma_wait3A_594 = tpu.memref_squeeze %dma_wait3A_593 : memref<1x512xi32, #tpu.memory_space<hbm>> -> memref<512xi32, #tpu.memory_space<hbm>>
    %dma_wait3A_595 = arith.constant 3584 : i32
    %dma_wait3A_596 = tpu.memref_slice %arg7[%dma_wait3A_595] : memref<13312xi32, #tpu.memory_space<vmem>> -> memref<512xi32, #tpu.memory_space<vmem>>
    %dma_wait3A_597 = tpu.memref_slice %arg2[%dma_wait3A_590, %mul3A_2] : memref<26x16384xi32, #tpu.memory_space<hbm>> -> memref<1x512xi32, #tpu.memory_space<hbm>>
    %dma_wait3A_598 = tpu.memref_squeeze %dma_wait3A_597 : memref<1x512xi32, #tpu.memory_space<hbm>> -> memref<512xi32, #tpu.memory_space<hbm>>
    tpu.wait_dma2 semaphore(%arg13 : memref<!tpu.dma_semaphore, #tpu.memory_space<semaphore_mem>>) src(%dma_wait3A_598 : memref<512xi32, #tpu.memory_space<hbm>>) dst(%dma_wait3A_596 : memref<512xi32, #tpu.memory_space<vmem>>)
    %dma_wait3A_599 = arith.constant 8 : i32
    %dma_wait3A_600 = arith.constant 4096 : i32
    %dma_wait3A_601 = tpu.memref_slice %arg7[%dma_wait3A_600] : memref<13312xi32, #tpu.memory_space<vmem>> -> memref<512xi32, #tpu.memory_space<vmem>>
    %dma_wait3A_602 = tpu.memref_slice %arg2[%dma_wait3A_599, %mul3A_2] : memref<26x16384xi32, #tpu.memory_space<hbm>> -> memref<1x512xi32, #tpu.memory_space<hbm>>
    %dma_wait3A_603 = tpu.memref_squeeze %dma_wait3A_602 : memref<1x512xi32, #tpu.memory_space<hbm>> -> memref<512xi32, #tpu.memory_space<hbm>>
    %dma_wait3A_604 = arith.constant 4096 : i32
    %dma_wait3A_605 = tpu.memref_slice %arg7[%dma_wait3A_604] : memref<13312xi32, #tpu.memory_space<vmem>> -> memref<512xi32, #tpu.memory_space<vmem>>
    %dma_wait3A_606 = tpu.memref_slice %arg2[%dma_wait3A_599, %mul3A_2] : memref<26x16384xi32, #tpu.memory_space<hbm>> -> memref<1x512xi32, #tpu.memory_space<hbm>>
    %dma_wait3A_607 = tpu.memref_squeeze %dma_wait3A_606 : memref<1x512xi32, #tpu.memory_space<hbm>> -> memref<512xi32, #tpu.memory_space<hbm>>
    tpu.wait_dma2 semaphore(%arg13 : memref<!tpu.dma_semaphore, #tpu.memory_space<semaphore_mem>>) src(%dma_wait3A_607 : memref<512xi32, #tpu.memory_space<hbm>>) dst(%dma_wait3A_605 : memref<512xi32, #tpu.memory_space<vmem>>)
    %dma_wait3A_608 = arith.constant 9 : i32
    %dma_wait3A_609 = arith.constant 4608 : i32
    %dma_wait3A_610 = tpu.memref_slice %arg7[%dma_wait3A_609] : memref<13312xi32, #tpu.memory_space<vmem>> -> memref<512xi32, #tpu.memory_space<vmem>>
    %dma_wait3A_611 = tpu.memref_slice %arg2[%dma_wait3A_608, %mul3A_2] : memref<26x16384xi32, #tpu.memory_space<hbm>> -> memref<1x512xi32, #tpu.memory_space<hbm>>
    %dma_wait3A_612 = tpu.memref_squeeze %dma_wait3A_611 : memref<1x512xi32, #tpu.memory_space<hbm>> -> memref<512xi32, #tpu.memory_space<hbm>>
    %dma_wait3A_613 = arith.constant 4608 : i32
    %dma_wait3A_614 = tpu.memref_slice %arg7[%dma_wait3A_613] : memref<13312xi32, #tpu.memory_space<vmem>> -> memref<512xi32, #tpu.memory_space<vmem>>
    %dma_wait3A_615 = tpu.memref_slice %arg2[%dma_wait3A_608, %mul3A_2] : memref<26x16384xi32, #tpu.memory_space<hbm>> -> memref<1x512xi32, #tpu.memory_space<hbm>>
    %dma_wait3A_616 = tpu.memref_squeeze %dma_wait3A_615 : memref<1x512xi32, #tpu.memory_space<hbm>> -> memref<512xi32, #tpu.memory_space<hbm>>
    tpu.wait_dma2 semaphore(%arg13 : memref<!tpu.dma_semaphore, #tpu.memory_space<semaphore_mem>>) src(%dma_wait3A_616 : memref<512xi32, #tpu.memory_space<hbm>>) dst(%dma_wait3A_614 : memref<512xi32, #tpu.memory_space<vmem>>)
    %dma_wait3A_617 = arith.constant 10 : i32
    %dma_wait3A_618 = arith.constant 5120 : i32
    %dma_wait3A_619 = tpu.memref_slice %arg7[%dma_wait3A_618] : memref<13312xi32, #tpu.memory_space<vmem>> -> memref<512xi32, #tpu.memory_space<vmem>>
    %dma_wait3A_620 = tpu.memref_slice %arg2[%dma_wait3A_617, %mul3A_2] : memref<26x16384xi32, #tpu.memory_space<hbm>> -> memref<1x512xi32, #tpu.memory_space<hbm>>
    %dma_wait3A_621 = tpu.memref_squeeze %dma_wait3A_620 : memref<1x512xi32, #tpu.memory_space<hbm>> -> memref<512xi32, #tpu.memory_space<hbm>>
    %dma_wait3A_622 = arith.constant 5120 : i32
    %dma_wait3A_623 = tpu.memref_slice %arg7[%dma_wait3A_622] : memref<13312xi32, #tpu.memory_space<vmem>> -> memref<512xi32, #tpu.memory_space<vmem>>
    %dma_wait3A_624 = tpu.memref_slice %arg2[%dma_wait3A_617, %mul3A_2] : memref<26x16384xi32, #tpu.memory_space<hbm>> -> memref<1x512xi32, #tpu.memory_space<hbm>>
    %dma_wait3A_625 = tpu.memref_squeeze %dma_wait3A_624 : memref<1x512xi32, #tpu.memory_space<hbm>> -> memref<512xi32, #tpu.memory_space<hbm>>
    tpu.wait_dma2 semaphore(%arg13 : memref<!tpu.dma_semaphore, #tpu.memory_space<semaphore_mem>>) src(%dma_wait3A_625 : memref<512xi32, #tpu.memory_space<hbm>>) dst(%dma_wait3A_623 : memref<512xi32, #tpu.memory_space<vmem>>)
    %dma_wait3A_626 = arith.constant 11 : i32
    %dma_wait3A_627 = arith.constant 5632 : i32
    %dma_wait3A_628 = tpu.memref_slice %arg7[%dma_wait3A_627] : memref<13312xi32, #tpu.memory_space<vmem>> -> memref<512xi32, #tpu.memory_space<vmem>>
    %dma_wait3A_629 = tpu.memref_slice %arg2[%dma_wait3A_626, %mul3A_2] : memref<26x16384xi32, #tpu.memory_space<hbm>> -> memref<1x512xi32, #tpu.memory_space<hbm>>
    %dma_wait3A_630 = tpu.memref_squeeze %dma_wait3A_629 : memref<1x512xi32, #tpu.memory_space<hbm>> -> memref<512xi32, #tpu.memory_space<hbm>>
    %dma_wait3A_631 = arith.constant 5632 : i32
    %dma_wait3A_632 = tpu.memref_slice %arg7[%dma_wait3A_631] : memref<13312xi32, #tpu.memory_space<vmem>> -> memref<512xi32, #tpu.memory_space<vmem>>
    %dma_wait3A_633 = tpu.memref_slice %arg2[%dma_wait3A_626, %mul3A_2] : memref<26x16384xi32, #tpu.memory_space<hbm>> -> memref<1x512xi32, #tpu.memory_space<hbm>>
    %dma_wait3A_634 = tpu.memref_squeeze %dma_wait3A_633 : memref<1x512xi32, #tpu.memory_space<hbm>> -> memref<512xi32, #tpu.memory_space<hbm>>
    tpu.wait_dma2 semaphore(%arg13 : memref<!tpu.dma_semaphore, #tpu.memory_space<semaphore_mem>>) src(%dma_wait3A_634 : memref<512xi32, #tpu.memory_space<hbm>>) dst(%dma_wait3A_632 : memref<512xi32, #tpu.memory_space<vmem>>)
    %dma_wait3A_635 = arith.constant 12 : i32
    %dma_wait3A_636 = arith.constant 6144 : i32
    %dma_wait3A_637 = tpu.memref_slice %arg7[%dma_wait3A_636] : memref<13312xi32, #tpu.memory_space<vmem>> -> memref<512xi32, #tpu.memory_space<vmem>>
    %dma_wait3A_638 = tpu.memref_slice %arg2[%dma_wait3A_635, %mul3A_2] : memref<26x16384xi32, #tpu.memory_space<hbm>> -> memref<1x512xi32, #tpu.memory_space<hbm>>
    %dma_wait3A_639 = tpu.memref_squeeze %dma_wait3A_638 : memref<1x512xi32, #tpu.memory_space<hbm>> -> memref<512xi32, #tpu.memory_space<hbm>>
    %dma_wait3A_640 = arith.constant 6144 : i32
    %dma_wait3A_641 = tpu.memref_slice %arg7[%dma_wait3A_640] : memref<13312xi32, #tpu.memory_space<vmem>> -> memref<512xi32, #tpu.memory_space<vmem>>
    %dma_wait3A_642 = tpu.memref_slice %arg2[%dma_wait3A_635, %mul3A_2] : memref<26x16384xi32, #tpu.memory_space<hbm>> -> memref<1x512xi32, #tpu.memory_space<hbm>>
    %dma_wait3A_643 = tpu.memref_squeeze %dma_wait3A_642 : memref<1x512xi32, #tpu.memory_space<hbm>> -> memref<512xi32, #tpu.memory_space<hbm>>
    tpu.wait_dma2 semaphore(%arg13 : memref<!tpu.dma_semaphore, #tpu.memory_space<semaphore_mem>>) src(%dma_wait3A_643 : memref<512xi32, #tpu.memory_space<hbm>>) dst(%dma_wait3A_641 : memref<512xi32, #tpu.memory_space<vmem>>)
    %dma_wait3A_644 = arith.constant 13 : i32
    %dma_wait3A_645 = arith.constant 6656 : i32
    %dma_wait3A_646 = tpu.memref_slice %arg7[%dma_wait3A_645] : memref<13312xi32, #tpu.memory_space<vmem>> -> memref<512xi32, #tpu.memory_space<vmem>>
    %dma_wait3A_647 = tpu.memref_slice %arg2[%dma_wait3A_644, %mul3A_2] : memref<26x16384xi32, #tpu.memory_space<hbm>> -> memref<1x512xi32, #tpu.memory_space<hbm>>
    %dma_wait3A_648 = tpu.memref_squeeze %dma_wait3A_647 : memref<1x512xi32, #tpu.memory_space<hbm>> -> memref<512xi32, #tpu.memory_space<hbm>>
    %dma_wait3A_649 = arith.constant 6656 : i32
    %dma_wait3A_650 = tpu.memref_slice %arg7[%dma_wait3A_649] : memref<13312xi32, #tpu.memory_space<vmem>> -> memref<512xi32, #tpu.memory_space<vmem>>
    %dma_wait3A_651 = tpu.memref_slice %arg2[%dma_wait3A_644, %mul3A_2] : memref<26x16384xi32, #tpu.memory_space<hbm>> -> memref<1x512xi32, #tpu.memory_space<hbm>>
    %dma_wait3A_652 = tpu.memref_squeeze %dma_wait3A_651 : memref<1x512xi32, #tpu.memory_space<hbm>> -> memref<512xi32, #tpu.memory_space<hbm>>
    tpu.wait_dma2 semaphore(%arg13 : memref<!tpu.dma_semaphore, #tpu.memory_space<semaphore_mem>>) src(%dma_wait3A_652 : memref<512xi32, #tpu.memory_space<hbm>>) dst(%dma_wait3A_650 : memref<512xi32, #tpu.memory_space<vmem>>)
    %dma_wait3A_653 = arith.constant 14 : i32
    %dma_wait3A_654 = arith.constant 7168 : i32
    %dma_wait3A_655 = tpu.memref_slice %arg7[%dma_wait3A_654] : memref<13312xi32, #tpu.memory_space<vmem>> -> memref<512xi32, #tpu.memory_space<vmem>>
    %dma_wait3A_656 = tpu.memref_slice %arg2[%dma_wait3A_653, %mul3A_2] : memref<26x16384xi32, #tpu.memory_space<hbm>> -> memref<1x512xi32, #tpu.memory_space<hbm>>
    %dma_wait3A_657 = tpu.memref_squeeze %dma_wait3A_656 : memref<1x512xi32, #tpu.memory_space<hbm>> -> memref<512xi32, #tpu.memory_space<hbm>>
    %dma_wait3A_658 = arith.constant 7168 : i32
    %dma_wait3A_659 = tpu.memref_slice %arg7[%dma_wait3A_658] : memref<13312xi32, #tpu.memory_space<vmem>> -> memref<512xi32, #tpu.memory_space<vmem>>
    %dma_wait3A_660 = tpu.memref_slice %arg2[%dma_wait3A_653, %mul3A_2] : memref<26x16384xi32, #tpu.memory_space<hbm>> -> memref<1x512xi32, #tpu.memory_space<hbm>>
    %dma_wait3A_661 = tpu.memref_squeeze %dma_wait3A_660 : memref<1x512xi32, #tpu.memory_space<hbm>> -> memref<512xi32, #tpu.memory_space<hbm>>
    tpu.wait_dma2 semaphore(%arg13 : memref<!tpu.dma_semaphore, #tpu.memory_space<semaphore_mem>>) src(%dma_wait3A_661 : memref<512xi32, #tpu.memory_space<hbm>>) dst(%dma_wait3A_659 : memref<512xi32, #tpu.memory_space<vmem>>)
    %dma_wait3A_662 = arith.constant 15 : i32
    %dma_wait3A_663 = arith.constant 7680 : i32
    %dma_wait3A_664 = tpu.memref_slice %arg7[%dma_wait3A_663] : memref<13312xi32, #tpu.memory_space<vmem>> -> memref<512xi32, #tpu.memory_space<vmem>>
    %dma_wait3A_665 = tpu.memref_slice %arg2[%dma_wait3A_662, %mul3A_2] : memref<26x16384xi32, #tpu.memory_space<hbm>> -> memref<1x512xi32, #tpu.memory_space<hbm>>
    %dma_wait3A_666 = tpu.memref_squeeze %dma_wait3A_665 : memref<1x512xi32, #tpu.memory_space<hbm>> -> memref<512xi32, #tpu.memory_space<hbm>>
    %dma_wait3A_667 = arith.constant 7680 : i32
    %dma_wait3A_668 = tpu.memref_slice %arg7[%dma_wait3A_667] : memref<13312xi32, #tpu.memory_space<vmem>> -> memref<512xi32, #tpu.memory_space<vmem>>
    %dma_wait3A_669 = tpu.memref_slice %arg2[%dma_wait3A_662, %mul3A_2] : memref<26x16384xi32, #tpu.memory_space<hbm>> -> memref<1x512xi32, #tpu.memory_space<hbm>>
    %dma_wait3A_670 = tpu.memref_squeeze %dma_wait3A_669 : memref<1x512xi32, #tpu.memory_space<hbm>> -> memref<512xi32, #tpu.memory_space<hbm>>
    tpu.wait_dma2 semaphore(%arg13 : memref<!tpu.dma_semaphore, #tpu.memory_space<semaphore_mem>>) src(%dma_wait3A_670 : memref<512xi32, #tpu.memory_space<hbm>>) dst(%dma_wait3A_668 : memref<512xi32, #tpu.memory_space<vmem>>)
    %dma_wait3A_671 = arith.constant 16 : i32
    %dma_wait3A_672 = arith.constant 8192 : i32
    %dma_wait3A_673 = tpu.memref_slice %arg7[%dma_wait3A_672] : memref<13312xi32, #tpu.memory_space<vmem>> -> memref<512xi32, #tpu.memory_space<vmem>>
    %dma_wait3A_674 = tpu.memref_slice %arg2[%dma_wait3A_671, %mul3A_2] : memref<26x16384xi32, #tpu.memory_space<hbm>> -> memref<1x512xi32, #tpu.memory_space<hbm>>
    %dma_wait3A_675 = tpu.memref_squeeze %dma_wait3A_674 : memref<1x512xi32, #tpu.memory_space<hbm>> -> memref<512xi32, #tpu.memory_space<hbm>>
    %dma_wait3A_676 = arith.constant 8192 : i32
    %dma_wait3A_677 = tpu.memref_slice %arg7[%dma_wait3A_676] : memref<13312xi32, #tpu.memory_space<vmem>> -> memref<512xi32, #tpu.memory_space<vmem>>
    %dma_wait3A_678 = tpu.memref_slice %arg2[%dma_wait3A_671, %mul3A_2] : memref<26x16384xi32, #tpu.memory_space<hbm>> -> memref<1x512xi32, #tpu.memory_space<hbm>>
    %dma_wait3A_679 = tpu.memref_squeeze %dma_wait3A_678 : memref<1x512xi32, #tpu.memory_space<hbm>> -> memref<512xi32, #tpu.memory_space<hbm>>
    tpu.wait_dma2 semaphore(%arg13 : memref<!tpu.dma_semaphore, #tpu.memory_space<semaphore_mem>>) src(%dma_wait3A_679 : memref<512xi32, #tpu.memory_space<hbm>>) dst(%dma_wait3A_677 : memref<512xi32, #tpu.memory_space<vmem>>)
    %dma_wait3A_680 = arith.constant 17 : i32
    %dma_wait3A_681 = arith.constant 8704 : i32
    %dma_wait3A_682 = tpu.memref_slice %arg7[%dma_wait3A_681] : memref<13312xi32, #tpu.memory_space<vmem>> -> memref<512xi32, #tpu.memory_space<vmem>>
    %dma_wait3A_683 = tpu.memref_slice %arg2[%dma_wait3A_680, %mul3A_2] : memref<26x16384xi32, #tpu.memory_space<hbm>> -> memref<1x512xi32, #tpu.memory_space<hbm>>
    %dma_wait3A_684 = tpu.memref_squeeze %dma_wait3A_683 : memref<1x512xi32, #tpu.memory_space<hbm>> -> memref<512xi32, #tpu.memory_space<hbm>>
    %dma_wait3A_685 = arith.constant 8704 : i32
    %dma_wait3A_686 = tpu.memref_slice %arg7[%dma_wait3A_685] : memref<13312xi32, #tpu.memory_space<vmem>> -> memref<512xi32, #tpu.memory_space<vmem>>
    %dma_wait3A_687 = tpu.memref_slice %arg2[%dma_wait3A_680, %mul3A_2] : memref<26x16384xi32, #tpu.memory_space<hbm>> -> memref<1x512xi32, #tpu.memory_space<hbm>>
    %dma_wait3A_688 = tpu.memref_squeeze %dma_wait3A_687 : memref<1x512xi32, #tpu.memory_space<hbm>> -> memref<512xi32, #tpu.memory_space<hbm>>
    tpu.wait_dma2 semaphore(%arg13 : memref<!tpu.dma_semaphore, #tpu.memory_space<semaphore_mem>>) src(%dma_wait3A_688 : memref<512xi32, #tpu.memory_space<hbm>>) dst(%dma_wait3A_686 : memref<512xi32, #tpu.memory_space<vmem>>)
    %dma_wait3A_689 = arith.constant 18 : i32
    %dma_wait3A_690 = arith.constant 9216 : i32
    %dma_wait3A_691 = tpu.memref_slice %arg7[%dma_wait3A_690] : memref<13312xi32, #tpu.memory_space<vmem>> -> memref<512xi32, #tpu.memory_space<vmem>>
    %dma_wait3A_692 = tpu.memref_slice %arg2[%dma_wait3A_689, %mul3A_2] : memref<26x16384xi32, #tpu.memory_space<hbm>> -> memref<1x512xi32, #tpu.memory_space<hbm>>
    %dma_wait3A_693 = tpu.memref_squeeze %dma_wait3A_692 : memref<1x512xi32, #tpu.memory_space<hbm>> -> memref<512xi32, #tpu.memory_space<hbm>>
    %dma_wait3A_694 = arith.constant 9216 : i32
    %dma_wait3A_695 = tpu.memref_slice %arg7[%dma_wait3A_694] : memref<13312xi32, #tpu.memory_space<vmem>> -> memref<512xi32, #tpu.memory_space<vmem>>
    %dma_wait3A_696 = tpu.memref_slice %arg2[%dma_wait3A_689, %mul3A_2] : memref<26x16384xi32, #tpu.memory_space<hbm>> -> memref<1x512xi32, #tpu.memory_space<hbm>>
    %dma_wait3A_697 = tpu.memref_squeeze %dma_wait3A_696 : memref<1x512xi32, #tpu.memory_space<hbm>> -> memref<512xi32, #tpu.memory_space<hbm>>
    tpu.wait_dma2 semaphore(%arg13 : memref<!tpu.dma_semaphore, #tpu.memory_space<semaphore_mem>>) src(%dma_wait3A_697 : memref<512xi32, #tpu.memory_space<hbm>>) dst(%dma_wait3A_695 : memref<512xi32, #tpu.memory_space<vmem>>)
    %dma_wait3A_698 = arith.constant 19 : i32
    %dma_wait3A_699 = arith.constant 9728 : i32
    %dma_wait3A_700 = tpu.memref_slice %arg7[%dma_wait3A_699] : memref<13312xi32, #tpu.memory_space<vmem>> -> memref<512xi32, #tpu.memory_space<vmem>>
    %dma_wait3A_701 = tpu.memref_slice %arg2[%dma_wait3A_698, %mul3A_2] : memref<26x16384xi32, #tpu.memory_space<hbm>> -> memref<1x512xi32, #tpu.memory_space<hbm>>
    %dma_wait3A_702 = tpu.memref_squeeze %dma_wait3A_701 : memref<1x512xi32, #tpu.memory_space<hbm>> -> memref<512xi32, #tpu.memory_space<hbm>>
    %dma_wait3A_703 = arith.constant 9728 : i32
    %dma_wait3A_704 = tpu.memref_slice %arg7[%dma_wait3A_703] : memref<13312xi32, #tpu.memory_space<vmem>> -> memref<512xi32, #tpu.memory_space<vmem>>
    %dma_wait3A_705 = tpu.memref_slice %arg2[%dma_wait3A_698, %mul3A_2] : memref<26x16384xi32, #tpu.memory_space<hbm>> -> memref<1x512xi32, #tpu.memory_space<hbm>>
    %dma_wait3A_706 = tpu.memref_squeeze %dma_wait3A_705 : memref<1x512xi32, #tpu.memory_space<hbm>> -> memref<512xi32, #tpu.memory_space<hbm>>
    tpu.wait_dma2 semaphore(%arg13 : memref<!tpu.dma_semaphore, #tpu.memory_space<semaphore_mem>>) src(%dma_wait3A_706 : memref<512xi32, #tpu.memory_space<hbm>>) dst(%dma_wait3A_704 : memref<512xi32, #tpu.memory_space<vmem>>)
    %dma_wait3A_707 = arith.constant 20 : i32
    %dma_wait3A_708 = arith.constant 10240 : i32
    %dma_wait3A_709 = tpu.memref_slice %arg7[%dma_wait3A_708] : memref<13312xi32, #tpu.memory_space<vmem>> -> memref<512xi32, #tpu.memory_space<vmem>>
    %dma_wait3A_710 = tpu.memref_slice %arg2[%dma_wait3A_707, %mul3A_2] : memref<26x16384xi32, #tpu.memory_space<hbm>> -> memref<1x512xi32, #tpu.memory_space<hbm>>
    %dma_wait3A_711 = tpu.memref_squeeze %dma_wait3A_710 : memref<1x512xi32, #tpu.memory_space<hbm>> -> memref<512xi32, #tpu.memory_space<hbm>>
    %dma_wait3A_712 = arith.constant 10240 : i32
    %dma_wait3A_713 = tpu.memref_slice %arg7[%dma_wait3A_712] : memref<13312xi32, #tpu.memory_space<vmem>> -> memref<512xi32, #tpu.memory_space<vmem>>
    %dma_wait3A_714 = tpu.memref_slice %arg2[%dma_wait3A_707, %mul3A_2] : memref<26x16384xi32, #tpu.memory_space<hbm>> -> memref<1x512xi32, #tpu.memory_space<hbm>>
    %dma_wait3A_715 = tpu.memref_squeeze %dma_wait3A_714 : memref<1x512xi32, #tpu.memory_space<hbm>> -> memref<512xi32, #tpu.memory_space<hbm>>
    tpu.wait_dma2 semaphore(%arg13 : memref<!tpu.dma_semaphore, #tpu.memory_space<semaphore_mem>>) src(%dma_wait3A_715 : memref<512xi32, #tpu.memory_space<hbm>>) dst(%dma_wait3A_713 : memref<512xi32, #tpu.memory_space<vmem>>)
    %dma_wait3A_716 = arith.constant 21 : i32
    %dma_wait3A_717 = arith.constant 10752 : i32
    %dma_wait3A_718 = tpu.memref_slice %arg7[%dma_wait3A_717] : memref<13312xi32, #tpu.memory_space<vmem>> -> memref<512xi32, #tpu.memory_space<vmem>>
    %dma_wait3A_719 = tpu.memref_slice %arg2[%dma_wait3A_716, %mul3A_2] : memref<26x16384xi32, #tpu.memory_space<hbm>> -> memref<1x512xi32, #tpu.memory_space<hbm>>
    %dma_wait3A_720 = tpu.memref_squeeze %dma_wait3A_719 : memref<1x512xi32, #tpu.memory_space<hbm>> -> memref<512xi32, #tpu.memory_space<hbm>>
    %dma_wait3A_721 = arith.constant 10752 : i32
    %dma_wait3A_722 = tpu.memref_slice %arg7[%dma_wait3A_721] : memref<13312xi32, #tpu.memory_space<vmem>> -> memref<512xi32, #tpu.memory_space<vmem>>
    %dma_wait3A_723 = tpu.memref_slice %arg2[%dma_wait3A_716, %mul3A_2] : memref<26x16384xi32, #tpu.memory_space<hbm>> -> memref<1x512xi32, #tpu.memory_space<hbm>>
    %dma_wait3A_724 = tpu.memref_squeeze %dma_wait3A_723 : memref<1x512xi32, #tpu.memory_space<hbm>> -> memref<512xi32, #tpu.memory_space<hbm>>
    tpu.wait_dma2 semaphore(%arg13 : memref<!tpu.dma_semaphore, #tpu.memory_space<semaphore_mem>>) src(%dma_wait3A_724 : memref<512xi32, #tpu.memory_space<hbm>>) dst(%dma_wait3A_722 : memref<512xi32, #tpu.memory_space<vmem>>)
    %dma_wait3A_725 = arith.constant 22 : i32
    %dma_wait3A_726 = arith.constant 11264 : i32
    %dma_wait3A_727 = tpu.memref_slice %arg7[%dma_wait3A_726] : memref<13312xi32, #tpu.memory_space<vmem>> -> memref<512xi32, #tpu.memory_space<vmem>>
    %dma_wait3A_728 = tpu.memref_slice %arg2[%dma_wait3A_725, %mul3A_2] : memref<26x16384xi32, #tpu.memory_space<hbm>> -> memref<1x512xi32, #tpu.memory_space<hbm>>
    %dma_wait3A_729 = tpu.memref_squeeze %dma_wait3A_728 : memref<1x512xi32, #tpu.memory_space<hbm>> -> memref<512xi32, #tpu.memory_space<hbm>>
    %dma_wait3A_730 = arith.constant 11264 : i32
    %dma_wait3A_731 = tpu.memref_slice %arg7[%dma_wait3A_730] : memref<13312xi32, #tpu.memory_space<vmem>> -> memref<512xi32, #tpu.memory_space<vmem>>
    %dma_wait3A_732 = tpu.memref_slice %arg2[%dma_wait3A_725, %mul3A_2] : memref<26x16384xi32, #tpu.memory_space<hbm>> -> memref<1x512xi32, #tpu.memory_space<hbm>>
    %dma_wait3A_733 = tpu.memref_squeeze %dma_wait3A_732 : memref<1x512xi32, #tpu.memory_space<hbm>> -> memref<512xi32, #tpu.memory_space<hbm>>
    tpu.wait_dma2 semaphore(%arg13 : memref<!tpu.dma_semaphore, #tpu.memory_space<semaphore_mem>>) src(%dma_wait3A_733 : memref<512xi32, #tpu.memory_space<hbm>>) dst(%dma_wait3A_731 : memref<512xi32, #tpu.memory_space<vmem>>)
    %dma_wait3A_734 = arith.constant 23 : i32
    %dma_wait3A_735 = arith.constant 11776 : i32
    %dma_wait3A_736 = tpu.memref_slice %arg7[%dma_wait3A_735] : memref<13312xi32, #tpu.memory_space<vmem>> -> memref<512xi32, #tpu.memory_space<vmem>>
    %dma_wait3A_737 = tpu.memref_slice %arg2[%dma_wait3A_734, %mul3A_2] : memref<26x16384xi32, #tpu.memory_space<hbm>> -> memref<1x512xi32, #tpu.memory_space<hbm>>
    %dma_wait3A_738 = tpu.memref_squeeze %dma_wait3A_737 : memref<1x512xi32, #tpu.memory_space<hbm>> -> memref<512xi32, #tpu.memory_space<hbm>>
    %dma_wait3A_739 = arith.constant 11776 : i32
    %dma_wait3A_740 = tpu.memref_slice %arg7[%dma_wait3A_739] : memref<13312xi32, #tpu.memory_space<vmem>> -> memref<512xi32, #tpu.memory_space<vmem>>
    %dma_wait3A_741 = tpu.memref_slice %arg2[%dma_wait3A_734, %mul3A_2] : memref<26x16384xi32, #tpu.memory_space<hbm>> -> memref<1x512xi32, #tpu.memory_space<hbm>>
    %dma_wait3A_742 = tpu.memref_squeeze %dma_wait3A_741 : memref<1x512xi32, #tpu.memory_space<hbm>> -> memref<512xi32, #tpu.memory_space<hbm>>
    tpu.wait_dma2 semaphore(%arg13 : memref<!tpu.dma_semaphore, #tpu.memory_space<semaphore_mem>>) src(%dma_wait3A_742 : memref<512xi32, #tpu.memory_space<hbm>>) dst(%dma_wait3A_740 : memref<512xi32, #tpu.memory_space<vmem>>)
    %dma_wait3A_743 = arith.constant 24 : i32
    %dma_wait3A_744 = arith.constant 12288 : i32
    %dma_wait3A_745 = tpu.memref_slice %arg7[%dma_wait3A_744] : memref<13312xi32, #tpu.memory_space<vmem>> -> memref<512xi32, #tpu.memory_space<vmem>>
    %dma_wait3A_746 = tpu.memref_slice %arg2[%dma_wait3A_743, %mul3A_2] : memref<26x16384xi32, #tpu.memory_space<hbm>> -> memref<1x512xi32, #tpu.memory_space<hbm>>
    %dma_wait3A_747 = tpu.memref_squeeze %dma_wait3A_746 : memref<1x512xi32, #tpu.memory_space<hbm>> -> memref<512xi32, #tpu.memory_space<hbm>>
    %dma_wait3A_748 = arith.constant 12288 : i32
    %dma_wait3A_749 = tpu.memref_slice %arg7[%dma_wait3A_748] : memref<13312xi32, #tpu.memory_space<vmem>> -> memref<512xi32, #tpu.memory_space<vmem>>
    %dma_wait3A_750 = tpu.memref_slice %arg2[%dma_wait3A_743, %mul3A_2] : memref<26x16384xi32, #tpu.memory_space<hbm>> -> memref<1x512xi32, #tpu.memory_space<hbm>>
    %dma_wait3A_751 = tpu.memref_squeeze %dma_wait3A_750 : memref<1x512xi32, #tpu.memory_space<hbm>> -> memref<512xi32, #tpu.memory_space<hbm>>
    tpu.wait_dma2 semaphore(%arg13 : memref<!tpu.dma_semaphore, #tpu.memory_space<semaphore_mem>>) src(%dma_wait3A_751 : memref<512xi32, #tpu.memory_space<hbm>>) dst(%dma_wait3A_749 : memref<512xi32, #tpu.memory_space<vmem>>)
    %dma_wait3A_752 = arith.constant 25 : i32
    %dma_wait3A_753 = arith.constant 12800 : i32
    %dma_wait3A_754 = tpu.memref_slice %arg7[%dma_wait3A_753] : memref<13312xi32, #tpu.memory_space<vmem>> -> memref<512xi32, #tpu.memory_space<vmem>>
    %dma_wait3A_755 = tpu.memref_slice %arg2[%dma_wait3A_752, %mul3A_2] : memref<26x16384xi32, #tpu.memory_space<hbm>> -> memref<1x512xi32, #tpu.memory_space<hbm>>
    %dma_wait3A_756 = tpu.memref_squeeze %dma_wait3A_755 : memref<1x512xi32, #tpu.memory_space<hbm>> -> memref<512xi32, #tpu.memory_space<hbm>>
    %dma_wait3A_757 = arith.constant 12800 : i32
    %dma_wait3A_758 = tpu.memref_slice %arg7[%dma_wait3A_757] : memref<13312xi32, #tpu.memory_space<vmem>> -> memref<512xi32, #tpu.memory_space<vmem>>
    %dma_wait3A_759 = tpu.memref_slice %arg2[%dma_wait3A_752, %mul3A_2] : memref<26x16384xi32, #tpu.memory_space<hbm>> -> memref<1x512xi32, #tpu.memory_space<hbm>>
    %dma_wait3A_760 = tpu.memref_squeeze %dma_wait3A_759 : memref<1x512xi32, #tpu.memory_space<hbm>> -> memref<512xi32, #tpu.memory_space<hbm>>
    tpu.wait_dma2 semaphore(%arg13 : memref<!tpu.dma_semaphore, #tpu.memory_space<semaphore_mem>>) src(%dma_wait3A_760 : memref<512xi32, #tpu.memory_space<hbm>>) dst(%dma_wait3A_758 : memref<512xi32, #tpu.memory_space<vmem>>)
    %lt3A_761 = arith.constant 15 : i32
    %lt3A_762 = arith.cmpi slt, %arg1, %lt3A_761 : i32
    %convert_element_type3A_763 = arith.extui %lt3A_762 : i1 to i32
    %cond3A_764 = arith.constant 0 : i32
    %cond3A_765 = arith.cmpi ne, %convert_element_type3A_763, %cond3A_764 : i32
    scf.if %cond3A_765 {
      %mul3A_1068 = arith.constant 65024 : i32
      %mul3A_1069 = arith.muli %arg1, %mul3A_1068 : i32
      %mul3A_1070 = arith.constant 65024 : i32
      %mul3A_1071 = arith.muli %arg1, %mul3A_1070 : i32
      %dma_wait3A_1072 = arith.constant 0 : i32
      %dma_wait3A_1073 = arith.constant 0 : i32
      %dma_wait3A_1074 = tpu.memref_slice %arg12[%dma_wait3A_1073, %mul3A_1071] : memref<1x1040000xf32, #tpu.memory_space<vmem_shared>> -> memref<1x65024xf32, #tpu.memory_space<vmem_shared>>
      %dma_wait3A_1075 = tpu.memref_squeeze %dma_wait3A_1074 : memref<1x65024xf32, #tpu.memory_space<vmem_shared>> -> memref<65024xf32, #tpu.memory_space<vmem_shared>>
      %dma_wait3A_1076 = tpu.memref_slice %arg4[%dma_wait3A_1072, %mul3A_1069] : memref<1x1040000xf32, #tpu.memory_space<hbm>> -> memref<1x65024xf32, #tpu.memory_space<hbm>>
      %dma_wait3A_1077 = tpu.memref_squeeze %dma_wait3A_1076 : memref<1x65024xf32, #tpu.memory_space<hbm>> -> memref<65024xf32, #tpu.memory_space<hbm>>
      tpu.wait_dma2 semaphore(%arg14 : memref<!tpu.dma_semaphore, #tpu.memory_space<semaphore_mem>>) src(%dma_wait3A_1077 : memref<65024xf32, #tpu.memory_space<hbm>>) dst(%dma_wait3A_1075 : memref<65024xf32, #tpu.memory_space<vmem_shared>>)
    } else {
    }
    %eq3A_766 = arith.constant 15 : i32
    %eq3A_767 = arith.cmpi eq, %arg1, %eq3A_766 : i32
    %convert_element_type3A_768 = arith.extui %eq3A_767 : i1 to i32
    %cond3A_769 = arith.constant 0 : i32
    %cond3A_770 = arith.cmpi ne, %convert_element_type3A_768, %cond3A_769 : i32
    scf.if %cond3A_770 {
      %dma_wait3A_1068 = arith.constant 0 : i32
      %dma_wait3A_1069 = arith.constant 0 : i32
      %dma_wait3A_1070 = arith.constant 975360 : i32
      %dma_wait3A_1071 = tpu.memref_slice %arg12[%dma_wait3A_1069, %dma_wait3A_1070] : memref<1x1040000xf32, #tpu.memory_space<vmem_shared>> -> memref<1x64640xf32, #tpu.memory_space<vmem_shared>>
      %dma_wait3A_1072 = tpu.memref_squeeze %dma_wait3A_1071 : memref<1x64640xf32, #tpu.memory_space<vmem_shared>> -> memref<64640xf32, #tpu.memory_space<vmem_shared>>
      %dma_wait3A_1073 = arith.constant 975360 : i32
      %dma_wait3A_1074 = tpu.memref_slice %arg4[%dma_wait3A_1068, %dma_wait3A_1073] : memref<1x1040000xf32, #tpu.memory_space<hbm>> -> memref<1x64640xf32, #tpu.memory_space<hbm>>
      %dma_wait3A_1075 = tpu.memref_squeeze %dma_wait3A_1074 : memref<1x64640xf32, #tpu.memory_space<hbm>> -> memref<64640xf32, #tpu.memory_space<hbm>>
      tpu.wait_dma2 semaphore(%arg14 : memref<!tpu.dma_semaphore, #tpu.memory_space<semaphore_mem>>) src(%dma_wait3A_1075 : memref<64640xf32, #tpu.memory_space<hbm>>) dst(%dma_wait3A_1072 : memref<64640xf32, #tpu.memory_space<vmem_shared>>)
    } else {
    }
    %scan3A = arith.constant 0 : i32
    %scan3A_771 = arith.constant 1 : i32
    %scan3A_772 = arith.constant 12 : i32
    %scan3A_773 = arith.addi %scan3A_771, %scan3A_772 : i32
    %scan3A_774 = arith.constant 1 : i32
    scf.for %scan3A_1068 = %scan3A_771 to %scan3A_773 step %scan3A_774  : i32 {
      %mul3A_1069 = arith.constant 40000 : i32
      %mul3A_1070 = arith.muli %scan3A_1068, %mul3A_1069 : i32
      %mul3A_1071 = arith.constant 512 : i32
      %mul3A_1072 = arith.muli %scan3A_1068, %mul3A_1071 : i32
      %scan3A_1073 = arith.constant 0 : i32
      %scan3A_1074 = arith.constant 32 : i32
      %scan3A_1075 = arith.addi %scan3A_1073, %scan3A_1074 : i32
      %scan3A_1076 = arith.constant 4 : i32
      scf.for %scan3A_1078 = %scan3A_1073 to %scan3A_1075 step %scan3A_1076  : i32 {
        %mul3A_1079 = arith.constant 16 : i32
        %mul3A_1080 = arith.muli %scan3A_1078, %mul3A_1079 : i32
        %add3A_1081 = arith.addi %mul3A_1072, %mul3A_1080 : i32
        %get3A = arith.index_cast %add3A_1081 : i32 to index
        %get3A_1082 = tpu.vector_load %arg7[%get3A] {strides = array<i32>} : memref<13312xi32, #tpu.memory_space<vmem>>, vector<16xi32>,
        %get3A_1083 = vector.shape_cast %get3A_1082 : vector<16xi32> to vector<16xi32>
        %add3A_1084 = vector.broadcast %mul3A_1070 : i32 to vector<16xi32>
        %add3A_1085 = arith.addi %get3A_1083, %add3A_1084 : vector<16xi32>
        %swap3A = arith.index_cast %add3A_1081 : i32 to index
        %swap3A_1086 = tpu.vector_load %arg7[%swap3A] {strides = array<i32>} : memref<13312xi32, #tpu.memory_space<vmem>>, vector<16xi32>,
        %swap3A_1087 = vector.shape_cast %swap3A_1086 : vector<16xi32> to vector<16xi32>
        %swap3A_1088 = vector.shape_cast %add3A_1085 : vector<16xi32> to vector<16xi32>
        tpu.vector_store %arg7[%swap3A], %swap3A_1088 {strides = array<i32>} : memref<13312xi32, #tpu.memory_space<vmem>>, vector<16xi32>,
        %scan3A_1089 = arith.constant 1 : i32
        %scan3A_1090 = arith.addi %scan3A_1078, %scan3A_1089 : i32
        %mul3A_1091 = arith.constant 16 : i32
        %mul3A_1092 = arith.muli %scan3A_1090, %mul3A_1091 : i32
        %add3A_1093 = arith.addi %mul3A_1072, %mul3A_1092 : i32
        %get3A_1094 = arith.index_cast %add3A_1093 : i32 to index
        %get3A_1095 = tpu.vector_load %arg7[%get3A_1094] {strides = array<i32>} : memref<13312xi32, #tpu.memory_space<vmem>>, vector<16xi32>,
        %get3A_1096 = vector.shape_cast %get3A_1095 : vector<16xi32> to vector<16xi32>
        %add3A_1097 = vector.broadcast %mul3A_1070 : i32 to vector<16xi32>
        %add3A_1098 = arith.addi %get3A_1096, %add3A_1097 : vector<16xi32>
        %swap3A_1099 = arith.index_cast %add3A_1093 : i32 to index
        %swap3A_1100 = tpu.vector_load %arg7[%swap3A_1099] {strides = array<i32>} : memref<13312xi32, #tpu.memory_space<vmem>>, vector<16xi32>,
        %swap3A_1101 = vector.shape_cast %swap3A_1100 : vector<16xi32> to vector<16xi32>
        %swap3A_1102 = vector.shape_cast %add3A_1098 : vector<16xi32> to vector<16xi32>
        tpu.vector_store %arg7[%swap3A_1099], %swap3A_1102 {strides = array<i32>} : memref<13312xi32, #tpu.memory_space<vmem>>, vector<16xi32>,
        %scan3A_1103 = arith.constant 2 : i32
        %scan3A_1104 = arith.addi %scan3A_1078, %scan3A_1103 : i32
        %mul3A_1105 = arith.constant 16 : i32
        %mul3A_1106 = arith.muli %scan3A_1104, %mul3A_1105 : i32
        %add3A_1107 = arith.addi %mul3A_1072, %mul3A_1106 : i32
        %get3A_1108 = arith.index_cast %add3A_1107 : i32 to index
        %get3A_1109 = tpu.vector_load %arg7[%get3A_1108] {strides = array<i32>} : memref<13312xi32, #tpu.memory_space<vmem>>, vector<16xi32>,
        %get3A_1110 = vector.shape_cast %get3A_1109 : vector<16xi32> to vector<16xi32>
        %add3A_1111 = vector.broadcast %mul3A_1070 : i32 to vector<16xi32>
        %add3A_1112 = arith.addi %get3A_1110, %add3A_1111 : vector<16xi32>
        %swap3A_1113 = arith.index_cast %add3A_1107 : i32 to index
        %swap3A_1114 = tpu.vector_load %arg7[%swap3A_1113] {strides = array<i32>} : memref<13312xi32, #tpu.memory_space<vmem>>, vector<16xi32>,
        %swap3A_1115 = vector.shape_cast %swap3A_1114 : vector<16xi32> to vector<16xi32>
        %swap3A_1116 = vector.shape_cast %add3A_1112 : vector<16xi32> to vector<16xi32>
        tpu.vector_store %arg7[%swap3A_1113], %swap3A_1116 {strides = array<i32>} : memref<13312xi32, #tpu.memory_space<vmem>>, vector<16xi32>,
        %scan3A_1117 = arith.constant 3 : i32
        %scan3A_1118 = arith.addi %scan3A_1078, %scan3A_1117 : i32
        %mul3A_1119 = arith.constant 16 : i32
        %mul3A_1120 = arith.muli %scan3A_1118, %mul3A_1119 : i32
        %add3A_1121 = arith.addi %mul3A_1072, %mul3A_1120 : i32
        %get3A_1122 = arith.index_cast %add3A_1121 : i32 to index
        %get3A_1123 = tpu.vector_load %arg7[%get3A_1122] {strides = array<i32>} : memref<13312xi32, #tpu.memory_space<vmem>>, vector<16xi32>,
        %get3A_1124 = vector.shape_cast %get3A_1123 : vector<16xi32> to vector<16xi32>
        %add3A_1125 = vector.broadcast %mul3A_1070 : i32 to vector<16xi32>
        %add3A_1126 = arith.addi %get3A_1124, %add3A_1125 : vector<16xi32>
        %swap3A_1127 = arith.index_cast %add3A_1121 : i32 to index
        %swap3A_1128 = tpu.vector_load %arg7[%swap3A_1127] {strides = array<i32>} : memref<13312xi32, #tpu.memory_space<vmem>>, vector<16xi32>,
        %swap3A_1129 = vector.shape_cast %swap3A_1128 : vector<16xi32> to vector<16xi32>
        %swap3A_1130 = vector.shape_cast %add3A_1126 : vector<16xi32> to vector<16xi32>
        tpu.vector_store %arg7[%swap3A_1127], %swap3A_1130 {strides = array<i32>} : memref<13312xi32, #tpu.memory_space<vmem>>, vector<16xi32>,
      }
      %scan3A_1077 = arith.constant 32 : i32
    }
    %scan3A_775 = arith.constant 12 : i32
    %barrier3A = arith.constant 0 : index
    tpu.barrier barrier_id(%barrier3A)
    %dma_start3A_776 = arith.constant 0 : i32
    %dma_start3A_777 = arith.constant 0 : i32
    %dma_start3A_778 = tpu.memref_slice %arg9[%dma_start3A_777] : memref<13312xf32, #tpu.memory_space<vmem>> -> memref<6656xf32, #tpu.memory_space<vmem>>
    %dma_start3A_779 = arith.constant 0 : i32
    %dma_start3A_780 = tpu.memref_slice %arg7[%dma_start3A_779] : memref<13312xi32, #tpu.memory_space<vmem>> -> memref<6656xi32, #tpu.memory_space<vmem>>
    %dma_start3A_781 = arith.constant 0 : i32
    %dma_start3A_782 = tpu.memref_slice %arg12[%dma_start3A_776, %dma_start3A_781] : memref<1x1040000xf32, #tpu.memory_space<vmem_shared>> -> memref<1x1040000xf32, #tpu.memory_space<vmem_shared>>
    %dma_start3A_783 = tpu.memref_squeeze %dma_start3A_782 : memref<1x1040000xf32, #tpu.memory_space<vmem_shared>> -> memref<1040000xf32, #tpu.memory_space<vmem_shared>>
    %dma_start3A_784 = arith.constant 0 : i32
    %dma_start3A_785 = tpu.memref_slice %dma_start3A_783[%dma_start3A_784] : memref<1040000xf32, #tpu.memory_space<vmem_shared>> -> memref<1040000xf32, #tpu.memory_space<vmem_shared>>
    tpu.enqueue_indirect_dma source(%dma_start3A_785 : memref<1040000xf32, #tpu.memory_space<vmem_shared>>) target(%dma_start3A_778 : memref<6656xf32, #tpu.memory_space<vmem>>) offsets(%dma_start3A_780 : memref<6656xi32, #tpu.memory_space<vmem>>) semaphore(%arg13 : memref<!tpu.dma_semaphore, #tpu.memory_space<semaphore_mem>>)
    %scan3A_786 = arith.constant 0 : i32
    %scan3A_787 = arith.constant 13 : i32
    %scan3A_788 = arith.constant 13 : i32
    %scan3A_789 = arith.addi %scan3A_787, %scan3A_788 : i32
    %scan3A_790 = arith.constant 1 : i32
    scf.for %scan3A_1068 = %scan3A_787 to %scan3A_789 step %scan3A_790  : i32 {
      %mul3A_1069 = arith.constant 40000 : i32
      %mul3A_1070 = arith.muli %scan3A_1068, %mul3A_1069 : i32
      %mul3A_1071 = arith.constant 512 : i32
      %mul3A_1072 = arith.muli %scan3A_1068, %mul3A_1071 : i32
      %scan3A_1073 = arith.constant 0 : i32
      %scan3A_1074 = arith.constant 32 : i32
      %scan3A_1075 = arith.addi %scan3A_1073, %scan3A_1074 : i32
      %scan3A_1076 = arith.constant 4 : i32
      scf.for %scan3A_1078 = %scan3A_1073 to %scan3A_1075 step %scan3A_1076  : i32 {
        %mul3A_1079 = arith.constant 16 : i32
        %mul3A_1080 = arith.muli %scan3A_1078, %mul3A_1079 : i32
        %add3A_1081 = arith.addi %mul3A_1072, %mul3A_1080 : i32
        %get3A = arith.index_cast %add3A_1081 : i32 to index
        %get3A_1082 = tpu.vector_load %arg7[%get3A] {strides = array<i32>} : memref<13312xi32, #tpu.memory_space<vmem>>, vector<16xi32>,
        %get3A_1083 = vector.shape_cast %get3A_1082 : vector<16xi32> to vector<16xi32>
        %add3A_1084 = vector.broadcast %mul3A_1070 : i32 to vector<16xi32>
        %add3A_1085 = arith.addi %get3A_1083, %add3A_1084 : vector<16xi32>
        %swap3A = arith.index_cast %add3A_1081 : i32 to index
        %swap3A_1086 = tpu.vector_load %arg7[%swap3A] {strides = array<i32>} : memref<13312xi32, #tpu.memory_space<vmem>>, vector<16xi32>,
        %swap3A_1087 = vector.shape_cast %swap3A_1086 : vector<16xi32> to vector<16xi32>
        %swap3A_1088 = vector.shape_cast %add3A_1085 : vector<16xi32> to vector<16xi32>
        tpu.vector_store %arg7[%swap3A], %swap3A_1088 {strides = array<i32>} : memref<13312xi32, #tpu.memory_space<vmem>>, vector<16xi32>,
        %scan3A_1089 = arith.constant 1 : i32
        %scan3A_1090 = arith.addi %scan3A_1078, %scan3A_1089 : i32
        %mul3A_1091 = arith.constant 16 : i32
        %mul3A_1092 = arith.muli %scan3A_1090, %mul3A_1091 : i32
        %add3A_1093 = arith.addi %mul3A_1072, %mul3A_1092 : i32
        %get3A_1094 = arith.index_cast %add3A_1093 : i32 to index
        %get3A_1095 = tpu.vector_load %arg7[%get3A_1094] {strides = array<i32>} : memref<13312xi32, #tpu.memory_space<vmem>>, vector<16xi32>,
        %get3A_1096 = vector.shape_cast %get3A_1095 : vector<16xi32> to vector<16xi32>
        %add3A_1097 = vector.broadcast %mul3A_1070 : i32 to vector<16xi32>
        %add3A_1098 = arith.addi %get3A_1096, %add3A_1097 : vector<16xi32>
        %swap3A_1099 = arith.index_cast %add3A_1093 : i32 to index
        %swap3A_1100 = tpu.vector_load %arg7[%swap3A_1099] {strides = array<i32>} : memref<13312xi32, #tpu.memory_space<vmem>>, vector<16xi32>,
        %swap3A_1101 = vector.shape_cast %swap3A_1100 : vector<16xi32> to vector<16xi32>
        %swap3A_1102 = vector.shape_cast %add3A_1098 : vector<16xi32> to vector<16xi32>
        tpu.vector_store %arg7[%swap3A_1099], %swap3A_1102 {strides = array<i32>} : memref<13312xi32, #tpu.memory_space<vmem>>, vector<16xi32>,
        %scan3A_1103 = arith.constant 2 : i32
        %scan3A_1104 = arith.addi %scan3A_1078, %scan3A_1103 : i32
        %mul3A_1105 = arith.constant 16 : i32
        %mul3A_1106 = arith.muli %scan3A_1104, %mul3A_1105 : i32
        %add3A_1107 = arith.addi %mul3A_1072, %mul3A_1106 : i32
        %get3A_1108 = arith.index_cast %add3A_1107 : i32 to index
        %get3A_1109 = tpu.vector_load %arg7[%get3A_1108] {strides = array<i32>} : memref<13312xi32, #tpu.memory_space<vmem>>, vector<16xi32>,
        %get3A_1110 = vector.shape_cast %get3A_1109 : vector<16xi32> to vector<16xi32>
        %add3A_1111 = vector.broadcast %mul3A_1070 : i32 to vector<16xi32>
        %add3A_1112 = arith.addi %get3A_1110, %add3A_1111 : vector<16xi32>
        %swap3A_1113 = arith.index_cast %add3A_1107 : i32 to index
        %swap3A_1114 = tpu.vector_load %arg7[%swap3A_1113] {strides = array<i32>} : memref<13312xi32, #tpu.memory_space<vmem>>, vector<16xi32>,
        %swap3A_1115 = vector.shape_cast %swap3A_1114 : vector<16xi32> to vector<16xi32>
        %swap3A_1116 = vector.shape_cast %add3A_1112 : vector<16xi32> to vector<16xi32>
        tpu.vector_store %arg7[%swap3A_1113], %swap3A_1116 {strides = array<i32>} : memref<13312xi32, #tpu.memory_space<vmem>>, vector<16xi32>,
        %scan3A_1117 = arith.constant 3 : i32
        %scan3A_1118 = arith.addi %scan3A_1078, %scan3A_1117 : i32
        %mul3A_1119 = arith.constant 16 : i32
        %mul3A_1120 = arith.muli %scan3A_1118, %mul3A_1119 : i32
        %add3A_1121 = arith.addi %mul3A_1072, %mul3A_1120 : i32
        %get3A_1122 = arith.index_cast %add3A_1121 : i32 to index
        %get3A_1123 = tpu.vector_load %arg7[%get3A_1122] {strides = array<i32>} : memref<13312xi32, #tpu.memory_space<vmem>>, vector<16xi32>,
        %get3A_1124 = vector.shape_cast %get3A_1123 : vector<16xi32> to vector<16xi32>
        %add3A_1125 = vector.broadcast %mul3A_1070 : i32 to vector<16xi32>
        %add3A_1126 = arith.addi %get3A_1124, %add3A_1125 : vector<16xi32>
        %swap3A_1127 = arith.index_cast %add3A_1121 : i32 to index
        %swap3A_1128 = tpu.vector_load %arg7[%swap3A_1127] {strides = array<i32>} : memref<13312xi32, #tpu.memory_space<vmem>>, vector<16xi32>,
        %swap3A_1129 = vector.shape_cast %swap3A_1128 : vector<16xi32> to vector<16xi32>
        %swap3A_1130 = vector.shape_cast %add3A_1126 : vector<16xi32> to vector<16xi32>
        tpu.vector_store %arg7[%swap3A_1127], %swap3A_1130 {strides = array<i32>} : memref<13312xi32, #tpu.memory_space<vmem>>, vector<16xi32>,
      }
      %scan3A_1077 = arith.constant 32 : i32
    }
    %scan3A_791 = arith.constant 13 : i32
    %dma_start3A_792 = arith.constant 0 : i32
    %dma_start3A_793 = arith.constant 6656 : i32
    %dma_start3A_794 = tpu.memref_slice %arg9[%dma_start3A_793] : memref<13312xf32, #tpu.memory_space<vmem>> -> memref<6656xf32, #tpu.memory_space<vmem>>
    %dma_start3A_795 = arith.constant 6656 : i32
    %dma_start3A_796 = tpu.memref_slice %arg7[%dma_start3A_795] : memref<13312xi32, #tpu.memory_space<vmem>> -> memref<6656xi32, #tpu.memory_space<vmem>>
    %dma_start3A_797 = arith.constant 0 : i32
    %dma_start3A_798 = tpu.memref_slice %arg12[%dma_start3A_792, %dma_start3A_797] : memref<1x1040000xf32, #tpu.memory_space<vmem_shared>> -> memref<1x1040000xf32, #tpu.memory_space<vmem_shared>>
    %dma_start3A_799 = tpu.memref_squeeze %dma_start3A_798 : memref<1x1040000xf32, #tpu.memory_space<vmem_shared>> -> memref<1040000xf32, #tpu.memory_space<vmem_shared>>
    %dma_start3A_800 = arith.constant 0 : i32
    %dma_start3A_801 = tpu.memref_slice %dma_start3A_799[%dma_start3A_800] : memref<1040000xf32, #tpu.memory_space<vmem_shared>> -> memref<1040000xf32, #tpu.memory_space<vmem_shared>>
    tpu.enqueue_indirect_dma source(%dma_start3A_801 : memref<1040000xf32, #tpu.memory_space<vmem_shared>>) target(%dma_start3A_794 : memref<6656xf32, #tpu.memory_space<vmem>>) offsets(%dma_start3A_796 : memref<6656xi32, #tpu.memory_space<vmem>>) semaphore(%arg13 : memref<!tpu.dma_semaphore, #tpu.memory_space<semaphore_mem>>)
    %dma_wait3A_802 = arith.constant 0 : i32
    %dma_wait3A_803 = arith.constant 0 : i32
    %dma_wait3A_804 = tpu.memref_slice %arg8[%dma_wait3A_803] : memref<13312xf32, #tpu.memory_space<vmem>> -> memref<512xf32, #tpu.memory_space<vmem>>
    %dma_wait3A_805 = tpu.memref_slice %arg3[%dma_wait3A_802, %add3A_10] : memref<1x425984xf32, #tpu.memory_space<hbm>> -> memref<1x512xf32, #tpu.memory_space<hbm>>
    %dma_wait3A_806 = tpu.memref_squeeze %dma_wait3A_805 : memref<1x512xf32, #tpu.memory_space<hbm>> -> memref<512xf32, #tpu.memory_space<hbm>>
    %dma_wait3A_807 = arith.constant 0 : i32
    %dma_wait3A_808 = tpu.memref_slice %arg8[%dma_wait3A_807] : memref<13312xf32, #tpu.memory_space<vmem>> -> memref<512xf32, #tpu.memory_space<vmem>>
    %dma_wait3A_809 = tpu.memref_slice %arg3[%dma_wait3A_802, %add3A_10] : memref<1x425984xf32, #tpu.memory_space<hbm>> -> memref<1x512xf32, #tpu.memory_space<hbm>>
    %dma_wait3A_810 = tpu.memref_squeeze %dma_wait3A_809 : memref<1x512xf32, #tpu.memory_space<hbm>> -> memref<512xf32, #tpu.memory_space<hbm>>
    tpu.wait_dma2 semaphore(%arg15 : memref<!tpu.dma_semaphore, #tpu.memory_space<semaphore_mem>>) src(%dma_wait3A_810 : memref<512xf32, #tpu.memory_space<hbm>>) dst(%dma_wait3A_808 : memref<512xf32, #tpu.memory_space<vmem>>)
    %dma_wait3A_811 = arith.constant 0 : i32
    %dma_wait3A_812 = arith.constant 512 : i32
    %dma_wait3A_813 = tpu.memref_slice %arg8[%dma_wait3A_812] : memref<13312xf32, #tpu.memory_space<vmem>> -> memref<512xf32, #tpu.memory_space<vmem>>
    %dma_wait3A_814 = tpu.memref_slice %arg3[%dma_wait3A_811, %add3A_12] : memref<1x425984xf32, #tpu.memory_space<hbm>> -> memref<1x512xf32, #tpu.memory_space<hbm>>
    %dma_wait3A_815 = tpu.memref_squeeze %dma_wait3A_814 : memref<1x512xf32, #tpu.memory_space<hbm>> -> memref<512xf32, #tpu.memory_space<hbm>>
    %dma_wait3A_816 = arith.constant 512 : i32
    %dma_wait3A_817 = tpu.memref_slice %arg8[%dma_wait3A_816] : memref<13312xf32, #tpu.memory_space<vmem>> -> memref<512xf32, #tpu.memory_space<vmem>>
    %dma_wait3A_818 = tpu.memref_slice %arg3[%dma_wait3A_811, %add3A_12] : memref<1x425984xf32, #tpu.memory_space<hbm>> -> memref<1x512xf32, #tpu.memory_space<hbm>>
    %dma_wait3A_819 = tpu.memref_squeeze %dma_wait3A_818 : memref<1x512xf32, #tpu.memory_space<hbm>> -> memref<512xf32, #tpu.memory_space<hbm>>
    tpu.wait_dma2 semaphore(%arg15 : memref<!tpu.dma_semaphore, #tpu.memory_space<semaphore_mem>>) src(%dma_wait3A_819 : memref<512xf32, #tpu.memory_space<hbm>>) dst(%dma_wait3A_817 : memref<512xf32, #tpu.memory_space<vmem>>)
    %dma_wait3A_820 = arith.constant 0 : i32
    %dma_wait3A_821 = arith.constant 1024 : i32
    %dma_wait3A_822 = tpu.memref_slice %arg8[%dma_wait3A_821] : memref<13312xf32, #tpu.memory_space<vmem>> -> memref<512xf32, #tpu.memory_space<vmem>>
    %dma_wait3A_823 = tpu.memref_slice %arg3[%dma_wait3A_820, %add3A_14] : memref<1x425984xf32, #tpu.memory_space<hbm>> -> memref<1x512xf32, #tpu.memory_space<hbm>>
    %dma_wait3A_824 = tpu.memref_squeeze %dma_wait3A_823 : memref<1x512xf32, #tpu.memory_space<hbm>> -> memref<512xf32, #tpu.memory_space<hbm>>
    %dma_wait3A_825 = arith.constant 1024 : i32
    %dma_wait3A_826 = tpu.memref_slice %arg8[%dma_wait3A_825] : memref<13312xf32, #tpu.memory_space<vmem>> -> memref<512xf32, #tpu.memory_space<vmem>>
    %dma_wait3A_827 = tpu.memref_slice %arg3[%dma_wait3A_820, %add3A_14] : memref<1x425984xf32, #tpu.memory_space<hbm>> -> memref<1x512xf32, #tpu.memory_space<hbm>>
    %dma_wait3A_828 = tpu.memref_squeeze %dma_wait3A_827 : memref<1x512xf32, #tpu.memory_space<hbm>> -> memref<512xf32, #tpu.memory_space<hbm>>
    tpu.wait_dma2 semaphore(%arg15 : memref<!tpu.dma_semaphore, #tpu.memory_space<semaphore_mem>>) src(%dma_wait3A_828 : memref<512xf32, #tpu.memory_space<hbm>>) dst(%dma_wait3A_826 : memref<512xf32, #tpu.memory_space<vmem>>)
    %dma_wait3A_829 = arith.constant 0 : i32
    %dma_wait3A_830 = arith.constant 1536 : i32
    %dma_wait3A_831 = tpu.memref_slice %arg8[%dma_wait3A_830] : memref<13312xf32, #tpu.memory_space<vmem>> -> memref<512xf32, #tpu.memory_space<vmem>>
    %dma_wait3A_832 = tpu.memref_slice %arg3[%dma_wait3A_829, %add3A_16] : memref<1x425984xf32, #tpu.memory_space<hbm>> -> memref<1x512xf32, #tpu.memory_space<hbm>>
    %dma_wait3A_833 = tpu.memref_squeeze %dma_wait3A_832 : memref<1x512xf32, #tpu.memory_space<hbm>> -> memref<512xf32, #tpu.memory_space<hbm>>
    %dma_wait3A_834 = arith.constant 1536 : i32
    %dma_wait3A_835 = tpu.memref_slice %arg8[%dma_wait3A_834] : memref<13312xf32, #tpu.memory_space<vmem>> -> memref<512xf32, #tpu.memory_space<vmem>>
    %dma_wait3A_836 = tpu.memref_slice %arg3[%dma_wait3A_829, %add3A_16] : memref<1x425984xf32, #tpu.memory_space<hbm>> -> memref<1x512xf32, #tpu.memory_space<hbm>>
    %dma_wait3A_837 = tpu.memref_squeeze %dma_wait3A_836 : memref<1x512xf32, #tpu.memory_space<hbm>> -> memref<512xf32, #tpu.memory_space<hbm>>
    tpu.wait_dma2 semaphore(%arg15 : memref<!tpu.dma_semaphore, #tpu.memory_space<semaphore_mem>>) src(%dma_wait3A_837 : memref<512xf32, #tpu.memory_space<hbm>>) dst(%dma_wait3A_835 : memref<512xf32, #tpu.memory_space<vmem>>)
    %dma_wait3A_838 = arith.constant 0 : i32
    %dma_wait3A_839 = arith.constant 2048 : i32
    %dma_wait3A_840 = tpu.memref_slice %arg8[%dma_wait3A_839] : memref<13312xf32, #tpu.memory_space<vmem>> -> memref<512xf32, #tpu.memory_space<vmem>>
    %dma_wait3A_841 = tpu.memref_slice %arg3[%dma_wait3A_838, %add3A_18] : memref<1x425984xf32, #tpu.memory_space<hbm>> -> memref<1x512xf32, #tpu.memory_space<hbm>>
    %dma_wait3A_842 = tpu.memref_squeeze %dma_wait3A_841 : memref<1x512xf32, #tpu.memory_space<hbm>> -> memref<512xf32, #tpu.memory_space<hbm>>
    %dma_wait3A_843 = arith.constant 2048 : i32
    %dma_wait3A_844 = tpu.memref_slice %arg8[%dma_wait3A_843] : memref<13312xf32, #tpu.memory_space<vmem>> -> memref<512xf32, #tpu.memory_space<vmem>>
    %dma_wait3A_845 = tpu.memref_slice %arg3[%dma_wait3A_838, %add3A_18] : memref<1x425984xf32, #tpu.memory_space<hbm>> -> memref<1x512xf32, #tpu.memory_space<hbm>>
    %dma_wait3A_846 = tpu.memref_squeeze %dma_wait3A_845 : memref<1x512xf32, #tpu.memory_space<hbm>> -> memref<512xf32, #tpu.memory_space<hbm>>
    tpu.wait_dma2 semaphore(%arg15 : memref<!tpu.dma_semaphore, #tpu.memory_space<semaphore_mem>>) src(%dma_wait3A_846 : memref<512xf32, #tpu.memory_space<hbm>>) dst(%dma_wait3A_844 : memref<512xf32, #tpu.memory_space<vmem>>)
    %dma_wait3A_847 = arith.constant 0 : i32
    %dma_wait3A_848 = arith.constant 2560 : i32
    %dma_wait3A_849 = tpu.memref_slice %arg8[%dma_wait3A_848] : memref<13312xf32, #tpu.memory_space<vmem>> -> memref<512xf32, #tpu.memory_space<vmem>>
    %dma_wait3A_850 = tpu.memref_slice %arg3[%dma_wait3A_847, %add3A_20] : memref<1x425984xf32, #tpu.memory_space<hbm>> -> memref<1x512xf32, #tpu.memory_space<hbm>>
    %dma_wait3A_851 = tpu.memref_squeeze %dma_wait3A_850 : memref<1x512xf32, #tpu.memory_space<hbm>> -> memref<512xf32, #tpu.memory_space<hbm>>
    %dma_wait3A_852 = arith.constant 2560 : i32
    %dma_wait3A_853 = tpu.memref_slice %arg8[%dma_wait3A_852] : memref<13312xf32, #tpu.memory_space<vmem>> -> memref<512xf32, #tpu.memory_space<vmem>>
    %dma_wait3A_854 = tpu.memref_slice %arg3[%dma_wait3A_847, %add3A_20] : memref<1x425984xf32, #tpu.memory_space<hbm>> -> memref<1x512xf32, #tpu.memory_space<hbm>>
    %dma_wait3A_855 = tpu.memref_squeeze %dma_wait3A_854 : memref<1x512xf32, #tpu.memory_space<hbm>> -> memref<512xf32, #tpu.memory_space<hbm>>
    tpu.wait_dma2 semaphore(%arg15 : memref<!tpu.dma_semaphore, #tpu.memory_space<semaphore_mem>>) src(%dma_wait3A_855 : memref<512xf32, #tpu.memory_space<hbm>>) dst(%dma_wait3A_853 : memref<512xf32, #tpu.memory_space<vmem>>)
    %dma_wait3A_856 = arith.constant 0 : i32
    %dma_wait3A_857 = arith.constant 3072 : i32
    %dma_wait3A_858 = tpu.memref_slice %arg8[%dma_wait3A_857] : memref<13312xf32, #tpu.memory_space<vmem>> -> memref<512xf32, #tpu.memory_space<vmem>>
    %dma_wait3A_859 = tpu.memref_slice %arg3[%dma_wait3A_856, %add3A_22] : memref<1x425984xf32, #tpu.memory_space<hbm>> -> memref<1x512xf32, #tpu.memory_space<hbm>>
    %dma_wait3A_860 = tpu.memref_squeeze %dma_wait3A_859 : memref<1x512xf32, #tpu.memory_space<hbm>> -> memref<512xf32, #tpu.memory_space<hbm>>
    %dma_wait3A_861 = arith.constant 3072 : i32
    %dma_wait3A_862 = tpu.memref_slice %arg8[%dma_wait3A_861] : memref<13312xf32, #tpu.memory_space<vmem>> -> memref<512xf32, #tpu.memory_space<vmem>>
    %dma_wait3A_863 = tpu.memref_slice %arg3[%dma_wait3A_856, %add3A_22] : memref<1x425984xf32, #tpu.memory_space<hbm>> -> memref<1x512xf32, #tpu.memory_space<hbm>>
    %dma_wait3A_864 = tpu.memref_squeeze %dma_wait3A_863 : memref<1x512xf32, #tpu.memory_space<hbm>> -> memref<512xf32, #tpu.memory_space<hbm>>
    tpu.wait_dma2 semaphore(%arg15 : memref<!tpu.dma_semaphore, #tpu.memory_space<semaphore_mem>>) src(%dma_wait3A_864 : memref<512xf32, #tpu.memory_space<hbm>>) dst(%dma_wait3A_862 : memref<512xf32, #tpu.memory_space<vmem>>)
    %dma_wait3A_865 = arith.constant 0 : i32
    %dma_wait3A_866 = arith.constant 3584 : i32
    %dma_wait3A_867 = tpu.memref_slice %arg8[%dma_wait3A_866] : memref<13312xf32, #tpu.memory_space<vmem>> -> memref<512xf32, #tpu.memory_space<vmem>>
    %dma_wait3A_868 = tpu.memref_slice %arg3[%dma_wait3A_865, %add3A_24] : memref<1x425984xf32, #tpu.memory_space<hbm>> -> memref<1x512xf32, #tpu.memory_space<hbm>>
    %dma_wait3A_869 = tpu.memref_squeeze %dma_wait3A_868 : memref<1x512xf32, #tpu.memory_space<hbm>> -> memref<512xf32, #tpu.memory_space<hbm>>
    %dma_wait3A_870 = arith.constant 3584 : i32
    %dma_wait3A_871 = tpu.memref_slice %arg8[%dma_wait3A_870] : memref<13312xf32, #tpu.memory_space<vmem>> -> memref<512xf32, #tpu.memory_space<vmem>>
    %dma_wait3A_872 = tpu.memref_slice %arg3[%dma_wait3A_865, %add3A_24] : memref<1x425984xf32, #tpu.memory_space<hbm>> -> memref<1x512xf32, #tpu.memory_space<hbm>>
    %dma_wait3A_873 = tpu.memref_squeeze %dma_wait3A_872 : memref<1x512xf32, #tpu.memory_space<hbm>> -> memref<512xf32, #tpu.memory_space<hbm>>
    tpu.wait_dma2 semaphore(%arg15 : memref<!tpu.dma_semaphore, #tpu.memory_space<semaphore_mem>>) src(%dma_wait3A_873 : memref<512xf32, #tpu.memory_space<hbm>>) dst(%dma_wait3A_871 : memref<512xf32, #tpu.memory_space<vmem>>)
    %dma_wait3A_874 = arith.constant 0 : i32
    %dma_wait3A_875 = arith.constant 4096 : i32
    %dma_wait3A_876 = tpu.memref_slice %arg8[%dma_wait3A_875] : memref<13312xf32, #tpu.memory_space<vmem>> -> memref<512xf32, #tpu.memory_space<vmem>>
    %dma_wait3A_877 = tpu.memref_slice %arg3[%dma_wait3A_874, %add3A_26] : memref<1x425984xf32, #tpu.memory_space<hbm>> -> memref<1x512xf32, #tpu.memory_space<hbm>>
    %dma_wait3A_878 = tpu.memref_squeeze %dma_wait3A_877 : memref<1x512xf32, #tpu.memory_space<hbm>> -> memref<512xf32, #tpu.memory_space<hbm>>
    %dma_wait3A_879 = arith.constant 4096 : i32
    %dma_wait3A_880 = tpu.memref_slice %arg8[%dma_wait3A_879] : memref<13312xf32, #tpu.memory_space<vmem>> -> memref<512xf32, #tpu.memory_space<vmem>>
    %dma_wait3A_881 = tpu.memref_slice %arg3[%dma_wait3A_874, %add3A_26] : memref<1x425984xf32, #tpu.memory_space<hbm>> -> memref<1x512xf32, #tpu.memory_space<hbm>>
    %dma_wait3A_882 = tpu.memref_squeeze %dma_wait3A_881 : memref<1x512xf32, #tpu.memory_space<hbm>> -> memref<512xf32, #tpu.memory_space<hbm>>
    tpu.wait_dma2 semaphore(%arg15 : memref<!tpu.dma_semaphore, #tpu.memory_space<semaphore_mem>>) src(%dma_wait3A_882 : memref<512xf32, #tpu.memory_space<hbm>>) dst(%dma_wait3A_880 : memref<512xf32, #tpu.memory_space<vmem>>)
    %dma_wait3A_883 = arith.constant 0 : i32
    %dma_wait3A_884 = arith.constant 4608 : i32
    %dma_wait3A_885 = tpu.memref_slice %arg8[%dma_wait3A_884] : memref<13312xf32, #tpu.memory_space<vmem>> -> memref<512xf32, #tpu.memory_space<vmem>>
    %dma_wait3A_886 = tpu.memref_slice %arg3[%dma_wait3A_883, %add3A_28] : memref<1x425984xf32, #tpu.memory_space<hbm>> -> memref<1x512xf32, #tpu.memory_space<hbm>>
    %dma_wait3A_887 = tpu.memref_squeeze %dma_wait3A_886 : memref<1x512xf32, #tpu.memory_space<hbm>> -> memref<512xf32, #tpu.memory_space<hbm>>
    %dma_wait3A_888 = arith.constant 4608 : i32
    %dma_wait3A_889 = tpu.memref_slice %arg8[%dma_wait3A_888] : memref<13312xf32, #tpu.memory_space<vmem>> -> memref<512xf32, #tpu.memory_space<vmem>>
    %dma_wait3A_890 = tpu.memref_slice %arg3[%dma_wait3A_883, %add3A_28] : memref<1x425984xf32, #tpu.memory_space<hbm>> -> memref<1x512xf32, #tpu.memory_space<hbm>>
    %dma_wait3A_891 = tpu.memref_squeeze %dma_wait3A_890 : memref<1x512xf32, #tpu.memory_space<hbm>> -> memref<512xf32, #tpu.memory_space<hbm>>
    tpu.wait_dma2 semaphore(%arg15 : memref<!tpu.dma_semaphore, #tpu.memory_space<semaphore_mem>>) src(%dma_wait3A_891 : memref<512xf32, #tpu.memory_space<hbm>>) dst(%dma_wait3A_889 : memref<512xf32, #tpu.memory_space<vmem>>)
    %dma_wait3A_892 = arith.constant 0 : i32
    %dma_wait3A_893 = arith.constant 5120 : i32
    %dma_wait3A_894 = tpu.memref_slice %arg8[%dma_wait3A_893] : memref<13312xf32, #tpu.memory_space<vmem>> -> memref<512xf32, #tpu.memory_space<vmem>>
    %dma_wait3A_895 = tpu.memref_slice %arg3[%dma_wait3A_892, %add3A_30] : memref<1x425984xf32, #tpu.memory_space<hbm>> -> memref<1x512xf32, #tpu.memory_space<hbm>>
    %dma_wait3A_896 = tpu.memref_squeeze %dma_wait3A_895 : memref<1x512xf32, #tpu.memory_space<hbm>> -> memref<512xf32, #tpu.memory_space<hbm>>
    %dma_wait3A_897 = arith.constant 5120 : i32
    %dma_wait3A_898 = tpu.memref_slice %arg8[%dma_wait3A_897] : memref<13312xf32, #tpu.memory_space<vmem>> -> memref<512xf32, #tpu.memory_space<vmem>>
    %dma_wait3A_899 = tpu.memref_slice %arg3[%dma_wait3A_892, %add3A_30] : memref<1x425984xf32, #tpu.memory_space<hbm>> -> memref<1x512xf32, #tpu.memory_space<hbm>>
    %dma_wait3A_900 = tpu.memref_squeeze %dma_wait3A_899 : memref<1x512xf32, #tpu.memory_space<hbm>> -> memref<512xf32, #tpu.memory_space<hbm>>
    tpu.wait_dma2 semaphore(%arg15 : memref<!tpu.dma_semaphore, #tpu.memory_space<semaphore_mem>>) src(%dma_wait3A_900 : memref<512xf32, #tpu.memory_space<hbm>>) dst(%dma_wait3A_898 : memref<512xf32, #tpu.memory_space<vmem>>)
    %dma_wait3A_901 = arith.constant 0 : i32
    %dma_wait3A_902 = arith.constant 5632 : i32
    %dma_wait3A_903 = tpu.memref_slice %arg8[%dma_wait3A_902] : memref<13312xf32, #tpu.memory_space<vmem>> -> memref<512xf32, #tpu.memory_space<vmem>>
    %dma_wait3A_904 = tpu.memref_slice %arg3[%dma_wait3A_901, %add3A_32] : memref<1x425984xf32, #tpu.memory_space<hbm>> -> memref<1x512xf32, #tpu.memory_space<hbm>>
    %dma_wait3A_905 = tpu.memref_squeeze %dma_wait3A_904 : memref<1x512xf32, #tpu.memory_space<hbm>> -> memref<512xf32, #tpu.memory_space<hbm>>
    %dma_wait3A_906 = arith.constant 5632 : i32
    %dma_wait3A_907 = tpu.memref_slice %arg8[%dma_wait3A_906] : memref<13312xf32, #tpu.memory_space<vmem>> -> memref<512xf32, #tpu.memory_space<vmem>>
    %dma_wait3A_908 = tpu.memref_slice %arg3[%dma_wait3A_901, %add3A_32] : memref<1x425984xf32, #tpu.memory_space<hbm>> -> memref<1x512xf32, #tpu.memory_space<hbm>>
    %dma_wait3A_909 = tpu.memref_squeeze %dma_wait3A_908 : memref<1x512xf32, #tpu.memory_space<hbm>> -> memref<512xf32, #tpu.memory_space<hbm>>
    tpu.wait_dma2 semaphore(%arg15 : memref<!tpu.dma_semaphore, #tpu.memory_space<semaphore_mem>>) src(%dma_wait3A_909 : memref<512xf32, #tpu.memory_space<hbm>>) dst(%dma_wait3A_907 : memref<512xf32, #tpu.memory_space<vmem>>)
    %dma_wait3A_910 = arith.constant 0 : i32
    %dma_wait3A_911 = arith.constant 6144 : i32
    %dma_wait3A_912 = tpu.memref_slice %arg8[%dma_wait3A_911] : memref<13312xf32, #tpu.memory_space<vmem>> -> memref<512xf32, #tpu.memory_space<vmem>>
    %dma_wait3A_913 = tpu.memref_slice %arg3[%dma_wait3A_910, %add3A_34] : memref<1x425984xf32, #tpu.memory_space<hbm>> -> memref<1x512xf32, #tpu.memory_space<hbm>>
    %dma_wait3A_914 = tpu.memref_squeeze %dma_wait3A_913 : memref<1x512xf32, #tpu.memory_space<hbm>> -> memref<512xf32, #tpu.memory_space<hbm>>
    %dma_wait3A_915 = arith.constant 6144 : i32
    %dma_wait3A_916 = tpu.memref_slice %arg8[%dma_wait3A_915] : memref<13312xf32, #tpu.memory_space<vmem>> -> memref<512xf32, #tpu.memory_space<vmem>>
    %dma_wait3A_917 = tpu.memref_slice %arg3[%dma_wait3A_910, %add3A_34] : memref<1x425984xf32, #tpu.memory_space<hbm>> -> memref<1x512xf32, #tpu.memory_space<hbm>>
    %dma_wait3A_918 = tpu.memref_squeeze %dma_wait3A_917 : memref<1x512xf32, #tpu.memory_space<hbm>> -> memref<512xf32, #tpu.memory_space<hbm>>
    tpu.wait_dma2 semaphore(%arg15 : memref<!tpu.dma_semaphore, #tpu.memory_space<semaphore_mem>>) src(%dma_wait3A_918 : memref<512xf32, #tpu.memory_space<hbm>>) dst(%dma_wait3A_916 : memref<512xf32, #tpu.memory_space<vmem>>)
    %dma_wait3A_919 = arith.constant 0 : i32
    %dma_wait3A_920 = arith.constant 6656 : i32
    %dma_wait3A_921 = tpu.memref_slice %arg8[%dma_wait3A_920] : memref<13312xf32, #tpu.memory_space<vmem>> -> memref<512xf32, #tpu.memory_space<vmem>>
    %dma_wait3A_922 = tpu.memref_slice %arg3[%dma_wait3A_919, %add3A_36] : memref<1x425984xf32, #tpu.memory_space<hbm>> -> memref<1x512xf32, #tpu.memory_space<hbm>>
    %dma_wait3A_923 = tpu.memref_squeeze %dma_wait3A_922 : memref<1x512xf32, #tpu.memory_space<hbm>> -> memref<512xf32, #tpu.memory_space<hbm>>
    %dma_wait3A_924 = arith.constant 6656 : i32
    %dma_wait3A_925 = tpu.memref_slice %arg8[%dma_wait3A_924] : memref<13312xf32, #tpu.memory_space<vmem>> -> memref<512xf32, #tpu.memory_space<vmem>>
    %dma_wait3A_926 = tpu.memref_slice %arg3[%dma_wait3A_919, %add3A_36] : memref<1x425984xf32, #tpu.memory_space<hbm>> -> memref<1x512xf32, #tpu.memory_space<hbm>>
    %dma_wait3A_927 = tpu.memref_squeeze %dma_wait3A_926 : memref<1x512xf32, #tpu.memory_space<hbm>> -> memref<512xf32, #tpu.memory_space<hbm>>
    tpu.wait_dma2 semaphore(%arg15 : memref<!tpu.dma_semaphore, #tpu.memory_space<semaphore_mem>>) src(%dma_wait3A_927 : memref<512xf32, #tpu.memory_space<hbm>>) dst(%dma_wait3A_925 : memref<512xf32, #tpu.memory_space<vmem>>)
    %dma_wait3A_928 = arith.constant 0 : i32
    %dma_wait3A_929 = arith.constant 7168 : i32
    %dma_wait3A_930 = tpu.memref_slice %arg8[%dma_wait3A_929] : memref<13312xf32, #tpu.memory_space<vmem>> -> memref<512xf32, #tpu.memory_space<vmem>>
    %dma_wait3A_931 = tpu.memref_slice %arg3[%dma_wait3A_928, %add3A_38] : memref<1x425984xf32, #tpu.memory_space<hbm>> -> memref<1x512xf32, #tpu.memory_space<hbm>>
    %dma_wait3A_932 = tpu.memref_squeeze %dma_wait3A_931 : memref<1x512xf32, #tpu.memory_space<hbm>> -> memref<512xf32, #tpu.memory_space<hbm>>
    %dma_wait3A_933 = arith.constant 7168 : i32
    %dma_wait3A_934 = tpu.memref_slice %arg8[%dma_wait3A_933] : memref<13312xf32, #tpu.memory_space<vmem>> -> memref<512xf32, #tpu.memory_space<vmem>>
    %dma_wait3A_935 = tpu.memref_slice %arg3[%dma_wait3A_928, %add3A_38] : memref<1x425984xf32, #tpu.memory_space<hbm>> -> memref<1x512xf32, #tpu.memory_space<hbm>>
    %dma_wait3A_936 = tpu.memref_squeeze %dma_wait3A_935 : memref<1x512xf32, #tpu.memory_space<hbm>> -> memref<512xf32, #tpu.memory_space<hbm>>
    tpu.wait_dma2 semaphore(%arg15 : memref<!tpu.dma_semaphore, #tpu.memory_space<semaphore_mem>>) src(%dma_wait3A_936 : memref<512xf32, #tpu.memory_space<hbm>>) dst(%dma_wait3A_934 : memref<512xf32, #tpu.memory_space<vmem>>)
    %dma_wait3A_937 = arith.constant 0 : i32
    %dma_wait3A_938 = arith.constant 7680 : i32
    %dma_wait3A_939 = tpu.memref_slice %arg8[%dma_wait3A_938] : memref<13312xf32, #tpu.memory_space<vmem>> -> memref<512xf32, #tpu.memory_space<vmem>>
    %dma_wait3A_940 = tpu.memref_slice %arg3[%dma_wait3A_937, %add3A_40] : memref<1x425984xf32, #tpu.memory_space<hbm>> -> memref<1x512xf32, #tpu.memory_space<hbm>>
    %dma_wait3A_941 = tpu.memref_squeeze %dma_wait3A_940 : memref<1x512xf32, #tpu.memory_space<hbm>> -> memref<512xf32, #tpu.memory_space<hbm>>
    %dma_wait3A_942 = arith.constant 7680 : i32
    %dma_wait3A_943 = tpu.memref_slice %arg8[%dma_wait3A_942] : memref<13312xf32, #tpu.memory_space<vmem>> -> memref<512xf32, #tpu.memory_space<vmem>>
    %dma_wait3A_944 = tpu.memref_slice %arg3[%dma_wait3A_937, %add3A_40] : memref<1x425984xf32, #tpu.memory_space<hbm>> -> memref<1x512xf32, #tpu.memory_space<hbm>>
    %dma_wait3A_945 = tpu.memref_squeeze %dma_wait3A_944 : memref<1x512xf32, #tpu.memory_space<hbm>> -> memref<512xf32, #tpu.memory_space<hbm>>
    tpu.wait_dma2 semaphore(%arg15 : memref<!tpu.dma_semaphore, #tpu.memory_space<semaphore_mem>>) src(%dma_wait3A_945 : memref<512xf32, #tpu.memory_space<hbm>>) dst(%dma_wait3A_943 : memref<512xf32, #tpu.memory_space<vmem>>)
    %dma_wait3A_946 = arith.constant 0 : i32
    %dma_wait3A_947 = arith.constant 8192 : i32
    %dma_wait3A_948 = tpu.memref_slice %arg8[%dma_wait3A_947] : memref<13312xf32, #tpu.memory_space<vmem>> -> memref<512xf32, #tpu.memory_space<vmem>>
    %dma_wait3A_949 = tpu.memref_slice %arg3[%dma_wait3A_946, %add3A_42] : memref<1x425984xf32, #tpu.memory_space<hbm>> -> memref<1x512xf32, #tpu.memory_space<hbm>>
    %dma_wait3A_950 = tpu.memref_squeeze %dma_wait3A_949 : memref<1x512xf32, #tpu.memory_space<hbm>> -> memref<512xf32, #tpu.memory_space<hbm>>
    %dma_wait3A_951 = arith.constant 8192 : i32
    %dma_wait3A_952 = tpu.memref_slice %arg8[%dma_wait3A_951] : memref<13312xf32, #tpu.memory_space<vmem>> -> memref<512xf32, #tpu.memory_space<vmem>>
    %dma_wait3A_953 = tpu.memref_slice %arg3[%dma_wait3A_946, %add3A_42] : memref<1x425984xf32, #tpu.memory_space<hbm>> -> memref<1x512xf32, #tpu.memory_space<hbm>>
    %dma_wait3A_954 = tpu.memref_squeeze %dma_wait3A_953 : memref<1x512xf32, #tpu.memory_space<hbm>> -> memref<512xf32, #tpu.memory_space<hbm>>
    tpu.wait_dma2 semaphore(%arg15 : memref<!tpu.dma_semaphore, #tpu.memory_space<semaphore_mem>>) src(%dma_wait3A_954 : memref<512xf32, #tpu.memory_space<hbm>>) dst(%dma_wait3A_952 : memref<512xf32, #tpu.memory_space<vmem>>)
    %dma_wait3A_955 = arith.constant 0 : i32
    %dma_wait3A_956 = arith.constant 8704 : i32
    %dma_wait3A_957 = tpu.memref_slice %arg8[%dma_wait3A_956] : memref<13312xf32, #tpu.memory_space<vmem>> -> memref<512xf32, #tpu.memory_space<vmem>>
    %dma_wait3A_958 = tpu.memref_slice %arg3[%dma_wait3A_955, %add3A_44] : memref<1x425984xf32, #tpu.memory_space<hbm>> -> memref<1x512xf32, #tpu.memory_space<hbm>>
    %dma_wait3A_959 = tpu.memref_squeeze %dma_wait3A_958 : memref<1x512xf32, #tpu.memory_space<hbm>> -> memref<512xf32, #tpu.memory_space<hbm>>
    %dma_wait3A_960 = arith.constant 8704 : i32
    %dma_wait3A_961 = tpu.memref_slice %arg8[%dma_wait3A_960] : memref<13312xf32, #tpu.memory_space<vmem>> -> memref<512xf32, #tpu.memory_space<vmem>>
    %dma_wait3A_962 = tpu.memref_slice %arg3[%dma_wait3A_955, %add3A_44] : memref<1x425984xf32, #tpu.memory_space<hbm>> -> memref<1x512xf32, #tpu.memory_space<hbm>>
    %dma_wait3A_963 = tpu.memref_squeeze %dma_wait3A_962 : memref<1x512xf32, #tpu.memory_space<hbm>> -> memref<512xf32, #tpu.memory_space<hbm>>
    tpu.wait_dma2 semaphore(%arg15 : memref<!tpu.dma_semaphore, #tpu.memory_space<semaphore_mem>>) src(%dma_wait3A_963 : memref<512xf32, #tpu.memory_space<hbm>>) dst(%dma_wait3A_961 : memref<512xf32, #tpu.memory_space<vmem>>)
    %dma_wait3A_964 = arith.constant 0 : i32
    %dma_wait3A_965 = arith.constant 9216 : i32
    %dma_wait3A_966 = tpu.memref_slice %arg8[%dma_wait3A_965] : memref<13312xf32, #tpu.memory_space<vmem>> -> memref<512xf32, #tpu.memory_space<vmem>>
    %dma_wait3A_967 = tpu.memref_slice %arg3[%dma_wait3A_964, %add3A_46] : memref<1x425984xf32, #tpu.memory_space<hbm>> -> memref<1x512xf32, #tpu.memory_space<hbm>>
    %dma_wait3A_968 = tpu.memref_squeeze %dma_wait3A_967 : memref<1x512xf32, #tpu.memory_space<hbm>> -> memref<512xf32, #tpu.memory_space<hbm>>
    %dma_wait3A_969 = arith.constant 9216 : i32
    %dma_wait3A_970 = tpu.memref_slice %arg8[%dma_wait3A_969] : memref<13312xf32, #tpu.memory_space<vmem>> -> memref<512xf32, #tpu.memory_space<vmem>>
    %dma_wait3A_971 = tpu.memref_slice %arg3[%dma_wait3A_964, %add3A_46] : memref<1x425984xf32, #tpu.memory_space<hbm>> -> memref<1x512xf32, #tpu.memory_space<hbm>>
    %dma_wait3A_972 = tpu.memref_squeeze %dma_wait3A_971 : memref<1x512xf32, #tpu.memory_space<hbm>> -> memref<512xf32, #tpu.memory_space<hbm>>
    tpu.wait_dma2 semaphore(%arg15 : memref<!tpu.dma_semaphore, #tpu.memory_space<semaphore_mem>>) src(%dma_wait3A_972 : memref<512xf32, #tpu.memory_space<hbm>>) dst(%dma_wait3A_970 : memref<512xf32, #tpu.memory_space<vmem>>)
    %dma_wait3A_973 = arith.constant 0 : i32
    %dma_wait3A_974 = arith.constant 9728 : i32
    %dma_wait3A_975 = tpu.memref_slice %arg8[%dma_wait3A_974] : memref<13312xf32, #tpu.memory_space<vmem>> -> memref<512xf32, #tpu.memory_space<vmem>>
    %dma_wait3A_976 = tpu.memref_slice %arg3[%dma_wait3A_973, %add3A_48] : memref<1x425984xf32, #tpu.memory_space<hbm>> -> memref<1x512xf32, #tpu.memory_space<hbm>>
    %dma_wait3A_977 = tpu.memref_squeeze %dma_wait3A_976 : memref<1x512xf32, #tpu.memory_space<hbm>> -> memref<512xf32, #tpu.memory_space<hbm>>
    %dma_wait3A_978 = arith.constant 9728 : i32
    %dma_wait3A_979 = tpu.memref_slice %arg8[%dma_wait3A_978] : memref<13312xf32, #tpu.memory_space<vmem>> -> memref<512xf32, #tpu.memory_space<vmem>>
    %dma_wait3A_980 = tpu.memref_slice %arg3[%dma_wait3A_973, %add3A_48] : memref<1x425984xf32, #tpu.memory_space<hbm>> -> memref<1x512xf32, #tpu.memory_space<hbm>>
    %dma_wait3A_981 = tpu.memref_squeeze %dma_wait3A_980 : memref<1x512xf32, #tpu.memory_space<hbm>> -> memref<512xf32, #tpu.memory_space<hbm>>
    tpu.wait_dma2 semaphore(%arg15 : memref<!tpu.dma_semaphore, #tpu.memory_space<semaphore_mem>>) src(%dma_wait3A_981 : memref<512xf32, #tpu.memory_space<hbm>>) dst(%dma_wait3A_979 : memref<512xf32, #tpu.memory_space<vmem>>)
    %dma_wait3A_982 = arith.constant 0 : i32
    %dma_wait3A_983 = arith.constant 10240 : i32
    %dma_wait3A_984 = tpu.memref_slice %arg8[%dma_wait3A_983] : memref<13312xf32, #tpu.memory_space<vmem>> -> memref<512xf32, #tpu.memory_space<vmem>>
    %dma_wait3A_985 = tpu.memref_slice %arg3[%dma_wait3A_982, %add3A_50] : memref<1x425984xf32, #tpu.memory_space<hbm>> -> memref<1x512xf32, #tpu.memory_space<hbm>>
    %dma_wait3A_986 = tpu.memref_squeeze %dma_wait3A_985 : memref<1x512xf32, #tpu.memory_space<hbm>> -> memref<512xf32, #tpu.memory_space<hbm>>
    %dma_wait3A_987 = arith.constant 10240 : i32
    %dma_wait3A_988 = tpu.memref_slice %arg8[%dma_wait3A_987] : memref<13312xf32, #tpu.memory_space<vmem>> -> memref<512xf32, #tpu.memory_space<vmem>>
    %dma_wait3A_989 = tpu.memref_slice %arg3[%dma_wait3A_982, %add3A_50] : memref<1x425984xf32, #tpu.memory_space<hbm>> -> memref<1x512xf32, #tpu.memory_space<hbm>>
    %dma_wait3A_990 = tpu.memref_squeeze %dma_wait3A_989 : memref<1x512xf32, #tpu.memory_space<hbm>> -> memref<512xf32, #tpu.memory_space<hbm>>
    tpu.wait_dma2 semaphore(%arg15 : memref<!tpu.dma_semaphore, #tpu.memory_space<semaphore_mem>>) src(%dma_wait3A_990 : memref<512xf32, #tpu.memory_space<hbm>>) dst(%dma_wait3A_988 : memref<512xf32, #tpu.memory_space<vmem>>)
    %dma_wait3A_991 = arith.constant 0 : i32
    %dma_wait3A_992 = arith.constant 10752 : i32
    %dma_wait3A_993 = tpu.memref_slice %arg8[%dma_wait3A_992] : memref<13312xf32, #tpu.memory_space<vmem>> -> memref<512xf32, #tpu.memory_space<vmem>>
    %dma_wait3A_994 = tpu.memref_slice %arg3[%dma_wait3A_991, %add3A_52] : memref<1x425984xf32, #tpu.memory_space<hbm>> -> memref<1x512xf32, #tpu.memory_space<hbm>>
    %dma_wait3A_995 = tpu.memref_squeeze %dma_wait3A_994 : memref<1x512xf32, #tpu.memory_space<hbm>> -> memref<512xf32, #tpu.memory_space<hbm>>
    %dma_wait3A_996 = arith.constant 10752 : i32
    %dma_wait3A_997 = tpu.memref_slice %arg8[%dma_wait3A_996] : memref<13312xf32, #tpu.memory_space<vmem>> -> memref<512xf32, #tpu.memory_space<vmem>>
    %dma_wait3A_998 = tpu.memref_slice %arg3[%dma_wait3A_991, %add3A_52] : memref<1x425984xf32, #tpu.memory_space<hbm>> -> memref<1x512xf32, #tpu.memory_space<hbm>>
    %dma_wait3A_999 = tpu.memref_squeeze %dma_wait3A_998 : memref<1x512xf32, #tpu.memory_space<hbm>> -> memref<512xf32, #tpu.memory_space<hbm>>
    tpu.wait_dma2 semaphore(%arg15 : memref<!tpu.dma_semaphore, #tpu.memory_space<semaphore_mem>>) src(%dma_wait3A_999 : memref<512xf32, #tpu.memory_space<hbm>>) dst(%dma_wait3A_997 : memref<512xf32, #tpu.memory_space<vmem>>)
    %dma_wait3A_1000 = arith.constant 0 : i32
    %dma_wait3A_1001 = arith.constant 11264 : i32
    %dma_wait3A_1002 = tpu.memref_slice %arg8[%dma_wait3A_1001] : memref<13312xf32, #tpu.memory_space<vmem>> -> memref<512xf32, #tpu.memory_space<vmem>>
    %dma_wait3A_1003 = tpu.memref_slice %arg3[%dma_wait3A_1000, %add3A_54] : memref<1x425984xf32, #tpu.memory_space<hbm>> -> memref<1x512xf32, #tpu.memory_space<hbm>>
    %dma_wait3A_1004 = tpu.memref_squeeze %dma_wait3A_1003 : memref<1x512xf32, #tpu.memory_space<hbm>> -> memref<512xf32, #tpu.memory_space<hbm>>
    %dma_wait3A_1005 = arith.constant 11264 : i32
    %dma_wait3A_1006 = tpu.memref_slice %arg8[%dma_wait3A_1005] : memref<13312xf32, #tpu.memory_space<vmem>> -> memref<512xf32, #tpu.memory_space<vmem>>
    %dma_wait3A_1007 = tpu.memref_slice %arg3[%dma_wait3A_1000, %add3A_54] : memref<1x425984xf32, #tpu.memory_space<hbm>> -> memref<1x512xf32, #tpu.memory_space<hbm>>
    %dma_wait3A_1008 = tpu.memref_squeeze %dma_wait3A_1007 : memref<1x512xf32, #tpu.memory_space<hbm>> -> memref<512xf32, #tpu.memory_space<hbm>>
    tpu.wait_dma2 semaphore(%arg15 : memref<!tpu.dma_semaphore, #tpu.memory_space<semaphore_mem>>) src(%dma_wait3A_1008 : memref<512xf32, #tpu.memory_space<hbm>>) dst(%dma_wait3A_1006 : memref<512xf32, #tpu.memory_space<vmem>>)
    %dma_wait3A_1009 = arith.constant 0 : i32
    %dma_wait3A_1010 = arith.constant 11776 : i32
    %dma_wait3A_1011 = tpu.memref_slice %arg8[%dma_wait3A_1010] : memref<13312xf32, #tpu.memory_space<vmem>> -> memref<512xf32, #tpu.memory_space<vmem>>
    %dma_wait3A_1012 = tpu.memref_slice %arg3[%dma_wait3A_1009, %add3A_56] : memref<1x425984xf32, #tpu.memory_space<hbm>> -> memref<1x512xf32, #tpu.memory_space<hbm>>
    %dma_wait3A_1013 = tpu.memref_squeeze %dma_wait3A_1012 : memref<1x512xf32, #tpu.memory_space<hbm>> -> memref<512xf32, #tpu.memory_space<hbm>>
    %dma_wait3A_1014 = arith.constant 11776 : i32
    %dma_wait3A_1015 = tpu.memref_slice %arg8[%dma_wait3A_1014] : memref<13312xf32, #tpu.memory_space<vmem>> -> memref<512xf32, #tpu.memory_space<vmem>>
    %dma_wait3A_1016 = tpu.memref_slice %arg3[%dma_wait3A_1009, %add3A_56] : memref<1x425984xf32, #tpu.memory_space<hbm>> -> memref<1x512xf32, #tpu.memory_space<hbm>>
    %dma_wait3A_1017 = tpu.memref_squeeze %dma_wait3A_1016 : memref<1x512xf32, #tpu.memory_space<hbm>> -> memref<512xf32, #tpu.memory_space<hbm>>
    tpu.wait_dma2 semaphore(%arg15 : memref<!tpu.dma_semaphore, #tpu.memory_space<semaphore_mem>>) src(%dma_wait3A_1017 : memref<512xf32, #tpu.memory_space<hbm>>) dst(%dma_wait3A_1015 : memref<512xf32, #tpu.memory_space<vmem>>)
    %dma_wait3A_1018 = arith.constant 0 : i32
    %dma_wait3A_1019 = arith.constant 12288 : i32
    %dma_wait3A_1020 = tpu.memref_slice %arg8[%dma_wait3A_1019] : memref<13312xf32, #tpu.memory_space<vmem>> -> memref<512xf32, #tpu.memory_space<vmem>>
    %dma_wait3A_1021 = tpu.memref_slice %arg3[%dma_wait3A_1018, %add3A_58] : memref<1x425984xf32, #tpu.memory_space<hbm>> -> memref<1x512xf32, #tpu.memory_space<hbm>>
    %dma_wait3A_1022 = tpu.memref_squeeze %dma_wait3A_1021 : memref<1x512xf32, #tpu.memory_space<hbm>> -> memref<512xf32, #tpu.memory_space<hbm>>
    %dma_wait3A_1023 = arith.constant 12288 : i32
    %dma_wait3A_1024 = tpu.memref_slice %arg8[%dma_wait3A_1023] : memref<13312xf32, #tpu.memory_space<vmem>> -> memref<512xf32, #tpu.memory_space<vmem>>
    %dma_wait3A_1025 = tpu.memref_slice %arg3[%dma_wait3A_1018, %add3A_58] : memref<1x425984xf32, #tpu.memory_space<hbm>> -> memref<1x512xf32, #tpu.memory_space<hbm>>
    %dma_wait3A_1026 = tpu.memref_squeeze %dma_wait3A_1025 : memref<1x512xf32, #tpu.memory_space<hbm>> -> memref<512xf32, #tpu.memory_space<hbm>>
    tpu.wait_dma2 semaphore(%arg15 : memref<!tpu.dma_semaphore, #tpu.memory_space<semaphore_mem>>) src(%dma_wait3A_1026 : memref<512xf32, #tpu.memory_space<hbm>>) dst(%dma_wait3A_1024 : memref<512xf32, #tpu.memory_space<vmem>>)
    %dma_wait3A_1027 = arith.constant 0 : i32
    %dma_wait3A_1028 = arith.constant 12800 : i32
    %dma_wait3A_1029 = tpu.memref_slice %arg8[%dma_wait3A_1028] : memref<13312xf32, #tpu.memory_space<vmem>> -> memref<512xf32, #tpu.memory_space<vmem>>
    %dma_wait3A_1030 = tpu.memref_slice %arg3[%dma_wait3A_1027, %add3A_60] : memref<1x425984xf32, #tpu.memory_space<hbm>> -> memref<1x512xf32, #tpu.memory_space<hbm>>
    %dma_wait3A_1031 = tpu.memref_squeeze %dma_wait3A_1030 : memref<1x512xf32, #tpu.memory_space<hbm>> -> memref<512xf32, #tpu.memory_space<hbm>>
    %dma_wait3A_1032 = arith.constant 12800 : i32
    %dma_wait3A_1033 = tpu.memref_slice %arg8[%dma_wait3A_1032] : memref<13312xf32, #tpu.memory_space<vmem>> -> memref<512xf32, #tpu.memory_space<vmem>>
    %dma_wait3A_1034 = tpu.memref_slice %arg3[%dma_wait3A_1027, %add3A_60] : memref<1x425984xf32, #tpu.memory_space<hbm>> -> memref<1x512xf32, #tpu.memory_space<hbm>>
    %dma_wait3A_1035 = tpu.memref_squeeze %dma_wait3A_1034 : memref<1x512xf32, #tpu.memory_space<hbm>> -> memref<512xf32, #tpu.memory_space<hbm>>
    tpu.wait_dma2 semaphore(%arg15 : memref<!tpu.dma_semaphore, #tpu.memory_space<semaphore_mem>>) src(%dma_wait3A_1035 : memref<512xf32, #tpu.memory_space<hbm>>) dst(%dma_wait3A_1033 : memref<512xf32, #tpu.memory_space<vmem>>)
    %dma_wait3A_1036 = arith.constant 0 : i32
    %dma_wait3A_1037 = arith.constant 0 : i32
    %dma_wait3A_1038 = tpu.memref_slice %arg9[%dma_wait3A_1037] : memref<13312xf32, #tpu.memory_space<vmem>> -> memref<6656xf32, #tpu.memory_space<vmem>>
    %dma_wait3A_1039 = arith.constant 0 : i32
    %dma_wait3A_1040 = tpu.memref_slice %arg7[%dma_wait3A_1039] : memref<13312xi32, #tpu.memory_space<vmem>> -> memref<6656xi32, #tpu.memory_space<vmem>>
    %dma_wait3A_1041 = arith.constant 0 : i32
    %dma_wait3A_1042 = tpu.memref_slice %arg12[%dma_wait3A_1036, %dma_wait3A_1041] : memref<1x1040000xf32, #tpu.memory_space<vmem_shared>> -> memref<1x1040000xf32, #tpu.memory_space<vmem_shared>>
    %dma_wait3A_1043 = tpu.memref_squeeze %dma_wait3A_1042 : memref<1x1040000xf32, #tpu.memory_space<vmem_shared>> -> memref<1040000xf32, #tpu.memory_space<vmem_shared>>
    %dma_wait3A_1044 = arith.constant 0 : i32
    %dma_wait3A_1045 = tpu.memref_slice %dma_wait3A_1043[%dma_wait3A_1044] : memref<1040000xf32, #tpu.memory_space<vmem_shared>> -> memref<1040000xf32, #tpu.memory_space<vmem_shared>>
    tpu.wait_indirect_dma semaphore(%arg13 : memref<!tpu.dma_semaphore, #tpu.memory_space<semaphore_mem>>) src(%dma_wait3A_1045 : memref<1040000xf32, #tpu.memory_space<vmem_shared>>) dst(%dma_wait3A_1038 : memref<6656xf32, #tpu.memory_space<vmem>>)
    %scan3A_1046 = arith.constant 0 : i32
    %scan3A_1047 = arith.constant 0 : i32
    %scan3A_1048 = arith.constant 32 : i32
    %scan3A_1049 = arith.addi %scan3A_1047, %scan3A_1048 : i32
    %scan3A_1050 = arith.constant 1 : i32
    scf.for %scan3A_1068 = %scan3A_1047 to %scan3A_1049 step %scan3A_1050  : i32 {
      %mul3A_1069 = arith.constant 16 : i32
      %mul3A_1070 = arith.muli %scan3A_1068, %mul3A_1069 : i32
      %get3A = arith.constant 0 : index
      %get3A_1071 = tpu.vector_load %arg11[%get3A] {strides = array<i32>} : memref<16xf32, #tpu.memory_space<vmem>>, vector<16xf32>,
      %get3A_1072 = vector.shape_cast %get3A_1071 : vector<16xf32> to vector<16xf32>
      %get3A_1073 = arith.index_cast %mul3A_1070 : i32 to index
      %get3A_1074 = tpu.vector_load %arg9[%get3A_1073] {strides = array<i32>} : memref<13312xf32, #tpu.memory_space<vmem>>, vector<16xf32>,
      %get3A_1075 = vector.shape_cast %get3A_1074 : vector<16xf32> to vector<16xf32>
      %get3A_1076 = arith.index_cast %mul3A_1070 : i32 to index
      %get3A_1077 = tpu.vector_load %arg8[%get3A_1076] {strides = array<i32>} : memref<13312xf32, #tpu.memory_space<vmem>>, vector<16xf32>,
      %get3A_1078 = vector.shape_cast %get3A_1077 : vector<16xf32> to vector<16xf32>
      %mul3A_1079 = arith.mulf %get3A_1075, %get3A_1078 : vector<16xf32>
      %add3A_1080 = arith.addf %get3A_1072, %mul3A_1079 : vector<16xf32>
      %mul3A_1081 = arith.constant 16 : i32
      %mul3A_1082 = arith.muli %scan3A_1068, %mul3A_1081 : i32
      %add3A_1083 = arith.constant 512 : i32
      %add3A_1084 = arith.addi %add3A_1083, %mul3A_1082 : i32
      %get3A_1085 = arith.index_cast %add3A_1084 : i32 to index
      %get3A_1086 = tpu.vector_load %arg9[%get3A_1085] {strides = array<i32>} : memref<13312xf32, #tpu.memory_space<vmem>>, vector<16xf32>,
      %get3A_1087 = vector.shape_cast %get3A_1086 : vector<16xf32> to vector<16xf32>
      %get3A_1088 = arith.index_cast %add3A_1084 : i32 to index
      %get3A_1089 = tpu.vector_load %arg8[%get3A_1088] {strides = array<i32>} : memref<13312xf32, #tpu.memory_space<vmem>>, vector<16xf32>,
      %get3A_1090 = vector.shape_cast %get3A_1089 : vector<16xf32> to vector<16xf32>
      %mul3A_1091 = arith.mulf %get3A_1087, %get3A_1090 : vector<16xf32>
      %mul3A_1092 = arith.constant 16 : i32
      %mul3A_1093 = arith.muli %scan3A_1068, %mul3A_1092 : i32
      %add3A_1094 = arith.constant 1024 : i32
      %add3A_1095 = arith.addi %add3A_1094, %mul3A_1093 : i32
      %get3A_1096 = arith.index_cast %add3A_1095 : i32 to index
      %get3A_1097 = tpu.vector_load %arg9[%get3A_1096] {strides = array<i32>} : memref<13312xf32, #tpu.memory_space<vmem>>, vector<16xf32>,
      %get3A_1098 = vector.shape_cast %get3A_1097 : vector<16xf32> to vector<16xf32>
      %get3A_1099 = arith.index_cast %add3A_1095 : i32 to index
      %get3A_1100 = tpu.vector_load %arg8[%get3A_1099] {strides = array<i32>} : memref<13312xf32, #tpu.memory_space<vmem>>, vector<16xf32>,
      %get3A_1101 = vector.shape_cast %get3A_1100 : vector<16xf32> to vector<16xf32>
      %mul3A_1102 = arith.mulf %get3A_1098, %get3A_1101 : vector<16xf32>
      %add3A_1103 = arith.addf %add3A_1080, %mul3A_1102 : vector<16xf32>
      %mul3A_1104 = arith.constant 16 : i32
      %mul3A_1105 = arith.muli %scan3A_1068, %mul3A_1104 : i32
      %add3A_1106 = arith.constant 1536 : i32
      %add3A_1107 = arith.addi %add3A_1106, %mul3A_1105 : i32
      %get3A_1108 = arith.index_cast %add3A_1107 : i32 to index
      %get3A_1109 = tpu.vector_load %arg9[%get3A_1108] {strides = array<i32>} : memref<13312xf32, #tpu.memory_space<vmem>>, vector<16xf32>,
      %get3A_1110 = vector.shape_cast %get3A_1109 : vector<16xf32> to vector<16xf32>
      %get3A_1111 = arith.index_cast %add3A_1107 : i32 to index
      %get3A_1112 = tpu.vector_load %arg8[%get3A_1111] {strides = array<i32>} : memref<13312xf32, #tpu.memory_space<vmem>>, vector<16xf32>,
      %get3A_1113 = vector.shape_cast %get3A_1112 : vector<16xf32> to vector<16xf32>
      %mul3A_1114 = arith.mulf %get3A_1110, %get3A_1113 : vector<16xf32>
      %add3A_1115 = arith.addf %mul3A_1091, %mul3A_1114 : vector<16xf32>
      %mul3A_1116 = arith.constant 16 : i32
      %mul3A_1117 = arith.muli %scan3A_1068, %mul3A_1116 : i32
      %add3A_1118 = arith.constant 2048 : i32
      %add3A_1119 = arith.addi %add3A_1118, %mul3A_1117 : i32
      %get3A_1120 = arith.index_cast %add3A_1119 : i32 to index
      %get3A_1121 = tpu.vector_load %arg9[%get3A_1120] {strides = array<i32>} : memref<13312xf32, #tpu.memory_space<vmem>>, vector<16xf32>,
      %get3A_1122 = vector.shape_cast %get3A_1121 : vector<16xf32> to vector<16xf32>
      %get3A_1123 = arith.index_cast %add3A_1119 : i32 to index
      %get3A_1124 = tpu.vector_load %arg8[%get3A_1123] {strides = array<i32>} : memref<13312xf32, #tpu.memory_space<vmem>>, vector<16xf32>,
      %get3A_1125 = vector.shape_cast %get3A_1124 : vector<16xf32> to vector<16xf32>
      %mul3A_1126 = arith.mulf %get3A_1122, %get3A_1125 : vector<16xf32>
      %add3A_1127 = arith.addf %add3A_1103, %mul3A_1126 : vector<16xf32>
      %mul3A_1128 = arith.constant 16 : i32
      %mul3A_1129 = arith.muli %scan3A_1068, %mul3A_1128 : i32
      %add3A_1130 = arith.constant 2560 : i32
      %add3A_1131 = arith.addi %add3A_1130, %mul3A_1129 : i32
      %get3A_1132 = arith.index_cast %add3A_1131 : i32 to index
      %get3A_1133 = tpu.vector_load %arg9[%get3A_1132] {strides = array<i32>} : memref<13312xf32, #tpu.memory_space<vmem>>, vector<16xf32>,
      %get3A_1134 = vector.shape_cast %get3A_1133 : vector<16xf32> to vector<16xf32>
      %get3A_1135 = arith.index_cast %add3A_1131 : i32 to index
      %get3A_1136 = tpu.vector_load %arg8[%get3A_1135] {strides = array<i32>} : memref<13312xf32, #tpu.memory_space<vmem>>, vector<16xf32>,
      %get3A_1137 = vector.shape_cast %get3A_1136 : vector<16xf32> to vector<16xf32>
      %mul3A_1138 = arith.mulf %get3A_1134, %get3A_1137 : vector<16xf32>
      %add3A_1139 = arith.addf %add3A_1115, %mul3A_1138 : vector<16xf32>
      %mul3A_1140 = arith.constant 16 : i32
      %mul3A_1141 = arith.muli %scan3A_1068, %mul3A_1140 : i32
      %add3A_1142 = arith.constant 3072 : i32
      %add3A_1143 = arith.addi %add3A_1142, %mul3A_1141 : i32
      %get3A_1144 = arith.index_cast %add3A_1143 : i32 to index
      %get3A_1145 = tpu.vector_load %arg9[%get3A_1144] {strides = array<i32>} : memref<13312xf32, #tpu.memory_space<vmem>>, vector<16xf32>,
      %get3A_1146 = vector.shape_cast %get3A_1145 : vector<16xf32> to vector<16xf32>
      %get3A_1147 = arith.index_cast %add3A_1143 : i32 to index
      %get3A_1148 = tpu.vector_load %arg8[%get3A_1147] {strides = array<i32>} : memref<13312xf32, #tpu.memory_space<vmem>>, vector<16xf32>,
      %get3A_1149 = vector.shape_cast %get3A_1148 : vector<16xf32> to vector<16xf32>
      %mul3A_1150 = arith.mulf %get3A_1146, %get3A_1149 : vector<16xf32>
      %add3A_1151 = arith.addf %add3A_1127, %mul3A_1150 : vector<16xf32>
      %mul3A_1152 = arith.constant 16 : i32
      %mul3A_1153 = arith.muli %scan3A_1068, %mul3A_1152 : i32
      %add3A_1154 = arith.constant 3584 : i32
      %add3A_1155 = arith.addi %add3A_1154, %mul3A_1153 : i32
      %get3A_1156 = arith.index_cast %add3A_1155 : i32 to index
      %get3A_1157 = tpu.vector_load %arg9[%get3A_1156] {strides = array<i32>} : memref<13312xf32, #tpu.memory_space<vmem>>, vector<16xf32>,
      %get3A_1158 = vector.shape_cast %get3A_1157 : vector<16xf32> to vector<16xf32>
      %get3A_1159 = arith.index_cast %add3A_1155 : i32 to index
      %get3A_1160 = tpu.vector_load %arg8[%get3A_1159] {strides = array<i32>} : memref<13312xf32, #tpu.memory_space<vmem>>, vector<16xf32>,
      %get3A_1161 = vector.shape_cast %get3A_1160 : vector<16xf32> to vector<16xf32>
      %mul3A_1162 = arith.mulf %get3A_1158, %get3A_1161 : vector<16xf32>
      %add3A_1163 = arith.addf %add3A_1139, %mul3A_1162 : vector<16xf32>
      %mul3A_1164 = arith.constant 16 : i32
      %mul3A_1165 = arith.muli %scan3A_1068, %mul3A_1164 : i32
      %add3A_1166 = arith.constant 4096 : i32
      %add3A_1167 = arith.addi %add3A_1166, %mul3A_1165 : i32
      %get3A_1168 = arith.index_cast %add3A_1167 : i32 to index
      %get3A_1169 = tpu.vector_load %arg9[%get3A_1168] {strides = array<i32>} : memref<13312xf32, #tpu.memory_space<vmem>>, vector<16xf32>,
      %get3A_1170 = vector.shape_cast %get3A_1169 : vector<16xf32> to vector<16xf32>
      %get3A_1171 = arith.index_cast %add3A_1167 : i32 to index
      %get3A_1172 = tpu.vector_load %arg8[%get3A_1171] {strides = array<i32>} : memref<13312xf32, #tpu.memory_space<vmem>>, vector<16xf32>,
      %get3A_1173 = vector.shape_cast %get3A_1172 : vector<16xf32> to vector<16xf32>
      %mul3A_1174 = arith.mulf %get3A_1170, %get3A_1173 : vector<16xf32>
      %add3A_1175 = arith.addf %add3A_1151, %mul3A_1174 : vector<16xf32>
      %mul3A_1176 = arith.constant 16 : i32
      %mul3A_1177 = arith.muli %scan3A_1068, %mul3A_1176 : i32
      %add3A_1178 = arith.constant 4608 : i32
      %add3A_1179 = arith.addi %add3A_1178, %mul3A_1177 : i32
      %get3A_1180 = arith.index_cast %add3A_1179 : i32 to index
      %get3A_1181 = tpu.vector_load %arg9[%get3A_1180] {strides = array<i32>} : memref<13312xf32, #tpu.memory_space<vmem>>, vector<16xf32>,
      %get3A_1182 = vector.shape_cast %get3A_1181 : vector<16xf32> to vector<16xf32>
      %get3A_1183 = arith.index_cast %add3A_1179 : i32 to index
      %get3A_1184 = tpu.vector_load %arg8[%get3A_1183] {strides = array<i32>} : memref<13312xf32, #tpu.memory_space<vmem>>, vector<16xf32>,
      %get3A_1185 = vector.shape_cast %get3A_1184 : vector<16xf32> to vector<16xf32>
      %mul3A_1186 = arith.mulf %get3A_1182, %get3A_1185 : vector<16xf32>
      %add3A_1187 = arith.addf %add3A_1163, %mul3A_1186 : vector<16xf32>
      %mul3A_1188 = arith.constant 16 : i32
      %mul3A_1189 = arith.muli %scan3A_1068, %mul3A_1188 : i32
      %add3A_1190 = arith.constant 5120 : i32
      %add3A_1191 = arith.addi %add3A_1190, %mul3A_1189 : i32
      %get3A_1192 = arith.index_cast %add3A_1191 : i32 to index
      %get3A_1193 = tpu.vector_load %arg9[%get3A_1192] {strides = array<i32>} : memref<13312xf32, #tpu.memory_space<vmem>>, vector<16xf32>,
      %get3A_1194 = vector.shape_cast %get3A_1193 : vector<16xf32> to vector<16xf32>
      %get3A_1195 = arith.index_cast %add3A_1191 : i32 to index
      %get3A_1196 = tpu.vector_load %arg8[%get3A_1195] {strides = array<i32>} : memref<13312xf32, #tpu.memory_space<vmem>>, vector<16xf32>,
      %get3A_1197 = vector.shape_cast %get3A_1196 : vector<16xf32> to vector<16xf32>
      %mul3A_1198 = arith.mulf %get3A_1194, %get3A_1197 : vector<16xf32>
      %add3A_1199 = arith.addf %add3A_1175, %mul3A_1198 : vector<16xf32>
      %mul3A_1200 = arith.constant 16 : i32
      %mul3A_1201 = arith.muli %scan3A_1068, %mul3A_1200 : i32
      %add3A_1202 = arith.constant 5632 : i32
      %add3A_1203 = arith.addi %add3A_1202, %mul3A_1201 : i32
      %get3A_1204 = arith.index_cast %add3A_1203 : i32 to index
      %get3A_1205 = tpu.vector_load %arg9[%get3A_1204] {strides = array<i32>} : memref<13312xf32, #tpu.memory_space<vmem>>, vector<16xf32>,
      %get3A_1206 = vector.shape_cast %get3A_1205 : vector<16xf32> to vector<16xf32>
      %get3A_1207 = arith.index_cast %add3A_1203 : i32 to index
      %get3A_1208 = tpu.vector_load %arg8[%get3A_1207] {strides = array<i32>} : memref<13312xf32, #tpu.memory_space<vmem>>, vector<16xf32>,
      %get3A_1209 = vector.shape_cast %get3A_1208 : vector<16xf32> to vector<16xf32>
      %mul3A_1210 = arith.mulf %get3A_1206, %get3A_1209 : vector<16xf32>
      %add3A_1211 = arith.addf %add3A_1187, %mul3A_1210 : vector<16xf32>
      %mul3A_1212 = arith.constant 16 : i32
      %mul3A_1213 = arith.muli %scan3A_1068, %mul3A_1212 : i32
      %add3A_1214 = arith.constant 6144 : i32
      %add3A_1215 = arith.addi %add3A_1214, %mul3A_1213 : i32
      %get3A_1216 = arith.index_cast %add3A_1215 : i32 to index
      %get3A_1217 = tpu.vector_load %arg9[%get3A_1216] {strides = array<i32>} : memref<13312xf32, #tpu.memory_space<vmem>>, vector<16xf32>,
      %get3A_1218 = vector.shape_cast %get3A_1217 : vector<16xf32> to vector<16xf32>
      %get3A_1219 = arith.index_cast %add3A_1215 : i32 to index
      %get3A_1220 = tpu.vector_load %arg8[%get3A_1219] {strides = array<i32>} : memref<13312xf32, #tpu.memory_space<vmem>>, vector<16xf32>,
      %get3A_1221 = vector.shape_cast %get3A_1220 : vector<16xf32> to vector<16xf32>
      %mul3A_1222 = arith.mulf %get3A_1218, %get3A_1221 : vector<16xf32>
      %add3A_1223 = arith.addf %add3A_1199, %mul3A_1222 : vector<16xf32>
      %add3A_1224 = arith.addf %add3A_1223, %add3A_1211 : vector<16xf32>
      %swap3A = arith.index_cast %mul3A_1070 : i32 to index
      %swap3A_1225 = tpu.vector_load %arg10[%swap3A] {strides = array<i32>} : memref<512xf32, #tpu.memory_space<vmem>>, vector<16xf32>,
      %swap3A_1226 = vector.shape_cast %swap3A_1225 : vector<16xf32> to vector<16xf32>
      %swap3A_1227 = vector.shape_cast %add3A_1224 : vector<16xf32> to vector<16xf32>
      tpu.vector_store %arg10[%swap3A], %swap3A_1227 {strides = array<i32>} : memref<512xf32, #tpu.memory_space<vmem>>, vector<16xf32>,
    }
    %scan3A_1051 = arith.constant 32 : i32
    %dma_wait3A_1052 = arith.constant 0 : i32
    %dma_wait3A_1053 = arith.constant 6656 : i32
    %dma_wait3A_1054 = tpu.memref_slice %arg9[%dma_wait3A_1053] : memref<13312xf32, #tpu.memory_space<vmem>> -> memref<6656xf32, #tpu.memory_space<vmem>>
    %dma_wait3A_1055 = arith.constant 6656 : i32
    %dma_wait3A_1056 = tpu.memref_slice %arg7[%dma_wait3A_1055] : memref<13312xi32, #tpu.memory_space<vmem>> -> memref<6656xi32, #tpu.memory_space<vmem>>
    %dma_wait3A_1057 = arith.constant 0 : i32
    %dma_wait3A_1058 = tpu.memref_slice %arg12[%dma_wait3A_1052, %dma_wait3A_1057] : memref<1x1040000xf32, #tpu.memory_space<vmem_shared>> -> memref<1x1040000xf32, #tpu.memory_space<vmem_shared>>
    %dma_wait3A_1059 = tpu.memref_squeeze %dma_wait3A_1058 : memref<1x1040000xf32, #tpu.memory_space<vmem_shared>> -> memref<1040000xf32, #tpu.memory_space<vmem_shared>>
    %dma_wait3A_1060 = arith.constant 0 : i32
    %dma_wait3A_1061 = tpu.memref_slice %dma_wait3A_1059[%dma_wait3A_1060] : memref<1040000xf32, #tpu.memory_space<vmem_shared>> -> memref<1040000xf32, #tpu.memory_space<vmem_shared>>
    tpu.wait_indirect_dma semaphore(%arg13 : memref<!tpu.dma_semaphore, #tpu.memory_space<semaphore_mem>>) src(%dma_wait3A_1061 : memref<1040000xf32, #tpu.memory_space<vmem_shared>>) dst(%dma_wait3A_1054 : memref<6656xf32, #tpu.memory_space<vmem>>)
    %scan3A_1062 = arith.constant 0 : i32
    %scan3A_1063 = arith.constant 0 : i32
    %scan3A_1064 = arith.constant 32 : i32
    %scan3A_1065 = arith.addi %scan3A_1063, %scan3A_1064 : i32
    %scan3A_1066 = arith.constant 1 : i32
    scf.for %scan3A_1068 = %scan3A_1063 to %scan3A_1065 step %scan3A_1066  : i32 {
      %mul3A_1069 = arith.constant 16 : i32
      %mul3A_1070 = arith.muli %scan3A_1068, %mul3A_1069 : i32
      %get3A = arith.index_cast %mul3A_1070 : i32 to index
      %get3A_1071 = tpu.vector_load %arg10[%get3A] {strides = array<i32>} : memref<512xf32, #tpu.memory_space<vmem>>, vector<16xf32>,
      %get3A_1072 = vector.shape_cast %get3A_1071 : vector<16xf32> to vector<16xf32>
      %mul3A_1073 = arith.constant 16 : i32
      %mul3A_1074 = arith.muli %scan3A_1068, %mul3A_1073 : i32
      %add3A_1075 = arith.constant 6656 : i32
      %add3A_1076 = arith.addi %add3A_1075, %mul3A_1074 : i32
      %get3A_1077 = arith.index_cast %add3A_1076 : i32 to index
      %get3A_1078 = tpu.vector_load %arg9[%get3A_1077] {strides = array<i32>} : memref<13312xf32, #tpu.memory_space<vmem>>, vector<16xf32>,
      %get3A_1079 = vector.shape_cast %get3A_1078 : vector<16xf32> to vector<16xf32>
      %get3A_1080 = arith.index_cast %add3A_1076 : i32 to index
      %get3A_1081 = tpu.vector_load %arg8[%get3A_1080] {strides = array<i32>} : memref<13312xf32, #tpu.memory_space<vmem>>, vector<16xf32>,
      %get3A_1082 = vector.shape_cast %get3A_1081 : vector<16xf32> to vector<16xf32>
      %mul3A_1083 = arith.mulf %get3A_1079, %get3A_1082 : vector<16xf32>
      %mul3A_1084 = arith.constant 16 : i32
      %mul3A_1085 = arith.muli %scan3A_1068, %mul3A_1084 : i32
      %add3A_1086 = arith.constant 7168 : i32
      %add3A_1087 = arith.addi %add3A_1086, %mul3A_1085 : i32
      %get3A_1088 = arith.index_cast %add3A_1087 : i32 to index
      %get3A_1089 = tpu.vector_load %arg9[%get3A_1088] {strides = array<i32>} : memref<13312xf32, #tpu.memory_space<vmem>>, vector<16xf32>,
      %get3A_1090 = vector.shape_cast %get3A_1089 : vector<16xf32> to vector<16xf32>
      %get3A_1091 = arith.index_cast %add3A_1087 : i32 to index
      %get3A_1092 = tpu.vector_load %arg8[%get3A_1091] {strides = array<i32>} : memref<13312xf32, #tpu.memory_space<vmem>>, vector<16xf32>,
      %get3A_1093 = vector.shape_cast %get3A_1092 : vector<16xf32> to vector<16xf32>
      %mul3A_1094 = arith.mulf %get3A_1090, %get3A_1093 : vector<16xf32>
      %add3A_1095 = arith.addf %get3A_1072, %mul3A_1094 : vector<16xf32>
      %mul3A_1096 = arith.constant 16 : i32
      %mul3A_1097 = arith.muli %scan3A_1068, %mul3A_1096 : i32
      %add3A_1098 = arith.constant 7680 : i32
      %add3A_1099 = arith.addi %add3A_1098, %mul3A_1097 : i32
      %get3A_1100 = arith.index_cast %add3A_1099 : i32 to index
      %get3A_1101 = tpu.vector_load %arg9[%get3A_1100] {strides = array<i32>} : memref<13312xf32, #tpu.memory_space<vmem>>, vector<16xf32>,
      %get3A_1102 = vector.shape_cast %get3A_1101 : vector<16xf32> to vector<16xf32>
      %get3A_1103 = arith.index_cast %add3A_1099 : i32 to index
      %get3A_1104 = tpu.vector_load %arg8[%get3A_1103] {strides = array<i32>} : memref<13312xf32, #tpu.memory_space<vmem>>, vector<16xf32>,
      %get3A_1105 = vector.shape_cast %get3A_1104 : vector<16xf32> to vector<16xf32>
      %mul3A_1106 = arith.mulf %get3A_1102, %get3A_1105 : vector<16xf32>
      %add3A_1107 = arith.addf %mul3A_1083, %mul3A_1106 : vector<16xf32>
      %mul3A_1108 = arith.constant 16 : i32
      %mul3A_1109 = arith.muli %scan3A_1068, %mul3A_1108 : i32
      %add3A_1110 = arith.constant 8192 : i32
      %add3A_1111 = arith.addi %add3A_1110, %mul3A_1109 : i32
      %get3A_1112 = arith.index_cast %add3A_1111 : i32 to index
      %get3A_1113 = tpu.vector_load %arg9[%get3A_1112] {strides = array<i32>} : memref<13312xf32, #tpu.memory_space<vmem>>, vector<16xf32>,
      %get3A_1114 = vector.shape_cast %get3A_1113 : vector<16xf32> to vector<16xf32>
      %get3A_1115 = arith.index_cast %add3A_1111 : i32 to index
      %get3A_1116 = tpu.vector_load %arg8[%get3A_1115] {strides = array<i32>} : memref<13312xf32, #tpu.memory_space<vmem>>, vector<16xf32>,
      %get3A_1117 = vector.shape_cast %get3A_1116 : vector<16xf32> to vector<16xf32>
      %mul3A_1118 = arith.mulf %get3A_1114, %get3A_1117 : vector<16xf32>
      %add3A_1119 = arith.addf %add3A_1095, %mul3A_1118 : vector<16xf32>
      %mul3A_1120 = arith.constant 16 : i32
      %mul3A_1121 = arith.muli %scan3A_1068, %mul3A_1120 : i32
      %add3A_1122 = arith.constant 8704 : i32
      %add3A_1123 = arith.addi %add3A_1122, %mul3A_1121 : i32
      %get3A_1124 = arith.index_cast %add3A_1123 : i32 to index
      %get3A_1125 = tpu.vector_load %arg9[%get3A_1124] {strides = array<i32>} : memref<13312xf32, #tpu.memory_space<vmem>>, vector<16xf32>,
      %get3A_1126 = vector.shape_cast %get3A_1125 : vector<16xf32> to vector<16xf32>
      %get3A_1127 = arith.index_cast %add3A_1123 : i32 to index
      %get3A_1128 = tpu.vector_load %arg8[%get3A_1127] {strides = array<i32>} : memref<13312xf32, #tpu.memory_space<vmem>>, vector<16xf32>,
      %get3A_1129 = vector.shape_cast %get3A_1128 : vector<16xf32> to vector<16xf32>
      %mul3A_1130 = arith.mulf %get3A_1126, %get3A_1129 : vector<16xf32>
      %add3A_1131 = arith.addf %add3A_1107, %mul3A_1130 : vector<16xf32>
      %mul3A_1132 = arith.constant 16 : i32
      %mul3A_1133 = arith.muli %scan3A_1068, %mul3A_1132 : i32
      %add3A_1134 = arith.constant 9216 : i32
      %add3A_1135 = arith.addi %add3A_1134, %mul3A_1133 : i32
      %get3A_1136 = arith.index_cast %add3A_1135 : i32 to index
      %get3A_1137 = tpu.vector_load %arg9[%get3A_1136] {strides = array<i32>} : memref<13312xf32, #tpu.memory_space<vmem>>, vector<16xf32>,
      %get3A_1138 = vector.shape_cast %get3A_1137 : vector<16xf32> to vector<16xf32>
      %get3A_1139 = arith.index_cast %add3A_1135 : i32 to index
      %get3A_1140 = tpu.vector_load %arg8[%get3A_1139] {strides = array<i32>} : memref<13312xf32, #tpu.memory_space<vmem>>, vector<16xf32>,
      %get3A_1141 = vector.shape_cast %get3A_1140 : vector<16xf32> to vector<16xf32>
      %mul3A_1142 = arith.mulf %get3A_1138, %get3A_1141 : vector<16xf32>
      %add3A_1143 = arith.addf %add3A_1119, %mul3A_1142 : vector<16xf32>
      %mul3A_1144 = arith.constant 16 : i32
      %mul3A_1145 = arith.muli %scan3A_1068, %mul3A_1144 : i32
      %add3A_1146 = arith.constant 9728 : i32
      %add3A_1147 = arith.addi %add3A_1146, %mul3A_1145 : i32
      %get3A_1148 = arith.index_cast %add3A_1147 : i32 to index
      %get3A_1149 = tpu.vector_load %arg9[%get3A_1148] {strides = array<i32>} : memref<13312xf32, #tpu.memory_space<vmem>>, vector<16xf32>,
      %get3A_1150 = vector.shape_cast %get3A_1149 : vector<16xf32> to vector<16xf32>
      %get3A_1151 = arith.index_cast %add3A_1147 : i32 to index
      %get3A_1152 = tpu.vector_load %arg8[%get3A_1151] {strides = array<i32>} : memref<13312xf32, #tpu.memory_space<vmem>>, vector<16xf32>,
      %get3A_1153 = vector.shape_cast %get3A_1152 : vector<16xf32> to vector<16xf32>
      %mul3A_1154 = arith.mulf %get3A_1150, %get3A_1153 : vector<16xf32>
      %add3A_1155 = arith.addf %add3A_1131, %mul3A_1154 : vector<16xf32>
      %mul3A_1156 = arith.constant 16 : i32
      %mul3A_1157 = arith.muli %scan3A_1068, %mul3A_1156 : i32
      %add3A_1158 = arith.constant 10240 : i32
      %add3A_1159 = arith.addi %add3A_1158, %mul3A_1157 : i32
      %get3A_1160 = arith.index_cast %add3A_1159 : i32 to index
      %get3A_1161 = tpu.vector_load %arg9[%get3A_1160] {strides = array<i32>} : memref<13312xf32, #tpu.memory_space<vmem>>, vector<16xf32>,
      %get3A_1162 = vector.shape_cast %get3A_1161 : vector<16xf32> to vector<16xf32>
      %get3A_1163 = arith.index_cast %add3A_1159 : i32 to index
      %get3A_1164 = tpu.vector_load %arg8[%get3A_1163] {strides = array<i32>} : memref<13312xf32, #tpu.memory_space<vmem>>, vector<16xf32>,
      %get3A_1165 = vector.shape_cast %get3A_1164 : vector<16xf32> to vector<16xf32>
      %mul3A_1166 = arith.mulf %get3A_1162, %get3A_1165 : vector<16xf32>
      %add3A_1167 = arith.addf %add3A_1143, %mul3A_1166 : vector<16xf32>
      %mul3A_1168 = arith.constant 16 : i32
      %mul3A_1169 = arith.muli %scan3A_1068, %mul3A_1168 : i32
      %add3A_1170 = arith.constant 10752 : i32
      %add3A_1171 = arith.addi %add3A_1170, %mul3A_1169 : i32
      %get3A_1172 = arith.index_cast %add3A_1171 : i32 to index
      %get3A_1173 = tpu.vector_load %arg9[%get3A_1172] {strides = array<i32>} : memref<13312xf32, #tpu.memory_space<vmem>>, vector<16xf32>,
      %get3A_1174 = vector.shape_cast %get3A_1173 : vector<16xf32> to vector<16xf32>
      %get3A_1175 = arith.index_cast %add3A_1171 : i32 to index
      %get3A_1176 = tpu.vector_load %arg8[%get3A_1175] {strides = array<i32>} : memref<13312xf32, #tpu.memory_space<vmem>>, vector<16xf32>,
      %get3A_1177 = vector.shape_cast %get3A_1176 : vector<16xf32> to vector<16xf32>
      %mul3A_1178 = arith.mulf %get3A_1174, %get3A_1177 : vector<16xf32>
      %add3A_1179 = arith.addf %add3A_1155, %mul3A_1178 : vector<16xf32>
      %mul3A_1180 = arith.constant 16 : i32
      %mul3A_1181 = arith.muli %scan3A_1068, %mul3A_1180 : i32
      %add3A_1182 = arith.constant 11264 : i32
      %add3A_1183 = arith.addi %add3A_1182, %mul3A_1181 : i32
      %get3A_1184 = arith.index_cast %add3A_1183 : i32 to index
      %get3A_1185 = tpu.vector_load %arg9[%get3A_1184] {strides = array<i32>} : memref<13312xf32, #tpu.memory_space<vmem>>, vector<16xf32>,
      %get3A_1186 = vector.shape_cast %get3A_1185 : vector<16xf32> to vector<16xf32>
      %get3A_1187 = arith.index_cast %add3A_1183 : i32 to index
      %get3A_1188 = tpu.vector_load %arg8[%get3A_1187] {strides = array<i32>} : memref<13312xf32, #tpu.memory_space<vmem>>, vector<16xf32>,
      %get3A_1189 = vector.shape_cast %get3A_1188 : vector<16xf32> to vector<16xf32>
      %mul3A_1190 = arith.mulf %get3A_1186, %get3A_1189 : vector<16xf32>
      %add3A_1191 = arith.addf %add3A_1167, %mul3A_1190 : vector<16xf32>
      %mul3A_1192 = arith.constant 16 : i32
      %mul3A_1193 = arith.muli %scan3A_1068, %mul3A_1192 : i32
      %add3A_1194 = arith.constant 11776 : i32
      %add3A_1195 = arith.addi %add3A_1194, %mul3A_1193 : i32
      %get3A_1196 = arith.index_cast %add3A_1195 : i32 to index
      %get3A_1197 = tpu.vector_load %arg9[%get3A_1196] {strides = array<i32>} : memref<13312xf32, #tpu.memory_space<vmem>>, vector<16xf32>,
      %get3A_1198 = vector.shape_cast %get3A_1197 : vector<16xf32> to vector<16xf32>
      %get3A_1199 = arith.index_cast %add3A_1195 : i32 to index
      %get3A_1200 = tpu.vector_load %arg8[%get3A_1199] {strides = array<i32>} : memref<13312xf32, #tpu.memory_space<vmem>>, vector<16xf32>,
      %get3A_1201 = vector.shape_cast %get3A_1200 : vector<16xf32> to vector<16xf32>
      %mul3A_1202 = arith.mulf %get3A_1198, %get3A_1201 : vector<16xf32>
      %add3A_1203 = arith.addf %add3A_1179, %mul3A_1202 : vector<16xf32>
      %mul3A_1204 = arith.constant 16 : i32
      %mul3A_1205 = arith.muli %scan3A_1068, %mul3A_1204 : i32
      %add3A_1206 = arith.constant 12288 : i32
      %add3A_1207 = arith.addi %add3A_1206, %mul3A_1205 : i32
      %get3A_1208 = arith.index_cast %add3A_1207 : i32 to index
      %get3A_1209 = tpu.vector_load %arg9[%get3A_1208] {strides = array<i32>} : memref<13312xf32, #tpu.memory_space<vmem>>, vector<16xf32>,
      %get3A_1210 = vector.shape_cast %get3A_1209 : vector<16xf32> to vector<16xf32>
      %get3A_1211 = arith.index_cast %add3A_1207 : i32 to index
      %get3A_1212 = tpu.vector_load %arg8[%get3A_1211] {strides = array<i32>} : memref<13312xf32, #tpu.memory_space<vmem>>, vector<16xf32>,
      %get3A_1213 = vector.shape_cast %get3A_1212 : vector<16xf32> to vector<16xf32>
      %mul3A_1214 = arith.mulf %get3A_1210, %get3A_1213 : vector<16xf32>
      %add3A_1215 = arith.addf %add3A_1191, %mul3A_1214 : vector<16xf32>
      %mul3A_1216 = arith.constant 16 : i32
      %mul3A_1217 = arith.muli %scan3A_1068, %mul3A_1216 : i32
      %add3A_1218 = arith.constant 12800 : i32
      %add3A_1219 = arith.addi %add3A_1218, %mul3A_1217 : i32
      %get3A_1220 = arith.index_cast %add3A_1219 : i32 to index
      %get3A_1221 = tpu.vector_load %arg9[%get3A_1220] {strides = array<i32>} : memref<13312xf32, #tpu.memory_space<vmem>>, vector<16xf32>,
      %get3A_1222 = vector.shape_cast %get3A_1221 : vector<16xf32> to vector<16xf32>
      %get3A_1223 = arith.index_cast %add3A_1219 : i32 to index
      %get3A_1224 = tpu.vector_load %arg8[%get3A_1223] {strides = array<i32>} : memref<13312xf32, #tpu.memory_space<vmem>>, vector<16xf32>,
      %get3A_1225 = vector.shape_cast %get3A_1224 : vector<16xf32> to vector<16xf32>
      %mul3A_1226 = arith.mulf %get3A_1222, %get3A_1225 : vector<16xf32>
      %add3A_1227 = arith.addf %add3A_1203, %mul3A_1226 : vector<16xf32>
      %add3A_1228 = arith.addf %add3A_1215, %add3A_1227 : vector<16xf32>
      %swap3A = arith.index_cast %mul3A_1070 : i32 to index
      %swap3A_1229 = tpu.vector_load %arg10[%swap3A] {strides = array<i32>} : memref<512xf32, #tpu.memory_space<vmem>>, vector<16xf32>,
      %swap3A_1230 = vector.shape_cast %swap3A_1229 : vector<16xf32> to vector<16xf32>
      %swap3A_1231 = vector.shape_cast %add3A_1228 : vector<16xf32> to vector<16xf32>
      tpu.vector_store %arg10[%swap3A], %swap3A_1231 {strides = array<i32>} : memref<512xf32, #tpu.memory_space<vmem>>, vector<16xf32>,
    }
    %scan3A_1067 = arith.constant 32 : i32
    "tpu.region"() ({
      %run_scoped3A = tpu.sem_alloc : memref<!tpu.dma_semaphore, #tpu.memory_space<semaphore_mem>>
      %dma_start3A_1068 = tpu.memref_slice %arg6[%mul3A_2] : memref<16384xf32, #tpu.memory_space<hbm>> -> memref<512xf32, #tpu.memory_space<hbm>>
      %dma_start3A_1069 = tpu.memref_slice %arg6[%mul3A_2] : memref<16384xf32, #tpu.memory_space<hbm>> -> memref<512xf32, #tpu.memory_space<hbm>>
      tpu.enqueue_dma source(%arg10 : memref<512xf32, #tpu.memory_space<vmem>>) target(%dma_start3A_1069 : memref<512xf32, #tpu.memory_space<hbm>>) target_semaphore(%run_scoped3A : memref<!tpu.dma_semaphore, #tpu.memory_space<semaphore_mem>>)
      %dma_wait3A_1070 = tpu.memref_slice %arg6[%mul3A_2] : memref<16384xf32, #tpu.memory_space<hbm>> -> memref<512xf32, #tpu.memory_space<hbm>>
      %dma_wait3A_1071 = tpu.memref_slice %arg6[%mul3A_2] : memref<16384xf32, #tpu.memory_space<hbm>> -> memref<512xf32, #tpu.memory_space<hbm>>
      tpu.wait_dma2 semaphore(%run_scoped3A : memref<!tpu.dma_semaphore, #tpu.memory_space<semaphore_mem>>) src(%arg10 : memref<512xf32, #tpu.memory_space<vmem>>) dst(%dma_wait3A_1071 : memref<512xf32, #tpu.memory_space<hbm>>)
      tpu.yield
    }) : () -> ()
    return
  }
}

</mosaic_0001>

<sc_bundles>
// kernel: kernel.3.cloned.1.call-start
scs
__scs_entry_jumppad:
0x0: {  	(pc) =	sbr.rel $0x88, $3  }
0x1: {  	(tag) =	ssettag $0x0;
	lr =	simm.s32 $0x1  }
0x2: {  	[smem:$0x3F9D] =	sst lr;
	_ =	strace $0xD0000000  }
0x3: {  	_ = 	snop  }
0x4: {  	_ = 	snop  }
0x5: {  	_ = 	snop  }
0x6: {  	_ = 	snop  }
0x7: {  	_ = 	snop  }
__scs_overlays_trampoline_lowered:
0x8: {  	[smem:$0x3FAC] =	sst s0  }
0x9: {  	[smem:$0x3FAD] =	sst s1  }
0xa: {  	[smem:$0x3FAE] =	sst s2  }
0xb: {  	[smem:$0x3FAF] =	sst s3  }
0xc: {  	[smem:$0x3FB0] =	sst s4  }
0xd: {  	[smem:$0x3FB1] =	sst s5  }
0xe: {  	[smem:$0x3FB2] =	sst s6  }
0xf: {  	[smem:$0x3FB3] =	sst s7  }
0x10: {  	[smem:$0x3FB4] =	sst s8  }
0x11: {  	[smem:$0x3FB5] =	sst s9;
	s0 =	simm.s32 @!p0 $0x0  }
0x12: {  	s1 =	sld [smem:$0x3F9B];
	s0 =	simm.s32 @p0 $0x1  }
0x13: {  	[smem:$0x3FB6] =	sst s0;
	s0 =	simm.s32 @!p1 $0x0  }
0x14: {  	s2 =	sld [smem:$0x3F9A];
	s0 =	simm.s32 @p1 $0x1  }
0x15: {  	[smem:$0x3FB7] =	sst s0;
	s0 =	simm.s32 @!p2 $0x0  }
0x16: {  	s3 =	sld [smem:$0x3FDB];
	s0 =	simm.s32 @p2 $0x1  }
0x17: {  	s4 =	simm.s32 $0x1BF5;
	[smem:$0x3FB9] =	sst s0  }
0x18: {  	s0 =	sld [smem:$0x3F9C];
	_ =	swait.ge [sflag:s4], $0x0  }
0x19: {  	s7 =	sld [smem:$0x3F9D]  }
0x1a: {  	s8 =	sadd.s32 $0xFFFFE003, lr  }
0x1b: {  	s9 =	sadd.s32 $0xFFFFFEF7, lr;
	s5 =	simm.s32 $0xFFFFFFFF;
	p2 =	slt.u32 s8, $0xFFFFF086  }
0x1c: {  	p1 =	slt.u32 s9, $0xF7A;
	s5 =	simm.s32 @!p2 $0x0  }
0x1d: {  	s5 =	simm.s32 @p1 $0x1;
	p0 =	seq.s32 s7, s2  }
0x1e: {  	s7 =	smul.u32 @!p0 $0xF7A, s2;
	p2 =	seq.s32 @!p0 s5, $0x0  }
0x1f: {  	s9 =	smul.u32 $0xF7A, s1;
	s8 =	simm.s32 @!p0 $0x1BF5;
	p2 =	por !p2, p0  }
0x20: {  	[sflag:s8] =	ssyncset.s32 @!p0 $0xFFFFF086;
	s6 =	sadd.s32 @!p0 s3, s7;
	s7 =	simm.s32 @!p0 $0x108  }
0x21: {  	s3 =	sadd.s32 s3, s9;
	s6 =	sadd.s32 @!p0 $0x88, s6;
	s7 =	simm.s32 @p2 $0x1082  }
0x22: {  	[simem:s7], [sflag:s8] =	dma.local @!p0 [hbm:s6], $0xF7A  }
0x23: {  	s9 =	sor.u32 $0xD0000000, s2;
	s6 =	simm.s32 $0x108;
	_ =	swait.ge @!p0 [sflag:s8], $0x0  }
0x24: {  	s3 =	sadd.s32 $0x88, s3;
	s6 =	simm.s32 @!p1 $0x1082;
	[sflag:s4] =	ssyncset.s32 $0xFFFFF086  }
0x25: {  	[simem:s6], [sflag:s4] =	dma.local [hbm:s3], $0xF7A  }
0x26: {  	[smem:$0x3F9D] =	sst s1;
	(tag) =	ssettag s2;
	_ =	strace s9  }
0x27: {  	s1 =	sld [smem:$0x3FAD]  }
0x28: {  	s2 =	sld [smem:$0x3FAE]  }
0x29: {  	s4 =	sld [smem:$0x3FB0]  }
0x2a: {  	p0 =	seq.s32 s5, $0x0;
	s5 =	sld [smem:$0x3FB1]  }
0x2b: {  	s6 =	sld [smem:$0x3FB2]  }
0x2c: {  	s7 =	sld [smem:$0x3FB3]  }
0x2d: {  	s3 =	simm.s32 $0x108;
	s8 =	sld [smem:$0x3FB4]  }
0x2e: {  	s3 =	simm.s32 @!p0 $0x1082;
	s9 =	sld [smem:$0x3FB5]  }
0x2f: {  	lr =	sadd.s32 s0, s3;
	s0 =	sld [smem:$0x3FAC]  }
0x30: {  	s3 =	sld [smem:$0x3FAF]  }
0x31: {  	[smem:$0x3FB8] =	sst s10  }
0x32: {  	s10 =	sld [smem:$0x3FB6];
	_ =	sdelay $0x3  }
0x33: {  	p0 =	seq.s32 s10, $0x1;
	s10 =	sld [smem:$0x3FB8];
	_ =	sdelay $0x3  }
0x34: {  	[smem:$0x3FB8] =	sst s10  }
0x35: {  	s10 =	sld [smem:$0x3FB7];
	_ =	sdelay $0x3  }
0x36: {  	p1 =	seq.s32 s10, $0x1;
	s10 =	sld [smem:$0x3FB8];
	_ =	sdelay $0x3  }
0x37: {  	[smem:$0x3FB8] =	sst s10  }
0x38: {  	s10 =	sld [smem:$0x3FB9]  }
0x39: {  	_ = 	snop;
	(pc) =	sbr.ind lr, $3  }
0x3a: {  	_ = 	snop  }
0x3b: {  	_ = 	snop  }
0x3c: {  	p2 =	seq.s32 s10, $0x1;
	s10 =	sld [smem:$0x3FB8]  }
0x3d: {  	_ =	shalt  }
0x3e: {  	_ =	shalt  }
0x3f: {  	_ =	shalt  }
0x40: {  	_ =	shalt  }
0x41: {  	_ =	shalt  }
0x42: {  	_ =	shalt  }
0x43: {  	_ =	shalt  }
0x44: {  	_ =	shalt  }
0x45: {  	_ =	shalt  }
0x46: {  	_ =	shalt  }
0x47: {  	_ =	shalt  }
0x48: {  	_ =	shalt  }
0x49: {  	_ =	shalt  }
0x4a: {  	_ =	shalt  }
0x4b: {  	_ =	shalt  }
0x4c: {  	_ =	shalt  }
0x4d: {  	_ =	shalt  }
0x4e: {  	_ =	shalt  }
0x4f: {  	_ =	shalt  }
0x50: {  	_ =	shalt  }
0x51: {  	_ =	shalt  }
0x52: {  	_ =	shalt  }
0x53: {  	_ =	shalt  }
0x54: {  	_ =	shalt  }
0x55: {  	_ =	shalt  }
0x56: {  	_ =	shalt  }
0x57: {  	_ =	shalt  }
0x58: {  	_ =	shalt  }
0x59: {  	_ =	shalt  }
0x5a: {  	_ =	shalt  }
0x5b: {  	_ =	shalt  }
0x5c: {  	_ =	shalt  }
0x5d: {  	_ =	shalt  }
0x5e: {  	_ =	shalt  }
0x5f: {  	_ =	shalt  }
0x60: {  	_ =	shalt  }
0x61: {  	_ =	shalt  }
0x62: {  	_ =	shalt  }
0x63: {  	_ =	shalt  }
0x64: {  	_ =	shalt  }
0x65: {  	_ =	shalt  }
0x66: {  	_ =	shalt  }
0x67: {  	_ =	shalt  }
0x68: {  	_ =	shalt  }
0x69: {  	_ =	shalt  }
0x6a: {  	_ =	shalt  }
0x6b: {  	_ =	shalt  }
0x6c: {  	_ =	shalt  }
0x6d: {  	_ =	shalt  }
0x6e: {  	_ =	shalt  }
0x6f: {  	_ =	shalt  }
0x70: {  	_ =	shalt  }
0x71: {  	_ =	shalt  }
0x72: {  	_ =	shalt  }
0x73: {  	_ =	shalt  }
0x74: {  	_ =	shalt  }
0x75: {  	_ =	shalt  }
0x76: {  	_ =	shalt  }
0x77: {  	_ =	shalt  }
0x78: {  	_ =	shalt  }
0x79: {  	_ =	shalt  }
0x7a: {  	_ =	shalt  }
0x7b: {  	_ =	shalt  }
0x7c: {  	_ =	shalt  }
0x7d: {  	_ =	shalt  }
0x7e: {  	_ =	shalt  }
0x7f: {  	_ =	shalt  }
0x80: {  	_ =	shalt  }
0x81: {  	_ =	shalt  }
0x82: {  	_ =	shalt  }
0x83: {  	_ =	shalt  }
0x84: {  	_ =	shalt  }
0x85: {  	_ =	shalt  }
0x86: {  	_ =	shalt  }
0x87: {  	_ =	shalt  }
.Lfunc_end0:
.L_simem_size_0:
called_computation_lowered:
.L_overlay_start_0:
0x88: {  	s2 =	sld [smem:$0x3FD9]  }
0x89: {  	s3 =	sld [smem:$0x3FFE];
	_ =	sdelay $0x1  }
0x8a: {  	s1 =	srdreg.scid  }
0x8b: {  	s0 =	sand.u32 $0x1, s1  }
0x8c: {  	s17 =	sshll.u32 s0, $0xA;
	s2 =	sadd.s32 s3, s2  }
0x8d: {  	s2 =	sadd.s32 s2, s17  }
0x8e: {  	[smem:$0x3FC4] =	sst s2  }
0x8f: {  	_ = 	snop  }
0x90: {  	s2 =	sld [smem:$0x3FC9]  }
0x91: {  	s18 =	sld [smem:$0x3FC8]  }
0x92: {  	s4 =	sld [smem:$0x3FC7]  }
0x93: {  	s5 =	sld [smem:$0x3FD0];
	(tm) =	ssettm $0x1  }
0x94: {  	s6 =	sld [smem:$0x3FFB];
	_ =	sdelay $0x3  }
0x95: {  	_ =	strace s6  }
0x96: {  	s6 =	sld [smem:$0x3FFC];
	_ =	sdelay $0x3  }
0x97: {  	_ =	strace s6  }
0x98: {  	s6 =	sld [smem:$0x3FFD];
	_ =	sdelay $0x3  }
0x99: {  	_ =	strace s6  }
0x9a: {  	_ =	strace $0x8FFFFFFF  }
0x9b: {  	s19 =	sld [smem:$0x3FDB];
	_ =	sdelay $0x1  }
0x9c: {  	s7 =	simm.s32 $_scs_section_size  }
0x9d: {  	s8 =	simm.s32 $_size__tile_overlayer_lowered;
	s9 =	simm.s32 $_tile_overlayer_lowered  }
0x9e: {  	s22 =	simm.s32 $0x1BFF;
	s21 =	sshll.u32 s9, $0x1;
	s6 =	sadd.s32 s7, s19  }
0x9f: {  	s10 =	simm.s32 $0x0;
	s20 =	sshll.u32 s8, $0x1;
	s8 =	sadd.s32 s21, s6  }
0xa0: {  	[timem:s10], [sflag:s22] =	dma.local [hbm:s8], s20  }
0xa1: {  	_ =	swait.ge [sflag:s22], s20  }
0xa2: {  	s7 =	ssub.s32 $0x0, s20;
	[sflag:s22] =	ssyncset.done $0x0  }
0xa3: {  	[sflag:s22] =	ssyncadd.s32 s7;
	_ =	sdelay $0x1  }
0xa4: {  	s23 =	simm.s32 $0x1B8B  }
0xa5: {  	_ =	swait.ge [sflag:s23], $0x1  }
0xa6: {  	[sflag:s23] =	ssyncset.done $0x0  }
0xa7: {  	s25 =	simm.s32 $0x1B8E;
	s24 =	sld [smem:$0x3FFE];
	[sflag:s23] =	ssyncadd.s32 $0xFFFFFFFF  }
0xa8: {  	s26 =	simm.s32 $execute0_lowered;
	[smem:$0x3FD2] =	sst s25  }
0xa9: {  	s8 =	sshll.u32 s26, $0x1;
	_ =	strace $0x80000046;
	[dreg:$0x1] =	wrdreg $0xFFFFFFFF  }
0xaa: {  	s28 =	simm.s32 $_size_execute0_lowered;
	s6 =	sadd.s32 s6, s8;
	[dreg:$0x0] =	wrdreg $0x0  }
0xab: {  	s8 =	sshll.u32 s28, $0x1;
	[dreg:$0x2] =	wrdreg s6  }
0xac: {  	[dreg:$0x3] =	wrdreg s8  }
0xad: {  	[dreg:$0x4] =	wrdreg $0xC0  }
0xae: {  	_ =	task [dreg:s10], $0x5FFFF  }
0xaf: {  	[dreg:$0x1] =	wrdreg $0xFFFFFFFF  }
0xb0: {  	[dreg:$0x0] =	wrdreg $0x60  }
0xb1: {  	[dreg:$0x2] =	wrdreg s2  }
0xb2: {  	[dreg:$0x3] =	wrdreg s18  }
0xb3: {  	[dreg:$0x4] =	wrdreg s4  }
0xb4: {  	[dreg:$0x5] =	wrdreg s24  }
0xb5: {  	[dreg:$0x6] =	wrdreg s5  }
0xb6: {  	[dreg:$0x7] =	wrdreg $0x9E800  }
0xb7: {  	[dreg:$0x8] =	wrdreg $0x9  }
0xb8: {  	_ =	task.clear_ibuf [dreg:s10], $0x9FFFF;
	_ =	strace $0x90000046  }
0xb9: {  	s29 =	simm.s32 $0x9;
	_ =	strace $0x80000048  }
0xba: {  	_ =	swait.ge [sflag:s29], $0x1  }
0xbb: {  	[sflag:s29] =	ssyncadd.s32 $0xFFFFFFFF  }
0xbc: {  	_ =	strace $0x90000048  }
0xbd: {  	_ =	sfence  }
0xbe: {  	s30 =	sld [smem:$0x0];
	_ =	sdelay $0x2  }
0xbf: {  	s31 =	sshll.u32 s1, $0xD;
	s1 =	sshrl.u32 s1, $0x2  }
0xc0: {  	s3 =	sand.u32 $0x4000, s31;
	s1 =	sadd.s32 s1, s30  }
0xc1: {  	s0 =	sor.u32 s3, s0;
	s1 =	sshll.u32 s1, $0x11  }
0xc2: {  	s0 =	sor.u32 s1, s0  }
0xc3: {  	s0 =	sadd.s32 $0x8F2B, s0  }
0xc4: {  	[sflag:s0] =	ssyncadd.remote.s32 $0x1  }
0xc5: {  	_ =	sfence.sel $0xFFFF  }
0xc6: {  	[dreg:$0x0] =	wrdreg $0xFFFFFFFF;
	(pc) =	sbr.abs _section_cstart, $3  }
0xc7: {  	[dreg:$0x1] =	wrdreg $0xFFFFFFFF  }
0xc8: {  	_ =	task.clear_ibuf [dreg:s10], $0x2FFFF;
	_ =	strace $0x9FFFFFFF  }
0xc9: {  	(tm) =	ssettm $0x7FFFFFFF  }
tec
execute0_lowered:
.L_overlay_start_1:
0x0: {  	(tag) =	ssettag $0x1  }
0x1: {  	s0 =	rddreg [dreg:$0x0]  }
0x2: {  	s1 =	rddreg [dreg:$0x1]  }
0x3: {  	s2 =	rddreg [dreg:$0x2]  }
0x4: {  	s4 =	rddreg [dreg:$0x3]  }
0x5: {  	s5 =	rddreg [dreg:$0x4]  }
0x6: {  	s10 =	rddreg [dreg:$0x5];
	s3 =	srdreg.scid  }
0x7: {  	s12 =	stileid.u32;
	s6 =	sand.u32 $0x1, s3;
	s3 =	simm.s32 $0x0  }
0x8: {  	s9 =	smul.u32 $0xFE00, s12;
	s4 =	sadd.s32 $0x400, s4;
	s7 =	ssub.s32 $0x2, s6  }
0x9: {  	[smem:$0x7FF] =	sst s3;
	s6 =	sshll.u32 s6, $0x9;
	s8 =	sshrl.u32 s7, $0x1  }
0xa: {  	_ =	strace $0x80000047;
	[dreg:$0x7] =	wrdreg s4;
	s11 =	sshrl.u32 s9, $0x3  }
0xb: {  	s4 =	ssub.s32 s7, s8;
	s8 =	sshll.u32 s12, $0xA;
	s13 =	sadd.s32 s2, s11  }
0xc: {  	s2 =	sadd.s32 $0x1DC40, s2;
	s6 =	sor.u32 s6, s8;
	[dreg:$0x8] =	wrdreg s13  }
0xd: {  	[dreg:$0x9] =	wrdreg s2;
	s4 =	smax.u32 s4, $0x1;
	s7 =	sadd.s32 s0, s6  }
0xe: {  	[dreg:$0x18] =	wrdreg s4;
	s13 =	sadd.s32 $0x10, s7  }
0xf: {  	s16 =	sadd.s32 $0x20, s7;
	[dreg:$0xa] =	wrdreg s13  }
0x10: {  	s17 =	sadd.s32 $0x30, s7;
	[dreg:$0xb] =	wrdreg s16  }
0x11: {  	s18 =	sadd.s32 $0x40, s7;
	[dreg:$0xc] =	wrdreg s17  }
0x12: {  	s19 =	sadd.s32 $0x50, s7;
	[dreg:$0xd] =	wrdreg s18  }
0x13: {  	s14 =	sor.u32 $0x4000, s6;
	s20 =	sadd.s32 $0x60, s7;
	[dreg:$0xe] =	wrdreg s19  }
0x14: {  	s15 =	sor.u32 $0x8000, s6;
	s21 =	sadd.s32 s0, s14;
	[dreg:$0xf] =	wrdreg s20  }
0x15: {  	s11 =	sor.u32 $0xC000, s6;
	s22 =	sadd.s32 s0, s15;
	[dreg:$0x10] =	wrdreg s21  }
0x16: {  	s9 =	sadd.s32 s9, s10;
	s0 =	sadd.s32 s0, s11;
	[dreg:$0x11] =	wrdreg s22  }
0x17: {  	s23 =	sshrl.u32 s6, $0x3;
	s6 =	sadd.s32 $0x4020, s7;
	[dreg:$0x12] =	wrdreg s0  }
0x18: {  	s8 =	sadd.s32 $0xEE200, s10;
	s10 =	sadd.s32 $0x4050, s7;
	[dreg:$0x1c] =	wrdreg s6  }
0x19: {  	s26 =	sshrl.u32 s11, $0x3;
	s11 =	sadd.s32 $0x4060, s7;
	[dreg:$0x1f] =	wrdreg s10  }
0x1a: {  	p0 =	seq.s32 s12, $0xF;
	s12 =	sadd.s32 $0x4070, s7;
	[smem:$0x7EF] =	sst s11  }
0x1b: {  	s2 =	sshrl.u32 s14, $0x3;
	s14 =	sadd.s32 $0x8020, s7;
	[smem:$0x7F0] =	sst s12  }
0x1c: {  	s24 =	sshrl.u32 s15, $0x3;
	s15 =	sadd.s32 $0x8030, s7;
	[smem:$0x7F2] =	sst s14  }
0x1d: {  	s2 =	sadd.s32 s1, s2;
	[smem:$0x7F3] =	sst s15  }
0x1e: {  	s25 =	sadd.s32 s1, s24;
	[dreg:$0x13] =	wrdreg s2  }
0x1f: {  	s0 =	sadd.s32 s5, s23;
	[dreg:$0x14] =	wrdreg s25  }
0x20: {  	s5 =	sadd.s32 $0x4010, s7;
	[dreg:$0x16] =	wrdreg s0  }
0x21: {  	s20 =	sadd.s32 s1, s23;
	s13 =	sadd.s32 $0x8010, s7;
	[dreg:$0x1b] =	wrdreg s5  }
0x22: {  	s16 =	sadd.s32 $0x8040, s7;
	s17 =	sadd.s32 $0x8050, s7;
	[smem:$0x7F1] =	sst s13  }
0x23: {  	s18 =	sadd.s32 $0x8060, s7;
	s19 =	sadd.s32 $0x8070, s7;
	[smem:$0x7F4] =	sst s16  }
0x24: {  	s21 =	sadd.s32 $0xC010, s7;
	s6 =	simm.s32 $0x400;
	[smem:$0x7F5] =	sst s17  }
0x25: {  	s10 =	simm.s32 $0x1;
	s11 =	simm.s32 $0x3;
	[smem:$0x7F6] =	sst s18  }
0x26: {  	s12 =	simm.s32 $0x0;
	s2 =	sadd.s32 s1, s26;
	[smem:$0x7F7] =	sst s19  }
0x27: {  	s0 =	sshrl.u32 @p0 s8, $0x3;
	s8 =	sadd.s32 $0x4030, s7;
	[smem:$0x7F8] =	sst s21  }
0x28: {  	s22 =	sadd.s32 $0x2000, s20;
	s23 =	sadd.s32 $0x2800, s20;
	s24 =	sadd.s32 $0x3000, s20  }
0x29: {  	s25 =	sadd.s32 $0x3800, s20;
	s26 =	sadd.s32 $0x4000, s20;
	[dreg:$0x15] =	wrdreg s2  }
0x2a: {  	s17 =	sadd.s32 $0x4800, s20;
	s18 =	sadd.s32 $0x5000, s20;
	[dreg:$0x19] =	wrdreg s0  }
0x2b: {  	s19 =	sadd.s32 $0x5800, s20;
	s21 =	sadd.s32 $0x6000, s20;
	[dreg:$0x1d] =	wrdreg s8  }
0x2c: {  	s28 =	sadd.s32 $0x9000, s20;
	s29 =	sadd.s32 $0x9800, s20;
	[smem:$0x7F9] =	sst s22  }
0x2d: {  	s30 =	sadd.s32 $0xA000, s20;
	s31 =	sadd.s32 $0xA800, s20;
	[smem:$0x7FA] =	sst s23  }
0x2e: {  	s4 =	sadd.s32 $0xC000, s20;
	s1 =	sadd.s32 $0xC800, s20;
	[smem:$0x7FB] =	sst s24  }
0x2f: {  	s5 =	simm.s32 $0x80;
	s2 =	sadd.s32 $0x70, s7;
	[smem:$0x7FC] =	sst s25  }
0x30: {  	s0 =	sshrl.u32 @!p0 s9, $0x3;
	s9 =	sadd.s32 $0x4040, s7;
	[smem:$0x7FD] =	sst s26  }
0x31: {  	s22 =	sadd.s32 $0x6800, s20;
	s23 =	sadd.s32 $0x7000, s20;
	[dreg:$0x17] =	wrdreg s2  }
0x32: {  	s24 =	sadd.s32 $0x7800, s20;
	s25 =	sadd.s32 $0x8000, s20;
	[dreg:$0x1a] =	wrdreg s0  }
0x33: {  	s26 =	sadd.s32 $0x8800, s20;
	s8 =	simm.s32 $0x1A00;
	[dreg:$0x1e] =	wrdreg s9  }
0x34: {  	s0 =	sadd.s32 $0xB000, s20;
	s2 =	sadd.s32 $0xB800, s20;
	s9 =	simm.s32 $0x4  }
.LBB2_1:
0x35: {  	s14 =	rddreg [dreg:$0x9]  }
0x36: {  	s13 =	simm.s32 @p0 $0x1FC2;
	s15 =	rddreg [dreg:$0x19]  }
0x37: {  	[spmem:s15], [sflag:s13] =	dma.local @p0 [hbm:s14], $0x1F90  }
0x38: {  	s13 =	stileid.u32  }
0x39: {  	s13 =	sshll.u32 @!p0 s13, $0x6;
	s14 =	rddreg [dreg:$0x8]  }
0x3a: {  	s15 =	rddreg [dreg:$0x1a];
	s13 =	sor.u32 @!p0 $0x1C02, s13  }
0x3b: {  	[spmem:s15], [sflag:s13] =	dma.local @!p0 [hbm:s14], $0x1FC0  }
0x3c: {  	[tilespmem:s3], [sflag:$0x1] =	stream.strided.gather [hbm4b:s7+s5], $0x200, s6, s5, $0x38;
	[tilespmem:$0x19C68] =	vst v63  }
0x3d: {  	s13 =	rddreg [dreg:$0xa]  }
0x3e: {  	s16 =	simm.s32 $0x200;
	s14 =	rddreg [dreg:$0xb]  }
0x3f: {  	[tilespmem:s16], [sflag:$0x1] =	stream.strided.gather [hbm4b:s13+s5], $0x200, s6, s5, $0x38;
	[tilespmem:$0x19C68] =	vst v63  }
0x40: {  	s15 =	rddreg [dreg:$0xc]  }
0x41: {  	[tilespmem:s6], [sflag:$0x1] =	stream.strided.gather [hbm4b:s14+s5], $0x200, s6, s5, $0x38;
	[tilespmem:$0x19C68] =	vst v63  }
0x42: {  	s16 =	simm.s32 $0x600;
	s14 =	rddreg [dreg:$0x1f]  }
0x43: {  	[tilespmem:s16], [sflag:$0x1] =	stream.strided.gather [hbm4b:s15+s5], $0x200, s6, s5, $0x38;
	[tilespmem:$0x19C68] =	vst v63  }
0x44: {  	s15 =	rddreg [dreg:$0xd];
	s16 =	simm.s32 $0x800  }
0x45: {  	[tilespmem:s16], [sflag:$0x1] =	stream.strided.gather [hbm4b:s15+s5], $0x200, s6, s5, $0x38;
	[tilespmem:$0x19C68] =	vst v63  }
0x46: {  	s15 =	rddreg [dreg:$0xe];
	s16 =	simm.s32 $0xA00  }
0x47: {  	[tilespmem:s16], [sflag:$0x1] =	stream.strided.gather [hbm4b:s15+s5], $0x200, s6, s5, $0x38;
	[tilespmem:$0x19C68] =	vst v63  }
0x48: {  	s15 =	rddreg [dreg:$0xf];
	s16 =	simm.s32 $0xC00  }
0x49: {  	[tilespmem:s16], [sflag:$0x1] =	stream.strided.gather [hbm4b:s15+s5], $0x200, s6, s5, $0x38;
	[tilespmem:$0x19C68] =	vst v63  }
0x4a: {  	s15 =	rddreg [dreg:$0x17];
	s16 =	simm.s32 $0xE00  }
0x4b: {  	[tilespmem:s16], [sflag:$0x1] =	stream.strided.gather [hbm4b:s15+s5], $0x200, s6, s5, $0x38;
	[tilespmem:$0x19C68] =	vst v63  }
0x4c: {  	s15 =	rddreg [dreg:$0x10];
	s16 =	simm.s32 $0x1000  }
0x4d: {  	[tilespmem:s16], [sflag:$0x1] =	stream.strided.gather [hbm4b:s15+s5], $0x200, s6, s5, $0x38;
	[tilespmem:$0x19C68] =	vst v63  }
0x4e: {  	s15 =	rddreg [dreg:$0x1b];
	s16 =	simm.s32 $0x1200  }
0x4f: {  	[tilespmem:s16], [sflag:$0x1] =	stream.strided.gather [hbm4b:s15+s5], $0x200, s6, s5, $0x38;
	[tilespmem:$0x19C68] =	vst v63  }
0x50: {  	s15 =	rddreg [dreg:$0x1c];
	s16 =	simm.s32 $0x1400  }
0x51: {  	[tilespmem:s16], [sflag:$0x1] =	stream.strided.gather [hbm4b:s15+s5], $0x200, s6, s5, $0x38;
	[tilespmem:$0x19C68] =	vst v63  }
0x52: {  	s15 =	rddreg [dreg:$0x1d];
	s16 =	simm.s32 $0x1600  }
0x53: {  	[tilespmem:s16], [sflag:$0x1] =	stream.strided.gather [hbm4b:s15+s5], $0x200, s6, s5, $0x38;
	[tilespmem:$0x19C68] =	vst v63  }
0x54: {  	s15 =	rddreg [dreg:$0x1e];
	s16 =	simm.s32 $0x1800  }
0x55: {  	[tilespmem:s16], [sflag:$0x1] =	stream.strided.gather [hbm4b:s15+s5], $0x200, s6, s5, $0x38;
	[tilespmem:$0x19C68] =	vst v63  }
0x56: {  	s15 =	sld [smem:$0x7EF]  }
0x57: {  	[tilespmem:s8], [sflag:$0x1] =	stream.strided.gather [hbm4b:s14+s5], $0x200, s6, s5, $0x38;
	[tilespmem:$0x19C68] =	vst v63  }
0x58: {  	s16 =	simm.s32 $0x1C00  }
0x59: {  	[tilespmem:s16], [sflag:$0x1] =	stream.strided.gather [hbm4b:s15+s5], $0x200, s6, s5, $0x38;
	[tilespmem:$0x19C68] =	vst v63  }
0x5a: {  	s15 =	sld [smem:$0x7F0];
	_ =	sdelay $0x1  }
0x5b: {  	s16 =	simm.s32 $0x1E00  }
0x5c: {  	[tilespmem:s16], [sflag:$0x1] =	stream.strided.gather [hbm4b:s15+s5], $0x200, s6, s5, $0x38;
	[tilespmem:$0x19C68] =	vst v63  }
0x5d: {  	s15 =	rddreg [dreg:$0x11];
	s16 =	simm.s32 $0x2000  }
0x5e: {  	[tilespmem:s16], [sflag:$0x1] =	stream.strided.gather [hbm4b:s15+s5], $0x200, s6, s5, $0x38;
	[tilespmem:$0x19C68] =	vst v63  }
0x5f: {  	s15 =	sld [smem:$0x7F1];
	_ =	sdelay $0x1  }
0x60: {  	s16 =	simm.s32 $0x2200  }
0x61: {  	[tilespmem:s16], [sflag:$0x1] =	stream.strided.gather [hbm4b:s15+s5], $0x200, s6, s5, $0x38;
	[tilespmem:$0x19C68] =	vst v63  }
0x62: {  	s15 =	sld [smem:$0x7F2];
	_ =	sdelay $0x1  }
0x63: {  	s16 =	simm.s32 $0x2400  }
0x64: {  	[tilespmem:s16], [sflag:$0x1] =	stream.strided.gather [hbm4b:s15+s5], $0x200, s6, s5, $0x38;
	[tilespmem:$0x19C68] =	vst v63  }
0x65: {  	s15 =	sld [smem:$0x7F3];
	_ =	sdelay $0x1  }
0x66: {  	s16 =	simm.s32 $0x2600  }
0x67: {  	[tilespmem:s16], [sflag:$0x1] =	stream.strided.gather [hbm4b:s15+s5], $0x200, s6, s5, $0x38;
	[tilespmem:$0x19C68] =	vst v63  }
0x68: {  	s15 =	sld [smem:$0x7F4];
	_ =	sdelay $0x1  }
0x69: {  	s16 =	simm.s32 $0x2800  }
0x6a: {  	[tilespmem:s16], [sflag:$0x1] =	stream.strided.gather [hbm4b:s15+s5], $0x200, s6, s5, $0x38;
	[tilespmem:$0x19C68] =	vst v63  }
0x6b: {  	s15 =	sld [smem:$0x7F5];
	_ =	sdelay $0x1  }
0x6c: {  	s16 =	simm.s32 $0x2A00  }
0x6d: {  	[tilespmem:s16], [sflag:$0x1] =	stream.strided.gather [hbm4b:s15+s5], $0x200, s6, s5, $0x38;
	[tilespmem:$0x19C68] =	vst v63  }
0x6e: {  	s15 =	sld [smem:$0x7F6];
	_ =	sdelay $0x1  }
0x6f: {  	s16 =	simm.s32 $0x2C00  }
0x70: {  	[tilespmem:s16], [sflag:$0x1] =	stream.strided.gather [hbm4b:s15+s5], $0x200, s6, s5, $0x38;
	[tilespmem:$0x19C68] =	vst v63  }
0x71: {  	s15 =	sld [smem:$0x7F7];
	_ =	sdelay $0x1  }
0x72: {  	s16 =	simm.s32 $0x2E00  }
0x73: {  	[tilespmem:s16], [sflag:$0x1] =	stream.strided.gather [hbm4b:s15+s5], $0x200, s6, s5, $0x38;
	[tilespmem:$0x19C68] =	vst v63  }
0x74: {  	s15 =	rddreg [dreg:$0x12];
	s16 =	simm.s32 $0x3000  }
0x75: {  	[tilespmem:s16], [sflag:$0x1] =	stream.strided.gather [hbm4b:s15+s5], $0x200, s6, s5, $0x38;
	[tilespmem:$0x19C68] =	vst v63  }
0x76: {  	s15 =	sld [smem:$0x7F8];
	_ =	sdelay $0x1  }
0x77: {  	s16 =	simm.s32 $0x3200  }
0x78: {  	[tilespmem:s16], [sflag:$0x1] =	stream.strided.gather [hbm4b:s15+s5], $0x200, s6, s5, $0x38;
	[tilespmem:$0x19C68] =	vst v63  }
0x79: {  	s14 =	simm.s32 $0x3400  }
0x7a: {  	[tilespmem:s14], [sflag:$0x3] =	stream.linear.gather [hbm4b:s20+s3], $0x200, $0x38;
	[tilespmem:$0x19C68] =	vst v63  }
0x7b: {  	s15 =	rddreg [dreg:$0x13];
	s16 =	simm.s32 $0x3600  }
0x7c: {  	[tilespmem:s16], [sflag:$0x3] =	stream.linear.gather [hbm4b:s15+s3], $0x200, $0x38;
	[tilespmem:$0x19C68] =	vst v63  }
0x7d: {  	s15 =	rddreg [dreg:$0x14];
	s16 =	simm.s32 $0x3800  }
0x7e: {  	[tilespmem:s16], [sflag:$0x3] =	stream.linear.gather [hbm4b:s15+s3], $0x200, $0x38;
	[tilespmem:$0x19C68] =	vst v63  }
0x7f: {  	s15 =	rddreg [dreg:$0x15];
	s16 =	simm.s32 $0x3A00  }
0x80: {  	[tilespmem:s16], [sflag:$0x3] =	stream.linear.gather [hbm4b:s15+s3], $0x200, $0x38;
	[tilespmem:$0x19C68] =	vst v63  }
0x81: {  	s15 =	sld [smem:$0x7F9];
	_ =	sdelay $0x1  }
0x82: {  	s16 =	simm.s32 $0x3C00  }
0x83: {  	[tilespmem:s16], [sflag:$0x3] =	stream.linear.gather [hbm4b:s15+s3], $0x200, $0x38;
	[tilespmem:$0x19C68] =	vst v63  }
0x84: {  	s15 =	sld [smem:$0x7FA];
	_ =	sdelay $0x1  }
0x85: {  	s16 =	simm.s32 $0x3E00  }
0x86: {  	[tilespmem:s16], [sflag:$0x3] =	stream.linear.gather [hbm4b:s15+s3], $0x200, $0x38;
	[tilespmem:$0x19C68] =	vst v63  }
0x87: {  	s15 =	sld [smem:$0x7FB];
	_ =	sdelay $0x1  }
0x88: {  	s16 =	simm.s32 $0x4000  }
0x89: {  	[tilespmem:s16], [sflag:$0x3] =	stream.linear.gather [hbm4b:s15+s3], $0x200, $0x38;
	[tilespmem:$0x19C68] =	vst v63  }
0x8a: {  	s15 =	sld [smem:$0x7FC];
	_ =	sdelay $0x1  }
0x8b: {  	s14 =	sld [smem:$0x7FD];
	s16 =	simm.s32 $0x4200  }
0x8c: {  	[tilespmem:s16], [sflag:$0x3] =	stream.linear.gather [hbm4b:s15+s3], $0x200, $0x38;
	[tilespmem:$0x19C68] =	vst v63  }
0x8d: {  	s15 =	simm.s32 $0x4400  }
0x8e: {  	[tilespmem:s15], [sflag:$0x3] =	stream.linear.gather [hbm4b:s14+s3], $0x200, $0x38;
	[tilespmem:$0x19C68] =	vst v63  }
0x8f: {  	s16 =	simm.s32 $0x4600  }
0x90: {  	[tilespmem:s16], [sflag:$0x3] =	stream.linear.gather [hbm4b:s17+s3], $0x200, $0x38;
	[tilespmem:$0x19C68] =	vst v63  }
0x91: {  	s14 =	simm.s32 $0x4800  }
0x92: {  	[tilespmem:s14], [sflag:$0x3] =	stream.linear.gather [hbm4b:s18+s3], $0x200, $0x38;
	[tilespmem:$0x19C68] =	vst v63  }
0x93: {  	s15 =	simm.s32 $0x4A00  }
0x94: {  	[tilespmem:s15], [sflag:$0x3] =	stream.linear.gather [hbm4b:s19+s3], $0x200, $0x38;
	[tilespmem:$0x19C68] =	vst v63  }
0x95: {  	s16 =	simm.s32 $0x4C00  }
0x96: {  	[tilespmem:s16], [sflag:$0x3] =	stream.linear.gather [hbm4b:s21+s3], $0x200, $0x38;
	[tilespmem:$0x19C68] =	vst v63  }
0x97: {  	s14 =	simm.s32 $0x4E00  }
0x98: {  	[tilespmem:s14], [sflag:$0x3] =	stream.linear.gather [hbm4b:s22+s3], $0x200, $0x38;
	[tilespmem:$0x19C68] =	vst v63  }
0x99: {  	s15 =	simm.s32 $0x5000  }
0x9a: {  	[tilespmem:s15], [sflag:$0x3] =	stream.linear.gather [hbm4b:s23+s3], $0x200, $0x38;
	[tilespmem:$0x19C68] =	vst v63  }
0x9b: {  	s16 =	simm.s32 $0x5200  }
0x9c: {  	[tilespmem:s16], [sflag:$0x3] =	stream.linear.gather [hbm4b:s24+s3], $0x200, $0x38;
	[tilespmem:$0x19C68] =	vst v63  }
0x9d: {  	s14 =	simm.s32 $0x5400  }
0x9e: {  	[tilespmem:s14], [sflag:$0x3] =	stream.linear.gather [hbm4b:s25+s3], $0x200, $0x38;
	[tilespmem:$0x19C68] =	vst v63  }
0x9f: {  	s15 =	simm.s32 $0x5600  }
0xa0: {  	[tilespmem:s15], [sflag:$0x3] =	stream.linear.gather [hbm4b:s26+s3], $0x200, $0x38;
	[tilespmem:$0x19C68] =	vst v63  }
0xa1: {  	s16 =	simm.s32 $0x5800  }
0xa2: {  	[tilespmem:s16], [sflag:$0x3] =	stream.linear.gather [hbm4b:s28+s3], $0x200, $0x38;
	[tilespmem:$0x19C68] =	vst v63  }
0xa3: {  	s14 =	simm.s32 $0x5A00  }
0xa4: {  	[tilespmem:s14], [sflag:$0x3] =	stream.linear.gather [hbm4b:s29+s3], $0x200, $0x38;
	[tilespmem:$0x19C68] =	vst v63  }
0xa5: {  	s15 =	simm.s32 $0x5C00  }
0xa6: {  	[tilespmem:s15], [sflag:$0x3] =	stream.linear.gather [hbm4b:s30+s3], $0x200, $0x38;
	[tilespmem:$0x19C68] =	vst v63  }
0xa7: {  	s16 =	simm.s32 $0x5E00  }
0xa8: {  	[tilespmem:s16], [sflag:$0x3] =	stream.linear.gather [hbm4b:s31+s3], $0x200, $0x38;
	[tilespmem:$0x19C68] =	vst v63  }
0xa9: {  	s14 =	simm.s32 $0x6000  }
0xaa: {  	[tilespmem:s14], [sflag:$0x3] =	stream.linear.gather [hbm4b:s0+s3], $0x200, $0x38;
	[tilespmem:$0x19C68] =	vst v63  }
0xab: {  	s15 =	simm.s32 $0x6200  }
0xac: {  	[tilespmem:s15], [sflag:$0x3] =	stream.linear.gather [hbm4b:s2+s3], $0x200, $0x38;
	[tilespmem:$0x19C68] =	vst v63  }
0xad: {  	s16 =	simm.s32 $0x6400  }
0xae: {  	[tilespmem:s16], [sflag:$0x3] =	stream.linear.gather [hbm4b:s4+s3], $0x200, $0x38;
	[tilespmem:$0x19C68] =	vst v63  }
0xaf: {  	s14 =	simm.s32 $0x6600  }
0xb0: {  	[tilespmem:s14], [sflag:$0x3] =	stream.linear.gather [hbm4b:s1+s3], $0x200, $0x38;
	[tilespmem:$0x19C68] =	vst v63  }
0xb1: {  	s15 =	rddreg [dreg:$0x7];
	s16 =	simm.s32 $0x9E00  }
0xb2: {  	[tilespmem:s16], [sflag:$0x4] =	stream.linear.gather [hbm4b:s15+s3], $0x80, $0x38;
	[tilespmem:$0x19C68] =	vst v63  }
0xb3: {  	_ =	swait.ge [sflag:s9], $0x80  }
0xb4: {  	[sflag:s9] =	ssyncset.done $0x0  }
0xb5: {  	[sflag:s9] =	ssyncadd.s32 $0xFFFFFF80  }
0xb6: {  	_ =	swait.ge [sflag:s10], $0x200  }
0xb7: {  	[sflag:s10] =	ssyncset.done $0x0  }
0xb8: {  	[sflag:s10] =	ssyncadd.s32 $0xFFFFFE00  }
0xb9: {  	_ =	swait.ge [sflag:s10], $0x200  }
0xba: {  	[sflag:s10] =	ssyncset.done $0x0  }
0xbb: {  	[sflag:s10] =	ssyncadd.s32 $0xFFFFFE00  }
0xbc: {  	_ =	swait.ge [sflag:s10], $0x200  }
0xbd: {  	[sflag:s10] =	ssyncset.done $0x0  }
0xbe: {  	[sflag:s10] =	ssyncadd.s32 $0xFFFFFE00  }
0xbf: {  	_ =	swait.ge [sflag:s10], $0x200  }
0xc0: {  	[sflag:s10] =	ssyncset.done $0x0  }
0xc1: {  	[sflag:s10] =	ssyncadd.s32 $0xFFFFFE00  }
0xc2: {  	_ =	swait.ge [sflag:s10], $0x200  }
0xc3: {  	[sflag:s10] =	ssyncset.done $0x0  }
0xc4: {  	[sflag:s10] =	ssyncadd.s32 $0xFFFFFE00  }
0xc5: {  	_ =	swait.ge [sflag:s10], $0x200  }
0xc6: {  	[sflag:s10] =	ssyncset.done $0x0  }
0xc7: {  	[sflag:s10] =	ssyncadd.s32 $0xFFFFFE00  }
0xc8: {  	_ =	swait.ge [sflag:s10], $0x200  }
0xc9: {  	[sflag:s10] =	ssyncset.done $0x0  }
0xca: {  	[sflag:s10] =	ssyncadd.s32 $0xFFFFFE00  }
0xcb: {  	_ =	swait.ge [sflag:s10], $0x200  }
0xcc: {  	[sflag:s10] =	ssyncset.done $0x0  }
0xcd: {  	[sflag:s10] =	ssyncadd.s32 $0xFFFFFE00  }
0xce: {  	_ =	swait.ge [sflag:s10], $0x200  }
0xcf: {  	[sflag:s10] =	ssyncset.done $0x0  }
0xd0: {  	[sflag:s10] =	ssyncadd.s32 $0xFFFFFE00  }
0xd1: {  	_ =	swait.ge [sflag:s10], $0x200  }
0xd2: {  	[sflag:s10] =	ssyncset.done $0x0  }
0xd3: {  	[sflag:s10] =	ssyncadd.s32 $0xFFFFFE00  }
0xd4: {  	_ =	swait.ge [sflag:s10], $0x200  }
0xd5: {  	[sflag:s10] =	ssyncset.done $0x0  }
0xd6: {  	[sflag:s10] =	ssyncadd.s32 $0xFFFFFE00  }
0xd7: {  	_ =	swait.ge [sflag:s10], $0x200  }
0xd8: {  	[sflag:s10] =	ssyncset.done $0x0  }
0xd9: {  	[sflag:s10] =	ssyncadd.s32 $0xFFFFFE00  }
0xda: {  	_ =	swait.ge [sflag:s10], $0x200  }
0xdb: {  	[sflag:s10] =	ssyncset.done $0x0  }
0xdc: {  	[sflag:s10] =	ssyncadd.s32 $0xFFFFFE00  }
0xdd: {  	_ =	swait.ge [sflag:s10], $0x200  }
0xde: {  	[sflag:s10] =	ssyncset.done $0x0  }
0xdf: {  	[sflag:s10] =	ssyncadd.s32 $0xFFFFFE00  }
0xe0: {  	_ =	swait.ge [sflag:s10], $0x200  }
0xe1: {  	[sflag:s10] =	ssyncset.done $0x0  }
0xe2: {  	[sflag:s10] =	ssyncadd.s32 $0xFFFFFE00  }
0xe3: {  	_ =	swait.ge [sflag:s10], $0x200  }
0xe4: {  	[sflag:s10] =	ssyncset.done $0x0  }
0xe5: {  	[sflag:s10] =	ssyncadd.s32 $0xFFFFFE00  }
0xe6: {  	_ =	swait.ge [sflag:s10], $0x200  }
0xe7: {  	[sflag:s10] =	ssyncset.done $0x0  }
0xe8: {  	[sflag:s10] =	ssyncadd.s32 $0xFFFFFE00  }
0xe9: {  	_ =	swait.ge [sflag:s10], $0x200  }
0xea: {  	[sflag:s10] =	ssyncset.done $0x0  }
0xeb: {  	[sflag:s10] =	ssyncadd.s32 $0xFFFFFE00  }
0xec: {  	_ =	swait.ge [sflag:s10], $0x200  }
0xed: {  	[sflag:s10] =	ssyncset.done $0x0  }
0xee: {  	[sflag:s10] =	ssyncadd.s32 $0xFFFFFE00  }
0xef: {  	_ =	swait.ge [sflag:s10], $0x200  }
0xf0: {  	[sflag:s10] =	ssyncset.done $0x0  }
0xf1: {  	[sflag:s10] =	ssyncadd.s32 $0xFFFFFE00  }
0xf2: {  	_ =	swait.ge [sflag:s10], $0x200  }
0xf3: {  	[sflag:s10] =	ssyncset.done $0x0  }
0xf4: {  	[sflag:s10] =	ssyncadd.s32 $0xFFFFFE00  }
0xf5: {  	_ =	swait.ge [sflag:s10], $0x200  }
0xf6: {  	[sflag:s10] =	ssyncset.done $0x0  }
0xf7: {  	[sflag:s10] =	ssyncadd.s32 $0xFFFFFE00  }
0xf8: {  	_ =	swait.ge [sflag:s10], $0x200  }
0xf9: {  	[sflag:s10] =	ssyncset.done $0x0  }
0xfa: {  	[sflag:s10] =	ssyncadd.s32 $0xFFFFFE00  }
0xfb: {  	_ =	swait.ge [sflag:s10], $0x200  }
0xfc: {  	[sflag:s10] =	ssyncset.done $0x0  }
0xfd: {  	[sflag:s10] =	ssyncadd.s32 $0xFFFFFE00  }
0xfe: {  	_ =	swait.ge [sflag:s10], $0x200  }
0xff: {  	[sflag:s10] =	ssyncset.done $0x0  }
0x100: {  	[sflag:s10] =	ssyncadd.s32 $0xFFFFFE00  }
0x101: {  	_ =	swait.ge [sflag:s10], $0x200  }
0x102: {  	[sflag:s10] =	ssyncset.done $0x0  }
0x103: {  	s13 =	simm.s32 @p0 $0x2;
	[sflag:s10] =	ssyncadd.s32 $0xFFFFFE00  }
0x104: {  	_ =	swait.ge @p0 [sflag:s13], $0x1F90  }
0x105: {  	[sflag:s13] =	ssyncset.done @p0 $0x0  }
0x106: {  	[sflag:s13] =	ssyncadd.s32 @p0 $0xFFFFE070;
	s13 =	simm.s32 @!p0 $0x2  }
0x107: {  	_ =	swait.ge @!p0 [sflag:s13], $0x1FC0  }
0x108: {  	[sflag:s13] =	ssyncset.done @!p0 $0x0  }
0x109: {  	[sflag:s13] =	ssyncadd.s32 @!p0 $0xFFFFE040;
	s13 =	simm.s32 $0x3F0  }
0x10a: {  	v0 =	vld [tilespmem:s13+$0xFFFFFE10]  }
0x10b: {  	v1 =	vld [tilespmem:s13+$0xFFFFFE20]  }
0x10c: {  	v2 =	vld [tilespmem:s13+$0xFFFFFE30]  }
0x10d: {  	v3 =	vld [tilespmem:s13+$0xFFFFFE40]  }
0x10e: {  	s14 =	simm.s32 $0x9C40;
	v4 =	vld [tilespmem:s13+$0xFFFFFE50]  }
0x10f: {  	v5 =	vld [tilespmem:s13+$0xFFFFFE60];
	v0 =	vadd.s32 s14, v0  }
0x110: {  	[tilespmem:s13+$0xFFFFFE10] =	vst v0;
	v0 =	vadd.s32 s14, v1;
	v1 =	vld [tilespmem:s13+$0xFFFFFE70]  }
0x111: {  	[tilespmem:s13+$0xFFFFFE20] =	vst v0;
	v0 =	vadd.s32 s14, v2;
	v2 =	vld [tilespmem:s13+$0xFFFFFE80]  }
0x112: {  	[tilespmem:s13+$0xFFFFFE30] =	vst v0;
	v0 =	vadd.s32 s14, v3;
	v3 =	vld [tilespmem:s13+$0xFFFFFE90]  }
0x113: {  	[tilespmem:s13+$0xFFFFFE40] =	vst v0;
	v0 =	vadd.s32 s14, v4;
	v4 =	vld [tilespmem:s13+$0xFFFFFEA0]  }
0x114: {  	[tilespmem:s13+$0xFFFFFE50] =	vst v0;
	v0 =	vadd.s32 s14, v5;
	v5 =	vld [tilespmem:s13+$0xFFFFFEB0]  }
0x115: {  	[tilespmem:s13+$0xFFFFFE60] =	vst v0;
	v0 =	vadd.s32 s14, v1;
	v1 =	vld [tilespmem:s13+$0xFFFFFEC0]  }
0x116: {  	[tilespmem:s13+$0xFFFFFE70] =	vst v0;
	v0 =	vadd.s32 s14, v2;
	v2 =	vld [tilespmem:s13+$0xFFFFFED0]  }
0x117: {  	[tilespmem:s13+$0xFFFFFE80] =	vst v0;
	v0 =	vadd.s32 s14, v3;
	v3 =	vld [tilespmem:s13+$0xFFFFFEE0]  }
0x118: {  	[tilespmem:s13+$0xFFFFFE90] =	vst v0;
	v0 =	vadd.s32 s14, v4;
	v4 =	vld [tilespmem:s13+$0xFFFFFEF0]  }
0x119: {  	[tilespmem:s13+$0xFFFFFEA0] =	vst v0;
	v0 =	vadd.s32 s14, v5;
	v5 =	vld [tilespmem:s13+$0xFFFFFF00]  }
0x11a: {  	[tilespmem:s13+$0xFFFFFEB0] =	vst v0;
	v0 =	vadd.s32 s14, v1;
	v1 =	vld [tilespmem:s13+$0xFFFFFF10]  }
0x11b: {  	[tilespmem:s13+$0xFFFFFEC0] =	vst v0;
	v0 =	vadd.s32 s14, v2;
	v2 =	vld [tilespmem:s13+$0xFFFFFF20]  }
0x11c: {  	[tilespmem:s13+$0xFFFFFED0] =	vst v0;
	v0 =	vadd.s32 s14, v3;
	v3 =	vld [tilespmem:s13+$0xFFFFFF30]  }
0x11d: {  	[tilespmem:s13+$0xFFFFFEE0] =	vst v0;
	v0 =	vadd.s32 s14, v4;
	v4 =	vld [tilespmem:s13+$0xFFFFFF40]  }
0x11e: {  	[tilespmem:s13+$0xFFFFFEF0] =	vst v0;
	v0 =	vadd.s32 s14, v5;
	v5 =	vld [tilespmem:s13+$0xFFFFFF50]  }
0x11f: {  	[tilespmem:s13+$0xFFFFFF00] =	vst v0;
	v0 =	vadd.s32 s14, v1;
	v1 =	vld [tilespmem:s13+$0xFFFFFF60]  }
0x120: {  	v6 =	vld [tilespmem:s13+$0xFFFFFF70];
	[tilespmem:s13+$0xFFFFFF10] =	vst v0;
	v0 =	vadd.s32 s14, v2  }
0x121: {  	[tilespmem:s13+$0xFFFFFF20] =	vst v0;
	v0 =	vadd.s32 s14, v3;
	v3 =	vld [tilespmem:s13+$0xFFFFFF80]  }
0x122: {  	[tilespmem:s13+$0xFFFFFF30] =	vst v0;
	v0 =	vadd.s32 s14, v4;
	v4 =	vld [tilespmem:s13+$0xFFFFFF90]  }
0x123: {  	[tilespmem:s13+$0xFFFFFF40] =	vst v0;
	v0 =	vadd.s32 s14, v5;
	v5 =	vld [tilespmem:s13+$0xFFFFFFA0]  }
0x124: {  	v2 =	vld [tilespmem:s13+$0xFFFFFFB0];
	[tilespmem:s13+$0xFFFFFF50] =	vst v0;
	v0 =	vadd.s32 s14, v1  }
0x125: {  	v1 =	vadd.s32 s14, v6;
	[tilespmem:s13+$0xFFFFFF60] =	vst v0;
	v0 =	vld [tilespmem:s13+$0xFFFFFFC0]  }
0x126: {  	[tilespmem:s13+$0xFFFFFF70] =	vst v1;
	v1 =	vld [tilespmem:s13+$0xFFFFFFD0];
	v3 =	vadd.s32 s14, v3  }
0x127: {  	[tilespmem:s13+$0xFFFFFF80] =	vst v3;
	v4 =	vadd.s32 s14, v4;
	v3 =	vld [tilespmem:s13+$0xFFFFFFE0]  }
0x128: {  	s15 =	simm.s32 $0x13880;
	s16 =	simm.s32 $0x3F0;
	[tilespmem:s13+$0xFFFFFF90] =	vst v4;
	v5 =	vadd.s32 s14, v5;
	v4 =	vld [tilespmem:s13+$0x0]  }
.LBB2_2:
0x129: {  	p1 =	sne.s32 s15, $0x75300;
	[tilespmem:s13+$0xFFFFFFA0] =	vst v5;
	v2 =	vadd.s32 s14, v2;
	v5 =	vld [tilespmem:s13+$0xFFFFFFF0];
	s16 =	sadd.s32 $0x200, s16  }
0x12a: {  	v6 =	vld [tilespmem:s16+$0xFFFFFE10];
	[tilespmem:s13+$0xFFFFFFB0] =	vst v2;
	v0 =	vadd.s32 s14, v0  }
0x12b: {  	v2 =	vld [tilespmem:s16+$0xFFFFFE20];
	[tilespmem:s13+$0xFFFFFFC0] =	vst v0;
	v0 =	vadd.s32 s14, v1  }
0x12c: {  	v1 =	vld [tilespmem:s16+$0xFFFFFE30];
	[tilespmem:s13+$0xFFFFFFD0] =	vst v0;
	v0 =	vadd.s32 s14, v3  }
0x12d: {  	v3 =	vld [tilespmem:s16+$0xFFFFFE40];
	[tilespmem:s13+$0xFFFFFFE0] =	vst v0;
	v0 =	vadd.s32 s14, v4  }
0x12e: {  	v4 =	vld [tilespmem:s16+$0xFFFFFE50];
	v5 =	vadd.s32 s14, v5;
	[tilespmem:s13+$0x0] =	vst v0;
	s14 =	smov.u32 s15  }
0x12f: {  	v0 =	vadd.s32 s15, v6;
	v6 =	vld [tilespmem:s16+$0xFFFFFE60];
	[tilespmem:s13+$0xFFFFFFF0] =	vst v5;
	s13 =	smov.u32 s16  }
0x130: {  	[tilespmem:s16+$0xFFFFFE10] =	vst v0;
	v0 =	vadd.s32 s15, v2;
	v2 =	vld [tilespmem:s16+$0xFFFFFE70]  }
0x131: {  	[tilespmem:s16+$0xFFFFFE20] =	vst v0;
	v0 =	vadd.s32 s15, v1;
	v1 =	vld [tilespmem:s16+$0xFFFFFE80]  }
0x132: {  	[tilespmem:s16+$0xFFFFFE30] =	vst v0;
	v0 =	vadd.s32 s15, v3;
	v3 =	vld [tilespmem:s16+$0xFFFFFE90]  }
0x133: {  	[tilespmem:s16+$0xFFFFFE40] =	vst v0;
	v0 =	vadd.s32 s15, v4;
	v4 =	vld [tilespmem:s16+$0xFFFFFEA0]  }
0x134: {  	[tilespmem:s16+$0xFFFFFE50] =	vst v0;
	v0 =	vadd.s32 s15, v6;
	v5 =	vld [tilespmem:s16+$0xFFFFFEB0]  }
0x135: {  	[tilespmem:s16+$0xFFFFFE60] =	vst v0;
	v0 =	vadd.s32 s15, v2;
	v2 =	vld [tilespmem:s16+$0xFFFFFEC0]  }
0x136: {  	[tilespmem:s16+$0xFFFFFE70] =	vst v0;
	v0 =	vadd.s32 s15, v1;
	v1 =	vld [tilespmem:s16+$0xFFFFFED0]  }
0x137: {  	[tilespmem:s16+$0xFFFFFE80] =	vst v0;
	v0 =	vadd.s32 s15, v3;
	v3 =	vld [tilespmem:s16+$0xFFFFFEE0]  }
0x138: {  	[tilespmem:s16+$0xFFFFFE90] =	vst v0;
	v0 =	vadd.s32 s15, v4;
	v4 =	vld [tilespmem:s16+$0xFFFFFEF0]  }
0x139: {  	[tilespmem:s16+$0xFFFFFEA0] =	vst v0;
	v0 =	vadd.s32 s15, v5;
	v5 =	vld [tilespmem:s16+$0xFFFFFF00]  }
0x13a: {  	[tilespmem:s16+$0xFFFFFEB0] =	vst v0;
	v0 =	vadd.s32 s15, v2;
	v2 =	vld [tilespmem:s16+$0xFFFFFF10]  }
0x13b: {  	[tilespmem:s16+$0xFFFFFEC0] =	vst v0;
	v0 =	vadd.s32 s15, v1;
	v1 =	vld [tilespmem:s16+$0xFFFFFF20]  }
0x13c: {  	[tilespmem:s16+$0xFFFFFED0] =	vst v0;
	v0 =	vadd.s32 s15, v3;
	v3 =	vld [tilespmem:s16+$0xFFFFFF30]  }
0x13d: {  	[tilespmem:s16+$0xFFFFFEE0] =	vst v0;
	v0 =	vadd.s32 s15, v4;
	v4 =	vld [tilespmem:s16+$0xFFFFFF40]  }
0x13e: {  	[tilespmem:s16+$0xFFFFFEF0] =	vst v0;
	v0 =	vadd.s32 s15, v5;
	v5 =	vld [tilespmem:s16+$0xFFFFFF50]  }
0x13f: {  	[tilespmem:s16+$0xFFFFFF00] =	vst v0;
	v0 =	vadd.s32 s15, v2;
	v2 =	vld [tilespmem:s16+$0xFFFFFF60]  }
0x140: {  	[tilespmem:s16+$0xFFFFFF10] =	vst v0;
	v0 =	vadd.s32 s15, v1;
	v1 =	vld [tilespmem:s16+$0xFFFFFF70]  }
0x141: {  	[tilespmem:s16+$0xFFFFFF20] =	vst v0;
	v0 =	vadd.s32 s15, v3;
	v3 =	vld [tilespmem:s16+$0xFFFFFF80]  }
0x142: {  	[tilespmem:s16+$0xFFFFFF30] =	vst v0;
	v0 =	vadd.s32 s15, v4;
	v4 =	vld [tilespmem:s16+$0xFFFFFF90]  }
0x143: {  	[tilespmem:s16+$0xFFFFFF40] =	vst v0;
	v0 =	vadd.s32 s15, v5;
	v5 =	vld [tilespmem:s16+$0xFFFFFFA0]  }
.Ltmp0:
0x144: {  	[tilespmem:s16+$0xFFFFFF50] =	vst v0;
	v0 =	vadd.s32 s15, v2;
	v2 =	vld [tilespmem:s16+$0xFFFFFFB0];
	(pc) =	sbr.rel @p1 .LBB2_2-.Ltmp0, $4  }
0x145: {  	[tilespmem:s16+$0xFFFFFF60] =	vst v0;
	v1 =	vadd.s32 s15, v1;
	v0 =	vld [tilespmem:s16+$0xFFFFFFC0]  }
0x146: {  	[tilespmem:s16+$0xFFFFFF70] =	vst v1;
	v3 =	vadd.s32 s15, v3;
	v1 =	vld [tilespmem:s16+$0xFFFFFFD0]  }
0x147: {  	[tilespmem:s16+$0xFFFFFF80] =	vst v3;
	v4 =	vadd.s32 s15, v4;
	v3 =	vld [tilespmem:s16+$0xFFFFFFE0]  }
0x148: {  	s15 =	sadd.s32 $0x9C40, s15;
	[tilespmem:s16+$0xFFFFFF90] =	vst v4;
	v5 =	vadd.s32 s14, v5;
	v4 =	vld [tilespmem:s16+$0x0]  }
0x149: {  	[tilespmem:s13+$0xFFFFFFA0] =	vst v5;
	v2 =	vadd.s32 s14, v2;
	v5 =	vld [tilespmem:s13+$0xFFFFFFF0]  }
0x14a: {  	[tilespmem:s13+$0xFFFFFFB0] =	vst v2;
	v0 =	vadd.s32 s14, v0  }
0x14b: {  	[tilespmem:s13+$0xFFFFFFC0] =	vst v0;
	v0 =	vadd.s32 s14, v1  }
0x14c: {  	[tilespmem:s13+$0xFFFFFFD0] =	vst v0;
	v0 =	vadd.s32 s14, v3  }
0x14d: {  	[tilespmem:s13+$0xFFFFFFE0] =	vst v0;
	v0 =	vadd.s32 s14, v4  }
0x14e: {  	v1 =	vadd.s32 s14, v5;
	[tilespmem:s13+$0x0] =	vst v0  }
0x14f: {  	[tilespmem:s13+$0xFFFFFFF0] =	vst v1  }
0x150: {  	[bflag:$0x0] =	sbarrier.arrive $0xFFFF  }
0x151: {  	s16 =	simm.s32 $0x6800;
	s13 =	simm.s32 $0x1BF0;
	s15 =	rddreg [dreg:$0x5]  }
0x152: {  	[tilespmem:s16], [sflag:$0x1] =	stream.indirect.gather [spmem:s15], $0x1, s3, s8, $0xb8;
	[tilespmem:$0x19C68] =	vst v63  }
0x153: {  	v0 =	vld [tilespmem:s13+$0xFFFFFE10]  }
0x154: {  	v1 =	vld [tilespmem:s13+$0xFFFFFE20]  }
0x155: {  	v2 =	vld [tilespmem:s13+$0xFFFFFE30]  }
0x156: {  	v3 =	vld [tilespmem:s13+$0xFFFFFE40]  }
0x157: {  	s14 =	simm.s32 $0x7EF40;
	v4 =	vld [tilespmem:s13+$0xFFFFFE50]  }
0x158: {  	v5 =	vld [tilespmem:s13+$0xFFFFFE60];
	v0 =	vadd.s32 s14, v0  }
0x159: {  	[tilespmem:s13+$0xFFFFFE10] =	vst v0;
	v0 =	vadd.s32 s14, v1;
	v1 =	vld [tilespmem:s13+$0xFFFFFE70]  }
0x15a: {  	[tilespmem:s13+$0xFFFFFE20] =	vst v0;
	v0 =	vadd.s32 s14, v2;
	v2 =	vld [tilespmem:s13+$0xFFFFFE80]  }
0x15b: {  	[tilespmem:s13+$0xFFFFFE30] =	vst v0;
	v0 =	vadd.s32 s14, v3;
	v3 =	vld [tilespmem:s13+$0xFFFFFE90]  }
0x15c: {  	[tilespmem:s13+$0xFFFFFE40] =	vst v0;
	v0 =	vadd.s32 s14, v4;
	v4 =	vld [tilespmem:s13+$0xFFFFFEA0]  }
0x15d: {  	[tilespmem:s13+$0xFFFFFE50] =	vst v0;
	v0 =	vadd.s32 s14, v5;
	v5 =	vld [tilespmem:s13+$0xFFFFFEB0]  }
0x15e: {  	[tilespmem:s13+$0xFFFFFE60] =	vst v0;
	v0 =	vadd.s32 s14, v1;
	v1 =	vld [tilespmem:s13+$0xFFFFFEC0]  }
0x15f: {  	[tilespmem:s13+$0xFFFFFE70] =	vst v0;
	v0 =	vadd.s32 s14, v2;
	v2 =	vld [tilespmem:s13+$0xFFFFFED0]  }
0x160: {  	[tilespmem:s13+$0xFFFFFE80] =	vst v0;
	v0 =	vadd.s32 s14, v3;
	v3 =	vld [tilespmem:s13+$0xFFFFFEE0]  }
0x161: {  	[tilespmem:s13+$0xFFFFFE90] =	vst v0;
	v0 =	vadd.s32 s14, v4;
	v4 =	vld [tilespmem:s13+$0xFFFFFEF0]  }
0x162: {  	[tilespmem:s13+$0xFFFFFEA0] =	vst v0;
	v0 =	vadd.s32 s14, v5;
	v5 =	vld [tilespmem:s13+$0xFFFFFF00]  }
0x163: {  	[tilespmem:s13+$0xFFFFFEB0] =	vst v0;
	v0 =	vadd.s32 s14, v1;
	v1 =	vld [tilespmem:s13+$0xFFFFFF10]  }
0x164: {  	[tilespmem:s13+$0xFFFFFEC0] =	vst v0;
	v0 =	vadd.s32 s14, v2;
	v2 =	vld [tilespmem:s13+$0xFFFFFF20]  }
0x165: {  	[tilespmem:s13+$0xFFFFFED0] =	vst v0;
	v0 =	vadd.s32 s14, v3;
	v3 =	vld [tilespmem:s13+$0xFFFFFF30]  }
0x166: {  	[tilespmem:s13+$0xFFFFFEE0] =	vst v0;
	v0 =	vadd.s32 s14, v4;
	v4 =	vld [tilespmem:s13+$0xFFFFFF40]  }
0x167: {  	[tilespmem:s13+$0xFFFFFEF0] =	vst v0;
	v0 =	vadd.s32 s14, v5;
	v5 =	vld [tilespmem:s13+$0xFFFFFF50]  }
0x168: {  	[tilespmem:s13+$0xFFFFFF00] =	vst v0;
	v0 =	vadd.s32 s14, v1;
	v1 =	vld [tilespmem:s13+$0xFFFFFF60]  }
0x169: {  	v6 =	vld [tilespmem:s13+$0xFFFFFF70];
	[tilespmem:s13+$0xFFFFFF10] =	vst v0;
	v0 =	vadd.s32 s14, v2  }
0x16a: {  	[tilespmem:s13+$0xFFFFFF20] =	vst v0;
	v0 =	vadd.s32 s14, v3;
	v3 =	vld [tilespmem:s13+$0xFFFFFF80]  }
0x16b: {  	[tilespmem:s13+$0xFFFFFF30] =	vst v0;
	v0 =	vadd.s32 s14, v4;
	v4 =	vld [tilespmem:s13+$0xFFFFFF90]  }
0x16c: {  	[tilespmem:s13+$0xFFFFFF40] =	vst v0;
	v0 =	vadd.s32 s14, v5;
	v5 =	vld [tilespmem:s13+$0xFFFFFFA0]  }
0x16d: {  	v2 =	vld [tilespmem:s13+$0xFFFFFFB0];
	[tilespmem:s13+$0xFFFFFF50] =	vst v0;
	v0 =	vadd.s32 s14, v1  }
0x16e: {  	v1 =	vadd.s32 s14, v6;
	[tilespmem:s13+$0xFFFFFF60] =	vst v0;
	v0 =	vld [tilespmem:s13+$0xFFFFFFC0]  }
0x16f: {  	[tilespmem:s13+$0xFFFFFF70] =	vst v1;
	v1 =	vld [tilespmem:s13+$0xFFFFFFD0];
	v3 =	vadd.s32 s14, v3  }
0x170: {  	[tilespmem:s13+$0xFFFFFF80] =	vst v3;
	v4 =	vadd.s32 s14, v4;
	v3 =	vld [tilespmem:s13+$0xFFFFFFE0]  }
0x171: {  	s15 =	simm.s32 $0x88B80;
	s16 =	simm.s32 $0x1BF0;
	[tilespmem:s13+$0xFFFFFF90] =	vst v4;
	v5 =	vadd.s32 s14, v5;
	v4 =	vld [tilespmem:s13+$0x0]  }
.LBB2_4:
0x172: {  	p1 =	sne.s32 s15, $0xF4240;
	[tilespmem:s13+$0xFFFFFFA0] =	vst v5;
	v2 =	vadd.s32 s14, v2;
	v5 =	vld [tilespmem:s13+$0xFFFFFFF0];
	s16 =	sadd.s32 $0x200, s16  }
0x173: {  	v6 =	vld [tilespmem:s16+$0xFFFFFE10];
	[tilespmem:s13+$0xFFFFFFB0] =	vst v2;
	v0 =	vadd.s32 s14, v0  }
0x174: {  	v2 =	vld [tilespmem:s16+$0xFFFFFE20];
	[tilespmem:s13+$0xFFFFFFC0] =	vst v0;
	v0 =	vadd.s32 s14, v1  }
0x175: {  	v1 =	vld [tilespmem:s16+$0xFFFFFE30];
	[tilespmem:s13+$0xFFFFFFD0] =	vst v0;
	v0 =	vadd.s32 s14, v3  }
0x176: {  	v3 =	vld [tilespmem:s16+$0xFFFFFE40];
	[tilespmem:s13+$0xFFFFFFE0] =	vst v0;
	v0 =	vadd.s32 s14, v4  }
0x177: {  	v4 =	vld [tilespmem:s16+$0xFFFFFE50];
	v5 =	vadd.s32 s14, v5;
	[tilespmem:s13+$0x0] =	vst v0;
	s14 =	smov.u32 s15  }
0x178: {  	v0 =	vadd.s32 s15, v6;
	v6 =	vld [tilespmem:s16+$0xFFFFFE60];
	[tilespmem:s13+$0xFFFFFFF0] =	vst v5;
	s13 =	smov.u32 s16  }
0x179: {  	[tilespmem:s16+$0xFFFFFE10] =	vst v0;
	v0 =	vadd.s32 s15, v2;
	v2 =	vld [tilespmem:s16+$0xFFFFFE70]  }
0x17a: {  	[tilespmem:s16+$0xFFFFFE20] =	vst v0;
	v0 =	vadd.s32 s15, v1;
	v1 =	vld [tilespmem:s16+$0xFFFFFE80]  }
0x17b: {  	[tilespmem:s16+$0xFFFFFE30] =	vst v0;
	v0 =	vadd.s32 s15, v3;
	v3 =	vld [tilespmem:s16+$0xFFFFFE90]  }
0x17c: {  	[tilespmem:s16+$0xFFFFFE40] =	vst v0;
	v0 =	vadd.s32 s15, v4;
	v4 =	vld [tilespmem:s16+$0xFFFFFEA0]  }
0x17d: {  	[tilespmem:s16+$0xFFFFFE50] =	vst v0;
	v0 =	vadd.s32 s15, v6;
	v5 =	vld [tilespmem:s16+$0xFFFFFEB0]  }
0x17e: {  	[tilespmem:s16+$0xFFFFFE60] =	vst v0;
	v0 =	vadd.s32 s15, v2;
	v2 =	vld [tilespmem:s16+$0xFFFFFEC0]  }
0x17f: {  	[tilespmem:s16+$0xFFFFFE70] =	vst v0;
	v0 =	vadd.s32 s15, v1;
	v1 =	vld [tilespmem:s16+$0xFFFFFED0]  }
0x180: {  	[tilespmem:s16+$0xFFFFFE80] =	vst v0;
	v0 =	vadd.s32 s15, v3;
	v3 =	vld [tilespmem:s16+$0xFFFFFEE0]  }
0x181: {  	[tilespmem:s16+$0xFFFFFE90] =	vst v0;
	v0 =	vadd.s32 s15, v4;
	v4 =	vld [tilespmem:s16+$0xFFFFFEF0]  }
0x182: {  	[tilespmem:s16+$0xFFFFFEA0] =	vst v0;
	v0 =	vadd.s32 s15, v5;
	v5 =	vld [tilespmem:s16+$0xFFFFFF00]  }
0x183: {  	[tilespmem:s16+$0xFFFFFEB0] =	vst v0;
	v0 =	vadd.s32 s15, v2;
	v2 =	vld [tilespmem:s16+$0xFFFFFF10]  }
0x184: {  	[tilespmem:s16+$0xFFFFFEC0] =	vst v0;
	v0 =	vadd.s32 s15, v1;
	v1 =	vld [tilespmem:s16+$0xFFFFFF20]  }
0x185: {  	[tilespmem:s16+$0xFFFFFED0] =	vst v0;
	v0 =	vadd.s32 s15, v3;
	v3 =	vld [tilespmem:s16+$0xFFFFFF30]  }
0x186: {  	[tilespmem:s16+$0xFFFFFEE0] =	vst v0;
	v0 =	vadd.s32 s15, v4;
	v4 =	vld [tilespmem:s16+$0xFFFFFF40]  }
0x187: {  	[tilespmem:s16+$0xFFFFFEF0] =	vst v0;
	v0 =	vadd.s32 s15, v5;
	v5 =	vld [tilespmem:s16+$0xFFFFFF50]  }
0x188: {  	[tilespmem:s16+$0xFFFFFF00] =	vst v0;
	v0 =	vadd.s32 s15, v2;
	v2 =	vld [tilespmem:s16+$0xFFFFFF60]  }
0x189: {  	[tilespmem:s16+$0xFFFFFF10] =	vst v0;
	v0 =	vadd.s32 s15, v1;
	v1 =	vld [tilespmem:s16+$0xFFFFFF70]  }
0x18a: {  	[tilespmem:s16+$0xFFFFFF20] =	vst v0;
	v0 =	vadd.s32 s15, v3;
	v3 =	vld [tilespmem:s16+$0xFFFFFF80]  }
0x18b: {  	[tilespmem:s16+$0xFFFFFF30] =	vst v0;
	v0 =	vadd.s32 s15, v4;
	v4 =	vld [tilespmem:s16+$0xFFFFFF90]  }
0x18c: {  	[tilespmem:s16+$0xFFFFFF40] =	vst v0;
	v0 =	vadd.s32 s15, v5;
	v5 =	vld [tilespmem:s16+$0xFFFFFFA0]  }
.Ltmp1:
0x18d: {  	[tilespmem:s16+$0xFFFFFF50] =	vst v0;
	v0 =	vadd.s32 s15, v2;
	v2 =	vld [tilespmem:s16+$0xFFFFFFB0];
	(pc) =	sbr.rel @p1 .LBB2_4-.Ltmp1, $4  }
0x18e: {  	[tilespmem:s16+$0xFFFFFF60] =	vst v0;
	v1 =	vadd.s32 s15, v1;
	v0 =	vld [tilespmem:s16+$0xFFFFFFC0]  }
0x18f: {  	[tilespmem:s16+$0xFFFFFF70] =	vst v1;
	v3 =	vadd.s32 s15, v3;
	v1 =	vld [tilespmem:s16+$0xFFFFFFD0]  }
0x190: {  	[tilespmem:s16+$0xFFFFFF80] =	vst v3;
	v4 =	vadd.s32 s15, v4;
	v3 =	vld [tilespmem:s16+$0xFFFFFFE0]  }
0x191: {  	s15 =	sadd.s32 $0x9C40, s15;
	[tilespmem:s16+$0xFFFFFF90] =	vst v4;
	v5 =	vadd.s32 s14, v5;
	v4 =	vld [tilespmem:s16+$0x0]  }
0x192: {  	[tilespmem:s13+$0xFFFFFFA0] =	vst v5;
	v2 =	vadd.s32 s14, v2;
	v5 =	vld [tilespmem:s13+$0xFFFFFFF0]  }
0x193: {  	[tilespmem:s13+$0xFFFFFFB0] =	vst v2;
	v0 =	vadd.s32 s14, v0  }
0x194: {  	[tilespmem:s13+$0xFFFFFFC0] =	vst v0;
	v0 =	vadd.s32 s14, v1  }
0x195: {  	[tilespmem:s13+$0xFFFFFFD0] =	vst v0;
	v0 =	vadd.s32 s14, v3  }
0x196: {  	[tilespmem:s13+$0xFFFFFFE0] =	vst v0;
	v0 =	vadd.s32 s14, v4  }
0x197: {  	v1 =	vadd.s32 s14, v5;
	[tilespmem:s13+$0x0] =	vst v0  }
0x198: {  	s15 =	rddreg [dreg:$0x5];
	s16 =	simm.s32 $0x8200;
	[tilespmem:s13+$0xFFFFFFF0] =	vst v1  }
0x199: {  	[tilespmem:s16], [sflag:$0x1] =	stream.indirect.gather [spmem:s15], $0x1, s8, s8, $0xb8;
	[tilespmem:$0x19C68] =	vst v63  }
0x19a: {  	_ =	swait.ge [sflag:s11], $0x200  }
0x19b: {  	[sflag:s11] =	ssyncset.done $0x0  }
0x19c: {  	[sflag:s11] =	ssyncadd.s32 $0xFFFFFE00  }
0x19d: {  	_ =	swait.ge [sflag:s11], $0x200  }
0x19e: {  	[sflag:s11] =	ssyncset.done $0x0  }
0x19f: {  	[sflag:s11] =	ssyncadd.s32 $0xFFFFFE00  }
0x1a0: {  	_ =	swait.ge [sflag:s11], $0x200  }
0x1a1: {  	[sflag:s11] =	ssyncset.done $0x0  }
0x1a2: {  	[sflag:s11] =	ssyncadd.s32 $0xFFFFFE00  }
0x1a3: {  	_ =	swait.ge [sflag:s11], $0x200  }
0x1a4: {  	[sflag:s11] =	ssyncset.done $0x0  }
0x1a5: {  	[sflag:s11] =	ssyncadd.s32 $0xFFFFFE00  }
0x1a6: {  	_ =	swait.ge [sflag:s11], $0x200  }
0x1a7: {  	[sflag:s11] =	ssyncset.done $0x0  }
0x1a8: {  	[sflag:s11] =	ssyncadd.s32 $0xFFFFFE00  }
0x1a9: {  	_ =	swait.ge [sflag:s11], $0x200  }
0x1aa: {  	[sflag:s11] =	ssyncset.done $0x0  }
0x1ab: {  	[sflag:s11] =	ssyncadd.s32 $0xFFFFFE00  }
0x1ac: {  	_ =	swait.ge [sflag:s11], $0x200  }
0x1ad: {  	[sflag:s11] =	ssyncset.done $0x0  }
0x1ae: {  	[sflag:s11] =	ssyncadd.s32 $0xFFFFFE00  }
0x1af: {  	_ =	swait.ge [sflag:s11], $0x200  }
0x1b0: {  	[sflag:s11] =	ssyncset.done $0x0  }
0x1b1: {  	[sflag:s11] =	ssyncadd.s32 $0xFFFFFE00  }
0x1b2: {  	_ =	swait.ge [sflag:s11], $0x200  }
0x1b3: {  	[sflag:s11] =	ssyncset.done $0x0  }
0x1b4: {  	[sflag:s11] =	ssyncadd.s32 $0xFFFFFE00  }
0x1b5: {  	_ =	swait.ge [sflag:s11], $0x200  }
0x1b6: {  	[sflag:s11] =	ssyncset.done $0x0  }
0x1b7: {  	[sflag:s11] =	ssyncadd.s32 $0xFFFFFE00  }
0x1b8: {  	_ =	swait.ge [sflag:s11], $0x200  }
0x1b9: {  	[sflag:s11] =	ssyncset.done $0x0  }
0x1ba: {  	[sflag:s11] =	ssyncadd.s32 $0xFFFFFE00  }
0x1bb: {  	_ =	swait.ge [sflag:s11], $0x200  }
0x1bc: {  	[sflag:s11] =	ssyncset.done $0x0  }
0x1bd: {  	[sflag:s11] =	ssyncadd.s32 $0xFFFFFE00  }
0x1be: {  	_ =	swait.ge [sflag:s11], $0x200  }
0x1bf: {  	[sflag:s11] =	ssyncset.done $0x0  }
0x1c0: {  	[sflag:s11] =	ssyncadd.s32 $0xFFFFFE00  }
0x1c1: {  	_ =	swait.ge [sflag:s11], $0x200  }
0x1c2: {  	[sflag:s11] =	ssyncset.done $0x0  }
0x1c3: {  	[sflag:s11] =	ssyncadd.s32 $0xFFFFFE00  }
0x1c4: {  	_ =	swait.ge [sflag:s11], $0x200  }
0x1c5: {  	[sflag:s11] =	ssyncset.done $0x0  }
0x1c6: {  	[sflag:s11] =	ssyncadd.s32 $0xFFFFFE00  }
0x1c7: {  	_ =	swait.ge [sflag:s11], $0x200  }
0x1c8: {  	[sflag:s11] =	ssyncset.done $0x0  }
0x1c9: {  	[sflag:s11] =	ssyncadd.s32 $0xFFFFFE00  }
0x1ca: {  	_ =	swait.ge [sflag:s11], $0x200  }
0x1cb: {  	[sflag:s11] =	ssyncset.done $0x0  }
0x1cc: {  	[sflag:s11] =	ssyncadd.s32 $0xFFFFFE00  }
0x1cd: {  	_ =	swait.ge [sflag:s11], $0x200  }
0x1ce: {  	[sflag:s11] =	ssyncset.done $0x0  }
0x1cf: {  	[sflag:s11] =	ssyncadd.s32 $0xFFFFFE00  }
0x1d0: {  	_ =	swait.ge [sflag:s11], $0x200  }
0x1d1: {  	[sflag:s11] =	ssyncset.done $0x0  }
0x1d2: {  	[sflag:s11] =	ssyncadd.s32 $0xFFFFFE00  }
0x1d3: {  	_ =	swait.ge [sflag:s11], $0x200  }
0x1d4: {  	[sflag:s11] =	ssyncset.done $0x0  }
0x1d5: {  	[sflag:s11] =	ssyncadd.s32 $0xFFFFFE00  }
0x1d6: {  	_ =	swait.ge [sflag:s11], $0x200  }
0x1d7: {  	[sflag:s11] =	ssyncset.done $0x0  }
0x1d8: {  	[sflag:s11] =	ssyncadd.s32 $0xFFFFFE00  }
0x1d9: {  	_ =	swait.ge [sflag:s11], $0x200  }
0x1da: {  	[sflag:s11] =	ssyncset.done $0x0  }
0x1db: {  	[sflag:s11] =	ssyncadd.s32 $0xFFFFFE00  }
0x1dc: {  	_ =	swait.ge [sflag:s11], $0x200  }
0x1dd: {  	[sflag:s11] =	ssyncset.done $0x0  }
0x1de: {  	[sflag:s11] =	ssyncadd.s32 $0xFFFFFE00  }
0x1df: {  	_ =	swait.ge [sflag:s11], $0x200  }
0x1e0: {  	[sflag:s11] =	ssyncset.done $0x0  }
0x1e1: {  	[sflag:s11] =	ssyncadd.s32 $0xFFFFFE00  }
0x1e2: {  	_ =	swait.ge [sflag:s11], $0x200  }
0x1e3: {  	[sflag:s11] =	ssyncset.done $0x0  }
0x1e4: {  	[sflag:s11] =	ssyncadd.s32 $0xFFFFFE00  }
0x1e5: {  	_ =	swait.ge [sflag:s11], $0x200  }
0x1e6: {  	[sflag:s11] =	ssyncset.done $0x0  }
0x1e7: {  	[sflag:s11] =	ssyncadd.s32 $0xFFFFFE00  }
0x1e8: {  	_ =	swait.ge [sflag:s10], $0x1A00  }
0x1e9: {  	[sflag:s10] =	ssyncset.done $0x0  }
0x1ea: {  	s13 =	simm.s32 $0x0;
	[sflag:s10] =	ssyncadd.s32 $0xFFFFE600  }
0x1eb: {  	v0 =	vld [tilespmem:s13+$0x7E00]  }
0x1ec: {  	v2 =	vld [tilespmem:s13+$0x4A00]  }
0x1ed: {  	v1 =	vld [tilespmem:s13+$0x7A00]  }
0x1ee: {  	v3 =	vld [tilespmem:s13+$0x4600]  }
0x1ef: {  	v4 =	vld [tilespmem:s13+$0x7600]  }
0x1f0: {  	v5 =	vld [tilespmem:s13+$0x4200]  }
0x1f1: {  	v6 =	vld [tilespmem:s13+$0x7200]  }
0x1f2: {  	v7 =	vld [tilespmem:s13+$0x3E00]  }
0x1f3: {  	v8 =	vld [tilespmem:s13+$0x6A00]  }
0x1f4: {  	v10 =	vld [tilespmem:s13+$0x3600]  }
0x1f5: {  	v9 =	vld [tilespmem:s13+$0x6E00]  }
0x1f6: {  	v11 =	vld [tilespmem:s13+$0x3A00]  }
0x1f7: {  	v12 =	vld [tilespmem:s13+$0x6C00]  }
0x1f8: {  	s14 =	simm.s32 $0x40;
	v13 =	vld [tilespmem:s13+$0x6800]  }
.LBB2_6:
0x1f9: {  	p1 =	sne.s32 s14, $0x7C0;
	v14 =	vld [tilespmem:s13+$0x3400]  }
0x1fa: {  	v15 =	vld [tilespmem:s13+$0x3800]  }
0x1fb: {  	v16 =	vld [tilespmem:$0x9E00]  }
0x1fc: {  	v17 =	vld [tilespmem:s13+$0x7000]  }
0x1fd: {  	v18 =	vld [tilespmem:s13+$0x3C00]  }
0x1fe: {  	v13 =	vmul.f32 v14, v13;
	v14 =	vld [tilespmem:s13+$0x7400]  }
0x1ff: {  	v19 =	vld [tilespmem:s13+$0x4000]  }
0x200: {  	v12 =	vmul.f32 v15, v12;
	v13 =	vadd.f32 v13, v16;
	v15 =	vld [tilespmem:s13+$0x7800]  }
0x201: {  	v8 =	vmul.f32 v10, v8;
	v10 =	vld [tilespmem:s13+$0x4400]  }
0x202: {  	v9 =	vmul.f32 v11, v9;
	v12 =	vadd.f32 v12, v13;
	v11 =	vmul.f32 v18, v17;
	v13 =	vld [tilespmem:s13+$0x7C00]  }
0x203: {  	v6 =	vmul.f32 v7, v6;
	v7 =	vld [tilespmem:s13+$0x4800]  }
0x204: {  	v8 =	vadd.f32 v9, v8;
	v9 =	vadd.f32 v11, v12;
	v11 =	vmul.f32 v19, v14;
	v12 =	vld [tilespmem:s13+$0x8000]  }
0x205: {  	s15 =	sshra.s32 s14, $0x2;
	v4 =	vmul.f32 v5, v4;
	v5 =	vld [tilespmem:s13+$0x4C00]  }
0x206: {  	v6 =	vadd.f32 v6, v8;
	v14 =	vld [tilespmem:s15+$0x7E00];
	v8 =	vadd.f32 v11, v9;
	v9 =	vmul.f32 v10, v15  }
0x207: {  	v11 =	vmul.f32 v3, v1;
	v10 =	vld [tilespmem:s15+$0x4A00]  }
0x208: {  	v6 =	vadd.f32 v4, v6;
	v1 =	vld [tilespmem:s15+$0x7A00];
	v8 =	vadd.f32 v9, v8;
	v7 =	vmul.f32 v7, v13  }
0x209: {  	v13 =	vmul.f32 v2, v0;
	v3 =	vld [tilespmem:s15+$0x4600]  }
0x20a: {  	v9 =	vadd.f32 v11, v6;
	v4 =	vld [tilespmem:s15+$0x7600];
	v7 =	vadd.f32 v7, v8;
	v8 =	vmul.f32 v5, v12  }
0x20b: {  	v5 =	vld [tilespmem:s15+$0x4200];
	v0 =	vmov v14  }
0x20c: {  	v9 =	vadd.f32 v13, v9;
	v6 =	vld [tilespmem:s15+$0x7200];
	v11 =	vadd.f32 v8, v7;
	v2 =	vmov v10  }
0x20d: {  	v7 =	vld [tilespmem:s15+$0x3E00]  }
0x20e: {  	v8 =	vld [tilespmem:s15+$0x6A00];
	v11 =	vadd.f32 v11, v9  }
.Ltmp2:
0x20f: {  	v10 =	vld [tilespmem:s15+$0x3600];
	(pc) =	sbr.rel @p1 .LBB2_6-.Ltmp2, $4  }
0x210: {  	v9 =	vld [tilespmem:s15+$0x6E00];
	[tilespmem:s13+$0x9C00] =	vst v11;
	s13 =	smov.u32 s15  }
0x211: {  	v11 =	vld [tilespmem:s13+$0x3A00]  }
0x212: {  	v12 =	vld [tilespmem:s13+$0x6C00]  }
0x213: {  	s14 =	sadd.s32 $0x40, s14;
	v13 =	vld [tilespmem:s13+$0x6800]  }
0x214: {  	v14 =	vld [tilespmem:s13+$0x3400]  }
0x215: {  	v15 =	vld [tilespmem:s13+$0x3800]  }
0x216: {  	v16 =	vld [tilespmem:$0x9E00]  }
0x217: {  	v17 =	vld [tilespmem:s13+$0x7000]  }
0x218: {  	v18 =	vld [tilespmem:s13+$0x3C00]  }
0x219: {  	v19 =	vld [tilespmem:s13+$0x4000];
	v13 =	vmul.f32 v14, v13  }
0x21a: {  	v14 =	vld [tilespmem:s13+$0x7400]  }
0x21b: {  	v8 =	vmul.f32 v10, v8;
	v10 =	vld [tilespmem:s13+$0x4400];
	v12 =	vmul.f32 v15, v12;
	v13 =	vadd.f32 v13, v16  }
0x21c: {  	v6 =	vmul.f32 v7, v6;
	v15 =	vld [tilespmem:s13+$0x7800]  }
0x21d: {  	v7 =	vld [tilespmem:s13+$0x4800];
	v9 =	vmul.f32 v11, v9;
	v11 =	vmul.f32 v18, v17;
	v12 =	vadd.f32 v12, v13  }
0x21e: {  	v4 =	vmul.f32 v5, v4;
	v13 =	vld [tilespmem:s13+$0x7C00]  }
0x21f: {  	v5 =	vld [tilespmem:s13+$0x4C00];
	v8 =	vadd.f32 v9, v8;
	v9 =	vadd.f32 v11, v12;
	v11 =	vmul.f32 v19, v14  }
0x220: {  	v12 =	vld [tilespmem:s13+$0x8000]  }
0x221: {  	v6 =	vadd.f32 v6, v8;
	v8 =	vadd.f32 v11, v9;
	v9 =	vmul.f32 v10, v15  }
0x222: {  	v1 =	vmul.f32 v3, v1  }
0x223: {  	v3 =	vadd.f32 v4, v6;
	v6 =	vmul.f32 v7, v13;
	v4 =	vadd.f32 v9, v8  }
0x224: {  	v0 =	vmul.f32 v2, v0  }
0x225: {  	v1 =	vadd.f32 v1, v3;
	v3 =	vmul.f32 v5, v12;
	v2 =	vadd.f32 v6, v4;
	_ =	sdelay $0x1  }
0x226: {  	v0 =	vadd.f32 v0, v1;
	v1 =	vadd.f32 v3, v2;
	_ =	sdelay $0x1  }
0x227: {  	v0 =	vadd.f32 v1, v0;
	_ =	sdelay $0x1  }
0x228: {  	[tilespmem:s13+$0x9C00] =	vst v0  }
0x229: {  	_ =	swait.ge [sflag:s10], $0x1A00  }
0x22a: {  	[sflag:s10] =	ssyncset.done $0x0  }
0x22b: {  	s13 =	simm.s32 $0x0;
	[sflag:s10] =	ssyncadd.s32 $0xFFFFE600  }
0x22c: {  	v0 =	vld [tilespmem:s13+$0x9800]  }
0x22d: {  	v2 =	vld [tilespmem:s13+$0x6400]  }
0x22e: {  	v1 =	vld [tilespmem:s13+$0x9400]  }
0x22f: {  	v3 =	vld [tilespmem:s13+$0x6000]  }
0x230: {  	v4 =	vld [tilespmem:s13+$0x9000]  }
0x231: {  	v5 =	vld [tilespmem:s13+$0x5C00]  }
0x232: {  	v6 =	vld [tilespmem:s13+$0x8C00]  }
0x233: {  	v7 =	vld [tilespmem:s13+$0x5800]  }
0x234: {  	v9 =	vld [tilespmem:s13+$0x8800]  }
0x235: {  	v10 =	vld [tilespmem:s13+$0x5400]  }
0x236: {  	v8 =	vld [tilespmem:s13+$0x8A00]  }
0x237: {  	v11 =	vld [tilespmem:s13+$0x8200]  }
0x238: {  	v13 =	vld [tilespmem:s13+$0x4E00]  }
0x239: {  	v12 =	vld [tilespmem:s13+$0x8400]  }
0x23a: {  	v14 =	vld [tilespmem:s13+$0x5000]  }
0x23b: {  	s14 =	simm.s32 $0x40;
	v15 =	vld [tilespmem:s13+$0x8600]  }
.LBB2_8:
0x23c: {  	p1 =	sne.s32 s14, $0x7C0;
	v16 =	vld [tilespmem:s13+$0x5200]  }
0x23d: {  	v17 =	vld [tilespmem:s13+$0x5600]  }
0x23e: {  	v18 =	vld [tilespmem:s13+$0x9C00]  }
0x23f: {  	v19 =	vld [tilespmem:s13+$0x8E00]  }
0x240: {  	v11 =	vmul.f32 v13, v11;
	v13 =	vld [tilespmem:s13+$0x5A00]  }
0x241: {  	v12 =	vmul.f32 v14, v12;
	v14 =	vmul.f32 v16, v15;
	v15 =	vld [tilespmem:s13+$0x9200]  }
0x242: {  	v9 =	vmul.f32 v10, v9;
	v10 =	vld [tilespmem:s13+$0x5E00]  }
0x243: {  	v8 =	vmul.f32 v17, v8;
	v12 =	vadd.f32 v12, v18;
	v11 =	vadd.f32 v14, v11;
	v14 =	vld [tilespmem:s13+$0x9600]  }
0x244: {  	v6 =	vmul.f32 v7, v6;
	v7 =	vld [tilespmem:s13+$0x6200]  }
0x245: {  	v9 =	vadd.f32 v9, v12;
	v8 =	vadd.f32 v8, v11;
	v11 =	vmul.f32 v13, v19;
	v12 =	vld [tilespmem:s13+$0x9A00]  }
0x246: {  	s15 =	sshra.s32 s14, $0x2;
	v4 =	vmul.f32 v5, v4;
	v5 =	vld [tilespmem:s13+$0x6600]  }
0x247: {  	v13 =	vld [tilespmem:s15+$0x9800];
	v6 =	vadd.f32 v6, v9;
	v8 =	vadd.f32 v11, v8;
	v9 =	vmul.f32 v10, v15  }
0x248: {  	v11 =	vmul.f32 v3, v1;
	v10 =	vld [tilespmem:s15+$0x6400]  }
0x249: {  	v1 =	vld [tilespmem:s15+$0x9400];
	v6 =	vadd.f32 v4, v6;
	v8 =	vadd.f32 v9, v8;
	v7 =	vmul.f32 v7, v14  }
0x24a: {  	v14 =	vmul.f32 v2, v0;
	v3 =	vld [tilespmem:s15+$0x6000]  }
0x24b: {  	v4 =	vld [tilespmem:s15+$0x9000];
	v9 =	vadd.f32 v11, v6;
	v7 =	vadd.f32 v7, v8;
	v8 =	vmul.f32 v5, v12  }
0x24c: {  	v5 =	vld [tilespmem:s15+$0x5C00];
	v0 =	vmov v13  }
0x24d: {  	v6 =	vld [tilespmem:s15+$0x8C00];
	v11 =	vadd.f32 v14, v9;
	v8 =	vadd.f32 v8, v7;
	v2 =	vmov v10  }
0x24e: {  	v7 =	vld [tilespmem:s15+$0x5800]  }
0x24f: {  	v9 =	vld [tilespmem:s15+$0x8800];
	v11 =	vadd.f32 v8, v11  }
0x250: {  	v10 =	vld [tilespmem:s15+$0x5400]  }
0x251: {  	v8 =	vld [tilespmem:s15+$0x8A00];
	[tilespmem:s13+$0x9C00] =	vst v11;
	s13 =	smov.u32 s15  }
.Ltmp3:
0x252: {  	v11 =	vld [tilespmem:s13+$0x8200];
	(pc) =	sbr.rel @p1 .LBB2_8-.Ltmp3, $4  }
0x253: {  	v13 =	vld [tilespmem:s13+$0x4E00]  }
0x254: {  	v12 =	vld [tilespmem:s13+$0x8400]  }
0x255: {  	v14 =	vld [tilespmem:s13+$0x5000]  }
0x256: {  	s14 =	sadd.s32 $0x40, s14;
	v15 =	vld [tilespmem:s13+$0x8600]  }
0x257: {  	v16 =	vld [tilespmem:s13+$0x5200]  }
0x258: {  	v17 =	vld [tilespmem:s13+$0x5600]  }
0x259: {  	v18 =	vld [tilespmem:s13+$0x9C00]  }
0x25a: {  	v19 =	vld [tilespmem:s13+$0x8E00]  }
0x25b: {  	v48 =	vld [tilespmem:s13+$0x5A00];
	v11 =	vmul.f32 v13, v11  }
0x25c: {  	v50 =	vld [tilespmem:s13+$0x9200];
	v12 =	vmul.f32 v14, v12;
	v49 =	vmul.f32 v16, v15  }
0x25d: {  	v9 =	vmul.f32 v10, v9;
	v51 =	vld [tilespmem:s13+$0x5E00]  }
0x25e: {  	v52 =	vld [tilespmem:s13+$0x9600];
	v12 =	vadd.f32 v12, v18;
	v8 =	vmul.f32 v17, v8;
	v11 =	vadd.f32 v49, v11  }
0x25f: {  	v6 =	vmul.f32 v7, v6;
	v53 =	vld [tilespmem:s13+$0x6200]  }
0x260: {  	v55 =	vld [tilespmem:s13+$0x9A00];
	v54 =	vmul.f32 v48, v19;
	v9 =	vadd.f32 v9, v12;
	v8 =	vadd.f32 v8, v11  }
0x261: {  	v4 =	vmul.f32 v5, v4;
	v56 =	vld [tilespmem:s13+$0x6600]  }
0x262: {  	v57 =	vmul.f32 v51, v50;
	v6 =	vadd.f32 v6, v9;
	v8 =	vadd.f32 v54, v8  }
0x263: {  	v1 =	vmul.f32 v3, v1  }
0x264: {  	v60 =	vmul.f32 v53, v52;
	v58 =	vadd.f32 v4, v6;
	v59 =	vadd.f32 v57, v8  }
0x265: {  	v0 =	vmul.f32 v2, v0  }
0x266: {  	v62 =	vmul.f32 v56, v55;
	v1 =	vadd.f32 v1, v58;
	v61 =	vadd.f32 v60, v59;
	_ =	sdelay $0x1  }
0x267: {  	v0 =	vadd.f32 v0, v1;
	v63 =	vadd.f32 v62, v61;
	_ =	sdelay $0x1  }
0x268: {  	v0 =	vadd.f32 v63, v0;
	_ =	sdelay $0x1  }
0x269: {  	s15 =	rddreg [dreg:$0x16];
	s14 =	simm.s32 $0x9C00;
	[tilespmem:s13+$0x9C00] =	vst v0  }
0x26a: {  	[hbm4b:s15+s3] =	stream.linear.scatter [tilespmem:s14], [sflag:$0x4], $0x200, $0x38;
	[tilespmem:$0x19C68] =	vst v63  }
0x26b: {  	_ =	swait.ge [sflag:s9], $0x200  }
0x26c: {  	s12 =	sadd.s32 $0x1, s12;
	s16 =	rddreg [dreg:$0x18]  }
0x26d: {  	p1 =	sne.s32 s12, s16  }
.Ltmp4:
0x26e: {  	_ = 	snop;
	(pc) =	sbr.rel @p1 .LBB2_1-.Ltmp4, $3  }
0x26f: {  	_ =	sdelay $0x1  }
0x270: {  	[sflag:s9] =	ssyncset.done $0x0  }
0x271: {  	[sflag:s9] =	ssyncadd.s32 $0xFFFFFE00  }
0x272: {  	_ =	sfence.sel $0x180000  }
0x273: {  	[bflag:$0x0] =	sbarrier.arrive $0xFFFF  }
0x274: {  	_ =	strace $0x90000047  }
0x275: {  	s0 =	stileid.u32;
	[bflag:$0x2] =	sbarrier.arrive $0xFFFF  }
0x276: {  	p0 =	sne.s32 s0, $0x0;
	s0 =	rddreg [dreg:$0x6]  }
0x277: {  	s0 =	sadd.s32 @!p0 $0x100000, s0  }
0x278: {  	[sflag:s0] =	ssyncadd.tile.s32 @!p0 $0x1;
	_ =	shalt  }
.Lfunc_end2:
_tile_overlayer_lowered:
.L_overlay_start_2:
0x279: {  	(tag) =	ssettag $0x2  }
0x27a: {  	s0 =	rddreg [dreg:$0x0];
	s2 =	stileid.u32  }
0x27b: {  	s1 =	rddreg [dreg:$0x1];
	p0 =	sne.s32 s2, $0x0  }
0x27c: {  	s3 =	rddreg [dreg:$0x2];
	[bflag:$0x3] =	sbarrier.arrive $0xFFFF;
	s2 =	simm.s32 @!p0 $0x1C04  }
0x27d: {  	[timem:s3], [sflag:s2] =	dma.local @!p0 [hbm:s0], s1  }
0x27e: {  	s0 =	simm.s32 @!p0 $0x4  }
0x27f: {  	_ =	swait.ge @!p0 [sflag:s0], s1  }
0x280: {  	s1 =	ssub.s32 @!p0 $0x0, s1;
	[sflag:s0] =	ssyncset.done @!p0 $0x0  }
0x281: {  	[sflag:s0] =	ssyncadd.s32 @!p0 s1  }
0x282: {  	[bflag:$0x3] =	sbarrier.arrive $0xFFFF  }
0x283: {  	_ =	shalt  }

</sc_bundles>
